<compile_context>
chip_gen: v7x
topology: tpu7x:2x2x1
jax: 0.10.2.dev20260603
libtpu: 0.0.44.dev20260713+nightly
codegen_flags: <defaults>
</compile_context>

<pallas_src>
import functools

import jax
import jax.numpy as jnp
from jax import lax
from jax.experimental import pallas as pl
from jax.experimental.pallas import tpu as pltpu
from jax.experimental.pallas import tpu_sc as plsc

T = 4096
D = 1024
E = 16
HE = 256
HR = 256
K = 2
TB = 128
NBLK = T // TB
SLOTS = T * K
BT = 128
PMAX = SLOTS + E * BT
NTILES = PMAX // BT
NW = 32
SPW = SLOTS // NW
CHUNK = 32
NCH = SPW // CHUNK

_f32 = jnp.float32
_i32 = jnp.int32
_bf16 = jnp.bfloat16



def _router_body(x_ref, gw_ref, w3_ref, x16_ref, pos3_ref, meta_ref,
                 carry, e_all, r_all, triu):
    i = pl.program_id(0)

    @pl.when(i == 0)
    def _():
        carry[...] = jnp.zeros_like(carry)
        t0 = lax.broadcasted_iota(_i32, (2 * TB, 2 * TB), 0)
        t1 = lax.broadcasted_iota(_i32, (2 * TB, 2 * TB), 1)
        triu[...] = (t0 < t1).astype(_f32)

    @pl.when(i < NBLK)
    def _():
        xb = x_ref[...]
        x16_ref[...] = xb.astype(_bf16)
        logits = jnp.dot(xb, gw_ref[...], preferred_element_type=_f32)
        lt = logits.T
        m = jnp.max(lt, axis=0, keepdims=True)
        p = jnp.exp(lt - m)
        s = jnp.sum(p, axis=0)

        i1 = jnp.argmax(p, axis=0)
        subl = lax.broadcasted_iota(_i32, (E, TB), 0)
        oh1 = subl == i1[None, :]
        v1 = jnp.max(p, axis=0)
        p2 = jnp.where(oh1, -1.0, p)
        i2 = jnp.argmax(p2, axis=0)
        oh2 = subl == i2[None, :]
        v2 = jnp.max(p2, axis=0)

        w3_ref[0, 0] = v1 / s
        w3_ref[0, 1] = v2 / s
        e_slots = jnp.concatenate([i1, i2], axis=0).astype(_i32)
        e_all[pl.ds(i, 1), :] = e_slots.reshape(1, 2 * TB)

        ohT = jnp.concatenate([oh1, oh2], axis=1).astype(_f32)
        local = jnp.dot(ohT, triu[...], preferred_element_type=_f32)
        rank = jnp.sum((local + carry[...]) * ohT, axis=0)
        r_all[pl.ds(i, 1), :] = rank.reshape(1, 2 * TB)

        carry[...] = carry[...] + jnp.sum(ohT, axis=1, keepdims=True)

    @pl.when(i == NBLK)
    def _():
        c = carry[...]
        pc = jnp.ceil(c / BT) * BT
        r0 = lax.broadcasted_iota(_i32, (E, E), 0)
        r1 = lax.broadcasted_iota(_i32, (E, E), 1)
        tri_l = (r1 < r0).astype(_f32)
        off = jnp.dot(tri_l, pc, preferred_element_type=_f32)

        e = e_all[...]
        acc = jnp.zeros((NBLK, 2 * TB), _f32)
        for ee in range(E):
            acc = acc + jnp.where(e == ee, off[ee:ee + 1, 0:1], 0.0)
        pos3_ref[...] = (acc + r_all[...]).astype(_i32).reshape(NBLK, 1, 2 * TB)

        cum = off + pc
        ts = lax.broadcasted_iota(_i32, (E, TB), 1).astype(_f32) * BT
        te = jnp.sum((ts >= cum).astype(_f32), axis=0)
        te = jnp.minimum(te, float(E - 1))
        total = jnp.sum(pc)
        lane = lax.broadcasted_iota(_i32, (1, TB), 1)
        vec = jnp.where(lane < NTILES, te.reshape(1, TB),
                        jnp.where(lane == NTILES, total, 0.0))
        meta_ref[...] = vec.astype(_i32)


def _router(x, gate_W):
    clamp = NBLK - 1
    return pl.pallas_call(
        _router_body,
        grid=(NBLK + 1,),
        in_specs=[
            pl.BlockSpec((TB, D), lambda i: (jnp.minimum(i, clamp), 0)),
            pl.BlockSpec((D, E), lambda i: (0, 0)),
        ],
        out_specs=[
            pl.BlockSpec((1, 2, TB), lambda i: (jnp.minimum(i, clamp), 0, 0)),
            pl.BlockSpec((TB, D), lambda i: (jnp.minimum(i, clamp), 0)),
            pl.BlockSpec((NBLK, 1, 2 * TB), lambda i: (0, 0, 0)),
            pl.BlockSpec((1, TB), lambda i: (0, 0)),
        ],
        out_shape=[
            jax.ShapeDtypeStruct((NBLK, 2, TB), _f32),
            jax.ShapeDtypeStruct((T, D), _bf16),
            jax.ShapeDtypeStruct((NBLK, 1, 2 * TB), _i32),
            jax.ShapeDtypeStruct((1, TB), _i32),
        ],
        scratch_shapes=[
            pltpu.VMEM((E, 1), _f32),
            pltpu.VMEM((NBLK, 2 * TB), _i32),
            pltpu.VMEM((NBLK, 2 * TB), _f32),
            pltpu.VMEM((2 * TB, 2 * TB), _f32),
        ],
        compiler_params=pltpu.CompilerParams(
            dimension_semantics=("arbitrary",)),
    )(x, gate_W)



def _sc_permute(x, pos3d, tok3d):
    mesh = plsc.VectorSubcoreMesh(core_axis_name="c", subcore_axis_name="s")

    @functools.partial(
        pl.kernel, mesh=mesh,
        out_type=jax.ShapeDtypeStruct((PMAX, D), _f32),
        scratch_types=[
            pltpu.VMEM((NCH, CHUNK), _i32),
            pltpu.VMEM((NCH, CHUNK), _i32),
            pltpu.VMEM((CHUNK, D), _f32),
            pltpu.VMEM((CHUNK, D), _f32),
            pltpu.SemaphoreType.DMA,
            pltpu.SemaphoreType.DMA,
            pltpu.SemaphoreType.DMA,
            pltpu.SemaphoreType.DMA,
        ],
    )
    def k(x_hbm, pos_hbm, tok_hbm, out_hbm,
          tok_v, pos_v, rows0, rows1, g0, g1, s0, s1):
        wid = lax.axis_index("s") * 2 + lax.axis_index("c")
        pltpu.sync_copy(tok_hbm.at[wid], tok_v)
        pltpu.sync_copy(pos_hbm.at[wid], pos_v)
        rows = (rows0, rows1)
        gsem = (g0, g1)
        ssem = (s0, s1)
        gd = [None] * NCH
        sd = [None] * NCH
        gd[0] = pltpu.async_copy(x_hbm.at[tok_v.at[0]], rows[0], gsem[0])
        for ch in range(NCH):
            b = ch % 2
            if ch > 0:
                sd[ch - 1].wait()
            if ch + 1 < NCH:
                gd[ch + 1] = pltpu.async_copy(
                    x_hbm.at[tok_v.at[ch + 1]], rows[1 - b], gsem[1 - b])
            gd[ch].wait()
            sd[ch] = pltpu.async_copy(rows[b], out_hbm.at[pos_v.at[ch]],
                                      ssem[b])
        sd[NCH - 1].wait()

    return k(x, pos3d, tok3d)


def _sc_gather(y, pos3d):
    mesh = plsc.VectorSubcoreMesh(core_axis_name="c", subcore_axis_name="s")

    @functools.partial(
        pl.kernel, mesh=mesh,
        out_type=jax.ShapeDtypeStruct((SLOTS, D), _f32),
        scratch_types=[
            pltpu.VMEM((NCH, CHUNK), _i32),
            pltpu.VMEM((CHUNK, D), _f32),
            pltpu.VMEM((CHUNK, D), _f32),
            pltpu.SemaphoreType.DMA,
            pltpu.SemaphoreType.DMA,
            pltpu.SemaphoreType.DMA,
            pltpu.SemaphoreType.DMA,
        ],
    )
    def k(y_hbm, pos_hbm, out_hbm, pos_v, rows0, rows1, g0, g1, s0, s1):
        wid = lax.axis_index("s") * 2 + lax.axis_index("c")
        base = wid * SPW
        pltpu.sync_copy(pos_hbm.at[wid], pos_v)
        rows = (rows0, rows1)
        gsem = (g0, g1)
        ssem = (s0, s1)
        gd = [None] * NCH
        sd = [None] * NCH
        gd[0] = pltpu.async_copy(y_hbm.at[pos_v.at[0]], rows[0], gsem[0])
        for ch in range(NCH):
            b = ch % 2
            if ch > 0:
                sd[ch - 1].wait()
            if ch + 1 < NCH:
                gd[ch + 1] = pltpu.async_copy(
                    y_hbm.at[pos_v.at[ch + 1]], rows[1 - b], gsem[1 - b])
            gd[ch].wait()
            sd[ch] = pltpu.async_copy(
                rows[b], out_hbm.at[pl.ds(base + ch * CHUNK, CHUNK)], ssem[b])
        sd[NCH - 1].wait()

    return k(y, pos3d)



def _grouped_body(meta_ref, xs_ref, wg_ref, wu_ref, wd_ref,
                  bg_ref, bu_ref, bd_ref, y_ref):
    i = pl.program_id(0)

    @pl.when(i * BT < meta_ref[NTILES])
    def _():
        xt = xs_ref[...]
        g = jnp.dot(xt, wg_ref[0], preferred_element_type=_f32) + bg_ref[0, 0]
        u = jnp.dot(xt, wu_ref[0], preferred_element_type=_f32) + bu_ref[0, 0]
        h = jax.nn.silu(g) * u
        y = jnp.dot(h, wd_ref[0], preferred_element_type=_f32)
        y_ref[...] = y + bd_ref[0, 0]


def _grouped(meta, xs, wg, wu, wd, bg, bu, bd):
    def _act(i, m):
        return jnp.minimum(i, m[NTILES] // BT - 1)

    grid_spec = pltpu.PrefetchScalarGridSpec(
        num_scalar_prefetch=1,
        grid=(NTILES,),
        in_specs=[
            pl.BlockSpec((BT, D), lambda i, m: (_act(i, m), 0)),
            pl.BlockSpec((1, D, HE), lambda i, m: (m[_act(i, m)], 0, 0)),
            pl.BlockSpec((1, D, HE), lambda i, m: (m[_act(i, m)], 0, 0)),
            pl.BlockSpec((1, HE, D), lambda i, m: (m[_act(i, m)], 0, 0)),
            pl.BlockSpec((1, 1, HE), lambda i, m: (m[_act(i, m)], 0, 0)),
            pl.BlockSpec((1, 1, HE), lambda i, m: (m[_act(i, m)], 0, 0)),
            pl.BlockSpec((1, 1, D), lambda i, m: (m[_act(i, m)], 0, 0)),
        ],
        out_specs=pl.BlockSpec((BT, D), lambda i, m: (_act(i, m), 0)),
    )
    return pl.pallas_call(
        _grouped_body,
        grid_spec=grid_spec,
        out_shape=jax.ShapeDtypeStruct((PMAX, D), _f32),
        compiler_params=pltpu.CompilerParams(
            dimension_semantics=("arbitrary",)),
    )(meta, xs, wg, wu, wd, bg, bu, bd)



def _combine_body(x_ref, z_ref, w3_ref, wrg_ref, wru_ref, wrd_ref,
                  brg_ref, bru_ref, brd_ref, out_ref):
    zb = z_ref[...]
    w1 = w3_ref[0, 0]
    w2 = w3_ref[0, 1]
    moe = w1[:, None] * zb[:TB] + w2[:, None] * zb[TB:]
    xt = x_ref[...].astype(_f32)
    g = jnp.dot(xt, wrg_ref[...], preferred_element_type=_f32) + brg_ref[...]
    u = jnp.dot(xt, wru_ref[...], preferred_element_type=_f32) + bru_ref[...]
    h = jax.nn.silu(g) * u
    res = jnp.dot(h, wrd_ref[...], preferred_element_type=_f32) + brd_ref[...]
    out_ref[...] = moe + res


def _combine(x16, z, w3, wrg, wru, wrd, brg, bru, brd):
    return pl.pallas_call(
        _combine_body,
        grid=(NBLK,),
        in_specs=[
            pl.BlockSpec((TB, D), lambda i: (i, 0)),
            pl.BlockSpec((2 * TB, D), lambda i: (i, 0)),
            pl.BlockSpec((1, 2, TB), lambda i: (i, 0, 0)),
            pl.BlockSpec((D, HR), lambda i: (0, 0)),
            pl.BlockSpec((D, HR), lambda i: (0, 0)),
            pl.BlockSpec((HR, D), lambda i: (0, 0)),
            pl.BlockSpec((1, HR), lambda i: (0, 0)),
            pl.BlockSpec((1, HR), lambda i: (0, 0)),
            pl.BlockSpec((1, D), lambda i: (0, 0)),
        ],
        out_specs=pl.BlockSpec((TB, D), lambda i: (i, 0)),
        out_shape=jax.ShapeDtypeStruct((T, D), _f32),
        compiler_params=pltpu.CompilerParams(
            dimension_semantics=("arbitrary",)),
    )(x16, z, w3, wrg, wru, wrd, brg, bru, brd)



def kernel(x, gate_W, W_gate, W_up, W_down, b_gate, b_up, b_down,
           Wr_gate, Wr_up, Wr_down, br_gate, br_up, br_down):
    w3, x16, pos3, meta = _router(x, gate_W)
    pos3d = pos3.reshape(NW, NCH, CHUNK)
    meta = meta.reshape(TB)
    sidx = jnp.arange(SLOTS, dtype=_i32)
    tok3d = ((sidx // (2 * TB)) * TB + sidx % TB).reshape(NW, NCH, CHUNK)

    xs = _sc_permute(x, pos3d, tok3d)
    y = _grouped(meta, xs, W_gate, W_up, W_down,
                 b_gate.reshape(E, 1, HE), b_up.reshape(E, 1, HE),
                 b_down.reshape(E, 1, D))
    z = _sc_gather(y, pos3d)

    return _combine(x16, z, w3, Wr_gate, Wr_up, Wr_down,
                    br_gate.reshape(1, HR), br_up.reshape(1, HR),
                    br_down.reshape(1, D))

# --- scband reference (transcript-rebuilt; emitter-appended) ---
"""Pipeline reference for scband-linear-glumo-eresidual-layer-25254407700729 (READ-ONLY COPY).

The authoritative reference and input builder live on the scoring server;
editing this copy changes nothing except your own understanding.
"""

import jax, jax.numpy as jnp
import numpy as np

D = 1024
H = 4096
E = 16
HE = H // E  # 256 per-expert hidden
K = 2
T = 4096
HR = HE * 1  # residual hidden = hidden_size // num_experts * num_experts_residual


def setup_inputs(seed: int = 0) -> dict:
    key = jax.random.key(seed)
    ks = jax.random.split(key, 16)
    s = 0.02
    inp = {
        "x": jax.random.normal(ks[0], (T, D), dtype=jnp.float32),
        "gate_W": jax.random.normal(ks[1], (D, E), dtype=jnp.float32) * s,
        "W_gate": jax.random.normal(ks[2], (E, D, HE), dtype=jnp.float32) * s,
        "W_up": jax.random.normal(ks[3], (E, D, HE), dtype=jnp.float32) * s,
        "W_down": jax.random.normal(ks[4], (E, HE, D), dtype=jnp.float32) * s,
        "b_gate": jnp.zeros((E, HE), dtype=jnp.float32),
        "b_up": jnp.zeros((E, HE), dtype=jnp.float32),
        "b_down": jnp.zeros((E, D), dtype=jnp.float32),
        "Wr_gate": jax.random.normal(ks[5], (D, HR), dtype=jnp.float32) * s,
        "Wr_up": jax.random.normal(ks[6], (D, HR), dtype=jnp.float32) * s,
        "Wr_down": jax.random.normal(ks[7], (HR, D), dtype=jnp.float32) * s,
        "br_gate": jnp.zeros((HR,), dtype=jnp.float32),
        "br_up": jnp.zeros((HR,), dtype=jnp.float32),
        "br_down": jnp.zeros((D,), dtype=jnp.float32),
    }
    return inp


def reference(x, gate_W, W_gate, W_up, W_down, b_gate, b_up, b_down,
              Wr_gate, Wr_up, Wr_down, br_gate, br_up, br_down):
    # --- main MoE layer: TopK softmax gate + GLU experts, multiply_gate_scores ---
    logits = x @ gate_W                      # [T, E]
    probs = jax.nn.softmax(logits, axis=-1)  # gate_use_softmax=True
    top_vals, top_idx = jax.lax.top_k(probs, K)  # [T, K]
    # combine weights: softmax prob at selected experts, zero elsewhere
    combine = jnp.sum(jax.nn.one_hot(top_idx, E, dtype=x.dtype) * top_vals[..., None], axis=1)  # [T, E]
    # dense per-expert GLU (mathematically identical to sparse dispatch; zero weight for unselected)
    g = jax.nn.silu(jnp.einsum('td,edh->teh', x, W_gate) + b_gate[None])   # [T, E, HE]
    u = jnp.einsum('td,edh->teh', x, W_up) + b_up[None]                     # [T, E, HE]
    y = jnp.einsum('teh,ehd->ted', g * u, W_down) + b_down[None]            # [T, E, D]
    moe_out = jnp.einsum('ted,te->td', y, combine)                          # [T, D]
    # --- residual block: 1 expert, UniformPlainGate(softmax of uniform) -> weight 1.0, scale 1.0 ---
    rg = jax.nn.silu(x @ Wr_gate + br_gate)
    ru = x @ Wr_up + br_up
    res = (rg * ru) @ Wr_down + br_down                                      # [T, D]
    return moe_out + res

if __name__ == "__main__":
    import jax
    _d = setup_inputs()
    print(jax.jit(kernel)(*tuple(_d.values())))

</pallas_src>

<mosaic_0001>
#map = affine_map<(d0, d1) -> (0, 0)>
#map1 = affine_map<(d0, d1) -> (0, 0, 0)>
module attributes {stable_mosaic.version = 14 : i64} {
  func.func @k(%arg0: i32, %arg1: i32, %arg2: memref<4096x1024xf32, #tpu.memory_space<hbm>>, %arg3: memref<32x8x32xi32, #tpu.memory_space<hbm>>, %arg4: memref<32x8x32xi32, #tpu.memory_space<hbm>>, %arg5: memref<10240x1024xf32, #tpu.memory_space<hbm>>, %arg6: memref<8x32xi32, #tpu.memory_space<vmem>>, %arg7: memref<8x32xi32, #tpu.memory_space<vmem>>, %arg8: memref<32x1024xf32, #tpu.memory_space<vmem>>, %arg9: memref<32x1024xf32, #tpu.memory_space<vmem>>, %arg10: memref<!tpu.dma_semaphore, #tpu.memory_space<semaphore_mem>>, %arg11: memref<!tpu.dma_semaphore, #tpu.memory_space<semaphore_mem>>, %arg12: memref<!tpu.dma_semaphore, #tpu.memory_space<semaphore_mem>>, %arg13: memref<!tpu.dma_semaphore, #tpu.memory_space<semaphore_mem>>) attributes {dimension_semantics = [#tpu.dimension_semantics<core_parallel>, #tpu.dimension_semantics<subcore_parallel>], iteration_bounds = array<i64: 2, 16>, scalar_prefetch = 0 : i64, scratch_operands = 8 : i64, tpu.core_type = #tpu.core_type<sc_vector_subcore>, window_params = [{transform_indices = #map}, {transform_indices = #map1}, {transform_indices = #map1}, {transform_indices = #map}]} {
    %mul3A = arith.constant 2 : i32
    %mul3A_0 = arith.muli %arg1, %mul3A : i32
    %add3A = arith.addi %mul3A_0, %arg0 : i32
    "tpu.region"() ({
      %run_scoped3A = tpu.sem_alloc : memref<!tpu.dma_semaphore, #tpu.memory_space<semaphore_mem>>
      %dma_start3A_223 = arith.constant 0 : i32
      %dma_start3A_224 = arith.constant 0 : i32
      %dma_start3A_225 = tpu.memref_slice %arg4[%add3A, %dma_start3A_223, %dma_start3A_224] : memref<32x8x32xi32, #tpu.memory_space<hbm>> -> memref<1x8x32xi32, #tpu.memory_space<hbm>>
      %dma_start3A_226 = tpu.memref_squeeze %dma_start3A_225 : memref<1x8x32xi32, #tpu.memory_space<hbm>> -> memref<8x32xi32, #tpu.memory_space<hbm>>
      %dma_start3A_227 = arith.constant 0 : i32
      %dma_start3A_228 = arith.constant 0 : i32
      %dma_start3A_229 = tpu.memref_slice %arg4[%add3A, %dma_start3A_227, %dma_start3A_228] : memref<32x8x32xi32, #tpu.memory_space<hbm>> -> memref<1x8x32xi32, #tpu.memory_space<hbm>>
      %dma_start3A_230 = tpu.memref_squeeze %dma_start3A_229 : memref<1x8x32xi32, #tpu.memory_space<hbm>> -> memref<8x32xi32, #tpu.memory_space<hbm>>
      tpu.enqueue_dma source(%dma_start3A_230 : memref<8x32xi32, #tpu.memory_space<hbm>>) target(%arg6 : memref<8x32xi32, #tpu.memory_space<vmem>>) target_semaphore(%run_scoped3A : memref<!tpu.dma_semaphore, #tpu.memory_space<semaphore_mem>>)
      %dma_wait3A_231 = arith.constant 0 : i32
      %dma_wait3A_232 = arith.constant 0 : i32
      %dma_wait3A_233 = tpu.memref_slice %arg4[%add3A, %dma_wait3A_231, %dma_wait3A_232] : memref<32x8x32xi32, #tpu.memory_space<hbm>> -> memref<1x8x32xi32, #tpu.memory_space<hbm>>
      %dma_wait3A_234 = tpu.memref_squeeze %dma_wait3A_233 : memref<1x8x32xi32, #tpu.memory_space<hbm>> -> memref<8x32xi32, #tpu.memory_space<hbm>>
      %dma_wait3A_235 = arith.constant 0 : i32
      %dma_wait3A_236 = arith.constant 0 : i32
      %dma_wait3A_237 = tpu.memref_slice %arg4[%add3A, %dma_wait3A_235, %dma_wait3A_236] : memref<32x8x32xi32, #tpu.memory_space<hbm>> -> memref<1x8x32xi32, #tpu.memory_space<hbm>>
      %dma_wait3A_238 = tpu.memref_squeeze %dma_wait3A_237 : memref<1x8x32xi32, #tpu.memory_space<hbm>> -> memref<8x32xi32, #tpu.memory_space<hbm>>
      tpu.wait_dma2 semaphore(%run_scoped3A : memref<!tpu.dma_semaphore, #tpu.memory_space<semaphore_mem>>) src(%dma_wait3A_238 : memref<8x32xi32, #tpu.memory_space<hbm>>) dst(%arg6 : memref<8x32xi32, #tpu.memory_space<vmem>>)
      tpu.yield
    }) : () -> ()
    "tpu.region"() ({
      %run_scoped3A = tpu.sem_alloc : memref<!tpu.dma_semaphore, #tpu.memory_space<semaphore_mem>>
      %dma_start3A_223 = arith.constant 0 : i32
      %dma_start3A_224 = arith.constant 0 : i32
      %dma_start3A_225 = tpu.memref_slice %arg3[%add3A, %dma_start3A_223, %dma_start3A_224] : memref<32x8x32xi32, #tpu.memory_space<hbm>> -> memref<1x8x32xi32, #tpu.memory_space<hbm>>
      %dma_start3A_226 = tpu.memref_squeeze %dma_start3A_225 : memref<1x8x32xi32, #tpu.memory_space<hbm>> -> memref<8x32xi32, #tpu.memory_space<hbm>>
      %dma_start3A_227 = arith.constant 0 : i32
      %dma_start3A_228 = arith.constant 0 : i32
      %dma_start3A_229 = tpu.memref_slice %arg3[%add3A, %dma_start3A_227, %dma_start3A_228] : memref<32x8x32xi32, #tpu.memory_space<hbm>> -> memref<1x8x32xi32, #tpu.memory_space<hbm>>
      %dma_start3A_230 = tpu.memref_squeeze %dma_start3A_229 : memref<1x8x32xi32, #tpu.memory_space<hbm>> -> memref<8x32xi32, #tpu.memory_space<hbm>>
      tpu.enqueue_dma source(%dma_start3A_230 : memref<8x32xi32, #tpu.memory_space<hbm>>) target(%arg7 : memref<8x32xi32, #tpu.memory_space<vmem>>) target_semaphore(%run_scoped3A : memref<!tpu.dma_semaphore, #tpu.memory_space<semaphore_mem>>)
      %dma_wait3A_231 = arith.constant 0 : i32
      %dma_wait3A_232 = arith.constant 0 : i32
      %dma_wait3A_233 = tpu.memref_slice %arg3[%add3A, %dma_wait3A_231, %dma_wait3A_232] : memref<32x8x32xi32, #tpu.memory_space<hbm>> -> memref<1x8x32xi32, #tpu.memory_space<hbm>>
      %dma_wait3A_234 = tpu.memref_squeeze %dma_wait3A_233 : memref<1x8x32xi32, #tpu.memory_space<hbm>> -> memref<8x32xi32, #tpu.memory_space<hbm>>
      %dma_wait3A_235 = arith.constant 0 : i32
      %dma_wait3A_236 = arith.constant 0 : i32
      %dma_wait3A_237 = tpu.memref_slice %arg3[%add3A, %dma_wait3A_235, %dma_wait3A_236] : memref<32x8x32xi32, #tpu.memory_space<hbm>> -> memref<1x8x32xi32, #tpu.memory_space<hbm>>
      %dma_wait3A_238 = tpu.memref_squeeze %dma_wait3A_237 : memref<1x8x32xi32, #tpu.memory_space<hbm>> -> memref<8x32xi32, #tpu.memory_space<hbm>>
      tpu.wait_dma2 semaphore(%run_scoped3A : memref<!tpu.dma_semaphore, #tpu.memory_space<semaphore_mem>>) src(%dma_wait3A_238 : memref<8x32xi32, #tpu.memory_space<hbm>>) dst(%arg7 : memref<8x32xi32, #tpu.memory_space<vmem>>)
      tpu.yield
    }) : () -> ()
    %dma_start3A = arith.constant 0 : i32
    %dma_start3A_1 = arith.constant 0 : i32
    %dma_start3A_2 = tpu.memref_slice %arg6[%dma_start3A, %dma_start3A_1] : memref<8x32xi32, #tpu.memory_space<vmem>> -> memref<1x32xi32, #tpu.memory_space<vmem>>
    %dma_start3A_3 = tpu.memref_squeeze %dma_start3A_2 : memref<1x32xi32, #tpu.memory_space<vmem>> -> memref<32xi32, #tpu.memory_space<vmem>>
    %dma_start3A_4 = arith.constant 0 : i32
    %dma_start3A_5 = arith.constant 0 : i32
    %dma_start3A_6 = tpu.memref_slice %arg2[%dma_start3A_4, %dma_start3A_5] : memref<4096x1024xf32, #tpu.memory_space<hbm>> -> memref<4096x1024xf32, #tpu.memory_space<hbm>>
    tpu.enqueue_indirect_dma source(%dma_start3A_6 : memref<4096x1024xf32, #tpu.memory_space<hbm>>) target(%arg8 : memref<32x1024xf32, #tpu.memory_space<vmem>>) offsets(%dma_start3A_3 : memref<32xi32, #tpu.memory_space<vmem>>) semaphore(%arg10 : memref<!tpu.dma_semaphore, #tpu.memory_space<semaphore_mem>>)
    %dma_start3A_7 = arith.constant 1 : i32
    %dma_start3A_8 = arith.constant 0 : i32
    %dma_start3A_9 = tpu.memref_slice %arg6[%dma_start3A_7, %dma_start3A_8] : memref<8x32xi32, #tpu.memory_space<vmem>> -> memref<1x32xi32, #tpu.memory_space<vmem>>
    %dma_start3A_10 = tpu.memref_squeeze %dma_start3A_9 : memref<1x32xi32, #tpu.memory_space<vmem>> -> memref<32xi32, #tpu.memory_space<vmem>>
    %dma_start3A_11 = arith.constant 0 : i32
    %dma_start3A_12 = arith.constant 0 : i32
    %dma_start3A_13 = tpu.memref_slice %arg2[%dma_start3A_11, %dma_start3A_12] : memref<4096x1024xf32, #tpu.memory_space<hbm>> -> memref<4096x1024xf32, #tpu.memory_space<hbm>>
    tpu.enqueue_indirect_dma source(%dma_start3A_13 : memref<4096x1024xf32, #tpu.memory_space<hbm>>) target(%arg9 : memref<32x1024xf32, #tpu.memory_space<vmem>>) offsets(%dma_start3A_10 : memref<32xi32, #tpu.memory_space<vmem>>) semaphore(%arg11 : memref<!tpu.dma_semaphore, #tpu.memory_space<semaphore_mem>>)
    %dma_wait3A = arith.constant 0 : i32
    %dma_wait3A_14 = arith.constant 0 : i32
    %dma_wait3A_15 = tpu.memref_slice %arg6[%dma_wait3A, %dma_wait3A_14] : memref<8x32xi32, #tpu.memory_space<vmem>> -> memref<1x32xi32, #tpu.memory_space<vmem>>
    %dma_wait3A_16 = tpu.memref_squeeze %dma_wait3A_15 : memref<1x32xi32, #tpu.memory_space<vmem>> -> memref<32xi32, #tpu.memory_space<vmem>>
    %dma_wait3A_17 = arith.constant 0 : i32
    %dma_wait3A_18 = arith.constant 0 : i32
    %dma_wait3A_19 = tpu.memref_slice %arg2[%dma_wait3A_17, %dma_wait3A_18] : memref<4096x1024xf32, #tpu.memory_space<hbm>> -> memref<4096x1024xf32, #tpu.memory_space<hbm>>
    tpu.wait_indirect_dma semaphore(%arg10 : memref<!tpu.dma_semaphore, #tpu.memory_space<semaphore_mem>>) src(%dma_wait3A_19 : memref<4096x1024xf32, #tpu.memory_space<hbm>>) dst(%arg8 : memref<32x1024xf32, #tpu.memory_space<vmem>>)
    %dma_start3A_20 = arith.constant 0 : i32
    %dma_start3A_21 = arith.constant 0 : i32
    %dma_start3A_22 = tpu.memref_slice %arg7[%dma_start3A_20, %dma_start3A_21] : memref<8x32xi32, #tpu.memory_space<vmem>> -> memref<1x32xi32, #tpu.memory_space<vmem>>
    %dma_start3A_23 = tpu.memref_squeeze %dma_start3A_22 : memref<1x32xi32, #tpu.memory_space<vmem>> -> memref<32xi32, #tpu.memory_space<vmem>>
    %dma_start3A_24 = arith.constant 0 : i32
    %dma_start3A_25 = arith.constant 0 : i32
    %dma_start3A_26 = tpu.memref_slice %arg5[%dma_start3A_24, %dma_start3A_25] : memref<10240x1024xf32, #tpu.memory_space<hbm>> -> memref<10240x1024xf32, #tpu.memory_space<hbm>>
    tpu.enqueue_indirect_dma source(%arg8 : memref<32x1024xf32, #tpu.memory_space<vmem>>) target(%dma_start3A_26 : memref<10240x1024xf32, #tpu.memory_space<hbm>>) offsets(%dma_start3A_23 : memref<32xi32, #tpu.memory_space<vmem>>) semaphore(%arg12 : memref<!tpu.dma_semaphore, #tpu.memory_space<semaphore_mem>>)
    %dma_wait3A_27 = arith.constant 0 : i32
    %dma_wait3A_28 = arith.constant 0 : i32
    %dma_wait3A_29 = tpu.memref_slice %arg7[%dma_wait3A_27, %dma_wait3A_28] : memref<8x32xi32, #tpu.memory_space<vmem>> -> memref<1x32xi32, #tpu.memory_space<vmem>>
    %dma_wait3A_30 = tpu.memref_squeeze %dma_wait3A_29 : memref<1x32xi32, #tpu.memory_space<vmem>> -> memref<32xi32, #tpu.memory_space<vmem>>
    %dma_wait3A_31 = arith.constant 0 : i32
    %dma_wait3A_32 = arith.constant 0 : i32
    %dma_wait3A_33 = tpu.memref_slice %arg5[%dma_wait3A_31, %dma_wait3A_32] : memref<10240x1024xf32, #tpu.memory_space<hbm>> -> memref<10240x1024xf32, #tpu.memory_space<hbm>>
    tpu.wait_indirect_dma semaphore(%arg12 : memref<!tpu.dma_semaphore, #tpu.memory_space<semaphore_mem>>) src(%arg8 : memref<32x1024xf32, #tpu.memory_space<vmem>>) dst(%dma_wait3A_33 : memref<10240x1024xf32, #tpu.memory_space<hbm>>)
    %dma_start3A_34 = arith.constant 2 : i32
    %dma_start3A_35 = arith.constant 0 : i32
    %dma_start3A_36 = tpu.memref_slice %arg6[%dma_start3A_34, %dma_start3A_35] : memref<8x32xi32, #tpu.memory_space<vmem>> -> memref<1x32xi32, #tpu.memory_space<vmem>>
    %dma_start3A_37 = tpu.memref_squeeze %dma_start3A_36 : memref<1x32xi32, #tpu.memory_space<vmem>> -> memref<32xi32, #tpu.memory_space<vmem>>
    %dma_start3A_38 = arith.constant 0 : i32
    %dma_start3A_39 = arith.constant 0 : i32
    %dma_start3A_40 = tpu.memref_slice %arg2[%dma_start3A_38, %dma_start3A_39] : memref<4096x1024xf32, #tpu.memory_space<hbm>> -> memref<4096x1024xf32, #tpu.memory_space<hbm>>
    tpu.enqueue_indirect_dma source(%dma_start3A_40 : memref<4096x1024xf32, #tpu.memory_space<hbm>>) target(%arg8 : memref<32x1024xf32, #tpu.memory_space<vmem>>) offsets(%dma_start3A_37 : memref<32xi32, #tpu.memory_space<vmem>>) semaphore(%arg10 : memref<!tpu.dma_semaphore, #tpu.memory_space<semaphore_mem>>)
    %dma_wait3A_41 = arith.constant 1 : i32
    %dma_wait3A_42 = arith.constant 0 : i32
    %dma_wait3A_43 = tpu.memref_slice %arg6[%dma_wait3A_41, %dma_wait3A_42] : memref<8x32xi32, #tpu.memory_space<vmem>> -> memref<1x32xi32, #tpu.memory_space<vmem>>
    %dma_wait3A_44 = tpu.memref_squeeze %dma_wait3A_43 : memref<1x32xi32, #tpu.memory_space<vmem>> -> memref<32xi32, #tpu.memory_space<vmem>>
    %dma_wait3A_45 = arith.constant 0 : i32
    %dma_wait3A_46 = arith.constant 0 : i32
    %dma_wait3A_47 = tpu.memref_slice %arg2[%dma_wait3A_45, %dma_wait3A_46] : memref<4096x1024xf32, #tpu.memory_space<hbm>> -> memref<4096x1024xf32, #tpu.memory_space<hbm>>
    tpu.wait_indirect_dma semaphore(%arg11 : memref<!tpu.dma_semaphore, #tpu.memory_space<semaphore_mem>>) src(%dma_wait3A_47 : memref<4096x1024xf32, #tpu.memory_space<hbm>>) dst(%arg9 : memref<32x1024xf32, #tpu.memory_space<vmem>>)
    %dma_start3A_48 = arith.constant 1 : i32
    %dma_start3A_49 = arith.constant 0 : i32
    %dma_start3A_50 = tpu.memref_slice %arg7[%dma_start3A_48, %dma_start3A_49] : memref<8x32xi32, #tpu.memory_space<vmem>> -> memref<1x32xi32, #tpu.memory_space<vmem>>
    %dma_start3A_51 = tpu.memref_squeeze %dma_start3A_50 : memref<1x32xi32, #tpu.memory_space<vmem>> -> memref<32xi32, #tpu.memory_space<vmem>>
    %dma_start3A_52 = arith.constant 0 : i32
    %dma_start3A_53 = arith.constant 0 : i32
    %dma_start3A_54 = tpu.memref_slice %arg5[%dma_start3A_52, %dma_start3A_53] : memref<10240x1024xf32, #tpu.memory_space<hbm>> -> memref<10240x1024xf32, #tpu.memory_space<hbm>>
    tpu.enqueue_indirect_dma source(%arg9 : memref<32x1024xf32, #tpu.memory_space<vmem>>) target(%dma_start3A_54 : memref<10240x1024xf32, #tpu.memory_space<hbm>>) offsets(%dma_start3A_51 : memref<32xi32, #tpu.memory_space<vmem>>) semaphore(%arg13 : memref<!tpu.dma_semaphore, #tpu.memory_space<semaphore_mem>>)
    %dma_wait3A_55 = arith.constant 1 : i32
    %dma_wait3A_56 = arith.constant 0 : i32
    %dma_wait3A_57 = tpu.memref_slice %arg7[%dma_wait3A_55, %dma_wait3A_56] : memref<8x32xi32, #tpu.memory_space<vmem>> -> memref<1x32xi32, #tpu.memory_space<vmem>>
    %dma_wait3A_58 = tpu.memref_squeeze %dma_wait3A_57 : memref<1x32xi32, #tpu.memory_space<vmem>> -> memref<32xi32, #tpu.memory_space<vmem>>
    %dma_wait3A_59 = arith.constant 0 : i32
    %dma_wait3A_60 = arith.constant 0 : i32
    %dma_wait3A_61 = tpu.memref_slice %arg5[%dma_wait3A_59, %dma_wait3A_60] : memref<10240x1024xf32, #tpu.memory_space<hbm>> -> memref<10240x1024xf32, #tpu.memory_space<hbm>>
    tpu.wait_indirect_dma semaphore(%arg13 : memref<!tpu.dma_semaphore, #tpu.memory_space<semaphore_mem>>) src(%arg9 : memref<32x1024xf32, #tpu.memory_space<vmem>>) dst(%dma_wait3A_61 : memref<10240x1024xf32, #tpu.memory_space<hbm>>)
    %dma_start3A_62 = arith.constant 3 : i32
    %dma_start3A_63 = arith.constant 0 : i32
    %dma_start3A_64 = tpu.memref_slice %arg6[%dma_start3A_62, %dma_start3A_63] : memref<8x32xi32, #tpu.memory_space<vmem>> -> memref<1x32xi32, #tpu.memory_space<vmem>>
    %dma_start3A_65 = tpu.memref_squeeze %dma_start3A_64 : memref<1x32xi32, #tpu.memory_space<vmem>> -> memref<32xi32, #tpu.memory_space<vmem>>
    %dma_start3A_66 = arith.constant 0 : i32
    %dma_start3A_67 = arith.constant 0 : i32
    %dma_start3A_68 = tpu.memref_slice %arg2[%dma_start3A_66, %dma_start3A_67] : memref<4096x1024xf32, #tpu.memory_space<hbm>> -> memref<4096x1024xf32, #tpu.memory_space<hbm>>
    tpu.enqueue_indirect_dma source(%dma_start3A_68 : memref<4096x1024xf32, #tpu.memory_space<hbm>>) target(%arg9 : memref<32x1024xf32, #tpu.memory_space<vmem>>) offsets(%dma_start3A_65 : memref<32xi32, #tpu.memory_space<vmem>>) semaphore(%arg11 : memref<!tpu.dma_semaphore, #tpu.memory_space<semaphore_mem>>)
    %dma_wait3A_69 = arith.constant 2 : i32
    %dma_wait3A_70 = arith.constant 0 : i32
    %dma_wait3A_71 = tpu.memref_slice %arg6[%dma_wait3A_69, %dma_wait3A_70] : memref<8x32xi32, #tpu.memory_space<vmem>> -> memref<1x32xi32, #tpu.memory_space<vmem>>
    %dma_wait3A_72 = tpu.memref_squeeze %dma_wait3A_71 : memref<1x32xi32, #tpu.memory_space<vmem>> -> memref<32xi32, #tpu.memory_space<vmem>>
    %dma_wait3A_73 = arith.constant 0 : i32
    %dma_wait3A_74 = arith.constant 0 : i32
    %dma_wait3A_75 = tpu.memref_slice %arg2[%dma_wait3A_73, %dma_wait3A_74] : memref<4096x1024xf32, #tpu.memory_space<hbm>> -> memref<4096x1024xf32, #tpu.memory_space<hbm>>
    tpu.wait_indirect_dma semaphore(%arg10 : memref<!tpu.dma_semaphore, #tpu.memory_space<semaphore_mem>>) src(%dma_wait3A_75 : memref<4096x1024xf32, #tpu.memory_space<hbm>>) dst(%arg8 : memref<32x1024xf32, #tpu.memory_space<vmem>>)
    %dma_start3A_76 = arith.constant 2 : i32
    %dma_start3A_77 = arith.constant 0 : i32
    %dma_start3A_78 = tpu.memref_slice %arg7[%dma_start3A_76, %dma_start3A_77] : memref<8x32xi32, #tpu.memory_space<vmem>> -> memref<1x32xi32, #tpu.memory_space<vmem>>
    %dma_start3A_79 = tpu.memref_squeeze %dma_start3A_78 : memref<1x32xi32, #tpu.memory_space<vmem>> -> memref<32xi32, #tpu.memory_space<vmem>>
    %dma_start3A_80 = arith.constant 0 : i32
    %dma_start3A_81 = arith.constant 0 : i32
    %dma_start3A_82 = tpu.memref_slice %arg5[%dma_start3A_80, %dma_start3A_81] : memref<10240x1024xf32, #tpu.memory_space<hbm>> -> memref<10240x1024xf32, #tpu.memory_space<hbm>>
    tpu.enqueue_indirect_dma source(%arg8 : memref<32x1024xf32, #tpu.memory_space<vmem>>) target(%dma_start3A_82 : memref<10240x1024xf32, #tpu.memory_space<hbm>>) offsets(%dma_start3A_79 : memref<32xi32, #tpu.memory_space<vmem>>) semaphore(%arg12 : memref<!tpu.dma_semaphore, #tpu.memory_space<semaphore_mem>>)
    %dma_wait3A_83 = arith.constant 2 : i32
    %dma_wait3A_84 = arith.constant 0 : i32
    %dma_wait3A_85 = tpu.memref_slice %arg7[%dma_wait3A_83, %dma_wait3A_84] : memref<8x32xi32, #tpu.memory_space<vmem>> -> memref<1x32xi32, #tpu.memory_space<vmem>>
    %dma_wait3A_86 = tpu.memref_squeeze %dma_wait3A_85 : memref<1x32xi32, #tpu.memory_space<vmem>> -> memref<32xi32, #tpu.memory_space<vmem>>
    %dma_wait3A_87 = arith.constant 0 : i32
    %dma_wait3A_88 = arith.constant 0 : i32
    %dma_wait3A_89 = tpu.memref_slice %arg5[%dma_wait3A_87, %dma_wait3A_88] : memref<10240x1024xf32, #tpu.memory_space<hbm>> -> memref<10240x1024xf32, #tpu.memory_space<hbm>>
    tpu.wait_indirect_dma semaphore(%arg12 : memref<!tpu.dma_semaphore, #tpu.memory_space<semaphore_mem>>) src(%arg8 : memref<32x1024xf32, #tpu.memory_space<vmem>>) dst(%dma_wait3A_89 : memref<10240x1024xf32, #tpu.memory_space<hbm>>)
    %dma_start3A_90 = arith.constant 4 : i32
    %dma_start3A_91 = arith.constant 0 : i32
    %dma_start3A_92 = tpu.memref_slice %arg6[%dma_start3A_90, %dma_start3A_91] : memref<8x32xi32, #tpu.memory_space<vmem>> -> memref<1x32xi32, #tpu.memory_space<vmem>>
    %dma_start3A_93 = tpu.memref_squeeze %dma_start3A_92 : memref<1x32xi32, #tpu.memory_space<vmem>> -> memref<32xi32, #tpu.memory_space<vmem>>
    %dma_start3A_94 = arith.constant 0 : i32
    %dma_start3A_95 = arith.constant 0 : i32
    %dma_start3A_96 = tpu.memref_slice %arg2[%dma_start3A_94, %dma_start3A_95] : memref<4096x1024xf32, #tpu.memory_space<hbm>> -> memref<4096x1024xf32, #tpu.memory_space<hbm>>
    tpu.enqueue_indirect_dma source(%dma_start3A_96 : memref<4096x1024xf32, #tpu.memory_space<hbm>>) target(%arg8 : memref<32x1024xf32, #tpu.memory_space<vmem>>) offsets(%dma_start3A_93 : memref<32xi32, #tpu.memory_space<vmem>>) semaphore(%arg10 : memref<!tpu.dma_semaphore, #tpu.memory_space<semaphore_mem>>)
    %dma_wait3A_97 = arith.constant 3 : i32
    %dma_wait3A_98 = arith.constant 0 : i32
    %dma_wait3A_99 = tpu.memref_slice %arg6[%dma_wait3A_97, %dma_wait3A_98] : memref<8x32xi32, #tpu.memory_space<vmem>> -> memref<1x32xi32, #tpu.memory_space<vmem>>
    %dma_wait3A_100 = tpu.memref_squeeze %dma_wait3A_99 : memref<1x32xi32, #tpu.memory_space<vmem>> -> memref<32xi32, #tpu.memory_space<vmem>>
    %dma_wait3A_101 = arith.constant 0 : i32
    %dma_wait3A_102 = arith.constant 0 : i32
    %dma_wait3A_103 = tpu.memref_slice %arg2[%dma_wait3A_101, %dma_wait3A_102] : memref<4096x1024xf32, #tpu.memory_space<hbm>> -> memref<4096x1024xf32, #tpu.memory_space<hbm>>
    tpu.wait_indirect_dma semaphore(%arg11 : memref<!tpu.dma_semaphore, #tpu.memory_space<semaphore_mem>>) src(%dma_wait3A_103 : memref<4096x1024xf32, #tpu.memory_space<hbm>>) dst(%arg9 : memref<32x1024xf32, #tpu.memory_space<vmem>>)
    %dma_start3A_104 = arith.constant 3 : i32
    %dma_start3A_105 = arith.constant 0 : i32
    %dma_start3A_106 = tpu.memref_slice %arg7[%dma_start3A_104, %dma_start3A_105] : memref<8x32xi32, #tpu.memory_space<vmem>> -> memref<1x32xi32, #tpu.memory_space<vmem>>
    %dma_start3A_107 = tpu.memref_squeeze %dma_start3A_106 : memref<1x32xi32, #tpu.memory_space<vmem>> -> memref<32xi32, #tpu.memory_space<vmem>>
    %dma_start3A_108 = arith.constant 0 : i32
    %dma_start3A_109 = arith.constant 0 : i32
    %dma_start3A_110 = tpu.memref_slice %arg5[%dma_start3A_108, %dma_start3A_109] : memref<10240x1024xf32, #tpu.memory_space<hbm>> -> memref<10240x1024xf32, #tpu.memory_space<hbm>>
    tpu.enqueue_indirect_dma source(%arg9 : memref<32x1024xf32, #tpu.memory_space<vmem>>) target(%dma_start3A_110 : memref<10240x1024xf32, #tpu.memory_space<hbm>>) offsets(%dma_start3A_107 : memref<32xi32, #tpu.memory_space<vmem>>) semaphore(%arg13 : memref<!tpu.dma_semaphore, #tpu.memory_space<semaphore_mem>>)
    %dma_wait3A_111 = arith.constant 3 : i32
    %dma_wait3A_112 = arith.constant 0 : i32
    %dma_wait3A_113 = tpu.memref_slice %arg7[%dma_wait3A_111, %dma_wait3A_112] : memref<8x32xi32, #tpu.memory_space<vmem>> -> memref<1x32xi32, #tpu.memory_space<vmem>>
    %dma_wait3A_114 = tpu.memref_squeeze %dma_wait3A_113 : memref<1x32xi32, #tpu.memory_space<vmem>> -> memref<32xi32, #tpu.memory_space<vmem>>
    %dma_wait3A_115 = arith.constant 0 : i32
    %dma_wait3A_116 = arith.constant 0 : i32
    %dma_wait3A_117 = tpu.memref_slice %arg5[%dma_wait3A_115, %dma_wait3A_116] : memref<10240x1024xf32, #tpu.memory_space<hbm>> -> memref<10240x1024xf32, #tpu.memory_space<hbm>>
    tpu.wait_indirect_dma semaphore(%arg13 : memref<!tpu.dma_semaphore, #tpu.memory_space<semaphore_mem>>) src(%arg9 : memref<32x1024xf32, #tpu.memory_space<vmem>>) dst(%dma_wait3A_117 : memref<10240x1024xf32, #tpu.memory_space<hbm>>)
    %dma_start3A_118 = arith.constant 5 : i32
    %dma_start3A_119 = arith.constant 0 : i32
    %dma_start3A_120 = tpu.memref_slice %arg6[%dma_start3A_118, %dma_start3A_119] : memref<8x32xi32, #tpu.memory_space<vmem>> -> memref<1x32xi32, #tpu.memory_space<vmem>>
    %dma_start3A_121 = tpu.memref_squeeze %dma_start3A_120 : memref<1x32xi32, #tpu.memory_space<vmem>> -> memref<32xi32, #tpu.memory_space<vmem>>
    %dma_start3A_122 = arith.constant 0 : i32
    %dma_start3A_123 = arith.constant 0 : i32
    %dma_start3A_124 = tpu.memref_slice %arg2[%dma_start3A_122, %dma_start3A_123] : memref<4096x1024xf32, #tpu.memory_space<hbm>> -> memref<4096x1024xf32, #tpu.memory_space<hbm>>
    tpu.enqueue_indirect_dma source(%dma_start3A_124 : memref<4096x1024xf32, #tpu.memory_space<hbm>>) target(%arg9 : memref<32x1024xf32, #tpu.memory_space<vmem>>) offsets(%dma_start3A_121 : memref<32xi32, #tpu.memory_space<vmem>>) semaphore(%arg11 : memref<!tpu.dma_semaphore, #tpu.memory_space<semaphore_mem>>)
    %dma_wait3A_125 = arith.constant 4 : i32
    %dma_wait3A_126 = arith.constant 0 : i32
    %dma_wait3A_127 = tpu.memref_slice %arg6[%dma_wait3A_125, %dma_wait3A_126] : memref<8x32xi32, #tpu.memory_space<vmem>> -> memref<1x32xi32, #tpu.memory_space<vmem>>
    %dma_wait3A_128 = tpu.memref_squeeze %dma_wait3A_127 : memref<1x32xi32, #tpu.memory_space<vmem>> -> memref<32xi32, #tpu.memory_space<vmem>>
    %dma_wait3A_129 = arith.constant 0 : i32
    %dma_wait3A_130 = arith.constant 0 : i32
    %dma_wait3A_131 = tpu.memref_slice %arg2[%dma_wait3A_129, %dma_wait3A_130] : memref<4096x1024xf32, #tpu.memory_space<hbm>> -> memref<4096x1024xf32, #tpu.memory_space<hbm>>
    tpu.wait_indirect_dma semaphore(%arg10 : memref<!tpu.dma_semaphore, #tpu.memory_space<semaphore_mem>>) src(%dma_wait3A_131 : memref<4096x1024xf32, #tpu.memory_space<hbm>>) dst(%arg8 : memref<32x1024xf32, #tpu.memory_space<vmem>>)
    %dma_start3A_132 = arith.constant 4 : i32
    %dma_start3A_133 = arith.constant 0 : i32
    %dma_start3A_134 = tpu.memref_slice %arg7[%dma_start3A_132, %dma_start3A_133] : memref<8x32xi32, #tpu.memory_space<vmem>> -> memref<1x32xi32, #tpu.memory_space<vmem>>
    %dma_start3A_135 = tpu.memref_squeeze %dma_start3A_134 : memref<1x32xi32, #tpu.memory_space<vmem>> -> memref<32xi32, #tpu.memory_space<vmem>>
    %dma_start3A_136 = arith.constant 0 : i32
    %dma_start3A_137 = arith.constant 0 : i32
    %dma_start3A_138 = tpu.memref_slice %arg5[%dma_start3A_136, %dma_start3A_137] : memref<10240x1024xf32, #tpu.memory_space<hbm>> -> memref<10240x1024xf32, #tpu.memory_space<hbm>>
    tpu.enqueue_indirect_dma source(%arg8 : memref<32x1024xf32, #tpu.memory_space<vmem>>) target(%dma_start3A_138 : memref<10240x1024xf32, #tpu.memory_space<hbm>>) offsets(%dma_start3A_135 : memref<32xi32, #tpu.memory_space<vmem>>) semaphore(%arg12 : memref<!tpu.dma_semaphore, #tpu.memory_space<semaphore_mem>>)
    %dma_wait3A_139 = arith.constant 4 : i32
    %dma_wait3A_140 = arith.constant 0 : i32
    %dma_wait3A_141 = tpu.memref_slice %arg7[%dma_wait3A_139, %dma_wait3A_140] : memref<8x32xi32, #tpu.memory_space<vmem>> -> memref<1x32xi32, #tpu.memory_space<vmem>>
    %dma_wait3A_142 = tpu.memref_squeeze %dma_wait3A_141 : memref<1x32xi32, #tpu.memory_space<vmem>> -> memref<32xi32, #tpu.memory_space<vmem>>
    %dma_wait3A_143 = arith.constant 0 : i32
    %dma_wait3A_144 = arith.constant 0 : i32
    %dma_wait3A_145 = tpu.memref_slice %arg5[%dma_wait3A_143, %dma_wait3A_144] : memref<10240x1024xf32, #tpu.memory_space<hbm>> -> memref<10240x1024xf32, #tpu.memory_space<hbm>>
    tpu.wait_indirect_dma semaphore(%arg12 : memref<!tpu.dma_semaphore, #tpu.memory_space<semaphore_mem>>) src(%arg8 : memref<32x1024xf32, #tpu.memory_space<vmem>>) dst(%dma_wait3A_145 : memref<10240x1024xf32, #tpu.memory_space<hbm>>)
    %dma_start3A_146 = arith.constant 6 : i32
    %dma_start3A_147 = arith.constant 0 : i32
    %dma_start3A_148 = tpu.memref_slice %arg6[%dma_start3A_146, %dma_start3A_147] : memref<8x32xi32, #tpu.memory_space<vmem>> -> memref<1x32xi32, #tpu.memory_space<vmem>>
    %dma_start3A_149 = tpu.memref_squeeze %dma_start3A_148 : memref<1x32xi32, #tpu.memory_space<vmem>> -> memref<32xi32, #tpu.memory_space<vmem>>
    %dma_start3A_150 = arith.constant 0 : i32
    %dma_start3A_151 = arith.constant 0 : i32
    %dma_start3A_152 = tpu.memref_slice %arg2[%dma_start3A_150, %dma_start3A_151] : memref<4096x1024xf32, #tpu.memory_space<hbm>> -> memref<4096x1024xf32, #tpu.memory_space<hbm>>
    tpu.enqueue_indirect_dma source(%dma_start3A_152 : memref<4096x1024xf32, #tpu.memory_space<hbm>>) target(%arg8 : memref<32x1024xf32, #tpu.memory_space<vmem>>) offsets(%dma_start3A_149 : memref<32xi32, #tpu.memory_space<vmem>>) semaphore(%arg10 : memref<!tpu.dma_semaphore, #tpu.memory_space<semaphore_mem>>)
    %dma_wait3A_153 = arith.constant 5 : i32
    %dma_wait3A_154 = arith.constant 0 : i32
    %dma_wait3A_155 = tpu.memref_slice %arg6[%dma_wait3A_153, %dma_wait3A_154] : memref<8x32xi32, #tpu.memory_space<vmem>> -> memref<1x32xi32, #tpu.memory_space<vmem>>
    %dma_wait3A_156 = tpu.memref_squeeze %dma_wait3A_155 : memref<1x32xi32, #tpu.memory_space<vmem>> -> memref<32xi32, #tpu.memory_space<vmem>>
    %dma_wait3A_157 = arith.constant 0 : i32
    %dma_wait3A_158 = arith.constant 0 : i32
    %dma_wait3A_159 = tpu.memref_slice %arg2[%dma_wait3A_157, %dma_wait3A_158] : memref<4096x1024xf32, #tpu.memory_space<hbm>> -> memref<4096x1024xf32, #tpu.memory_space<hbm>>
    tpu.wait_indirect_dma semaphore(%arg11 : memref<!tpu.dma_semaphore, #tpu.memory_space<semaphore_mem>>) src(%dma_wait3A_159 : memref<4096x1024xf32, #tpu.memory_space<hbm>>) dst(%arg9 : memref<32x1024xf32, #tpu.memory_space<vmem>>)
    %dma_start3A_160 = arith.constant 5 : i32
    %dma_start3A_161 = arith.constant 0 : i32
    %dma_start3A_162 = tpu.memref_slice %arg7[%dma_start3A_160, %dma_start3A_161] : memref<8x32xi32, #tpu.memory_space<vmem>> -> memref<1x32xi32, #tpu.memory_space<vmem>>
    %dma_start3A_163 = tpu.memref_squeeze %dma_start3A_162 : memref<1x32xi32, #tpu.memory_space<vmem>> -> memref<32xi32, #tpu.memory_space<vmem>>
    %dma_start3A_164 = arith.constant 0 : i32
    %dma_start3A_165 = arith.constant 0 : i32
    %dma_start3A_166 = tpu.memref_slice %arg5[%dma_start3A_164, %dma_start3A_165] : memref<10240x1024xf32, #tpu.memory_space<hbm>> -> memref<10240x1024xf32, #tpu.memory_space<hbm>>
    tpu.enqueue_indirect_dma source(%arg9 : memref<32x1024xf32, #tpu.memory_space<vmem>>) target(%dma_start3A_166 : memref<10240x1024xf32, #tpu.memory_space<hbm>>) offsets(%dma_start3A_163 : memref<32xi32, #tpu.memory_space<vmem>>) semaphore(%arg13 : memref<!tpu.dma_semaphore, #tpu.memory_space<semaphore_mem>>)
    %dma_wait3A_167 = arith.constant 5 : i32
    %dma_wait3A_168 = arith.constant 0 : i32
    %dma_wait3A_169 = tpu.memref_slice %arg7[%dma_wait3A_167, %dma_wait3A_168] : memref<8x32xi32, #tpu.memory_space<vmem>> -> memref<1x32xi32, #tpu.memory_space<vmem>>
    %dma_wait3A_170 = tpu.memref_squeeze %dma_wait3A_169 : memref<1x32xi32, #tpu.memory_space<vmem>> -> memref<32xi32, #tpu.memory_space<vmem>>
    %dma_wait3A_171 = arith.constant 0 : i32
    %dma_wait3A_172 = arith.constant 0 : i32
    %dma_wait3A_173 = tpu.memref_slice %arg5[%dma_wait3A_171, %dma_wait3A_172] : memref<10240x1024xf32, #tpu.memory_space<hbm>> -> memref<10240x1024xf32, #tpu.memory_space<hbm>>
    tpu.wait_indirect_dma semaphore(%arg13 : memref<!tpu.dma_semaphore, #tpu.memory_space<semaphore_mem>>) src(%arg9 : memref<32x1024xf32, #tpu.memory_space<vmem>>) dst(%dma_wait3A_173 : memref<10240x1024xf32, #tpu.memory_space<hbm>>)
    %dma_start3A_174 = arith.constant 7 : i32
    %dma_start3A_175 = arith.constant 0 : i32
    %dma_start3A_176 = tpu.memref_slice %arg6[%dma_start3A_174, %dma_start3A_175] : memref<8x32xi32, #tpu.memory_space<vmem>> -> memref<1x32xi32, #tpu.memory_space<vmem>>
    %dma_start3A_177 = tpu.memref_squeeze %dma_start3A_176 : memref<1x32xi32, #tpu.memory_space<vmem>> -> memref<32xi32, #tpu.memory_space<vmem>>
    %dma_start3A_178 = arith.constant 0 : i32
    %dma_start3A_179 = arith.constant 0 : i32
    %dma_start3A_180 = tpu.memref_slice %arg2[%dma_start3A_178, %dma_start3A_179] : memref<4096x1024xf32, #tpu.memory_space<hbm>> -> memref<4096x1024xf32, #tpu.memory_space<hbm>>
    tpu.enqueue_indirect_dma source(%dma_start3A_180 : memref<4096x1024xf32, #tpu.memory_space<hbm>>) target(%arg9 : memref<32x1024xf32, #tpu.memory_space<vmem>>) offsets(%dma_start3A_177 : memref<32xi32, #tpu.memory_space<vmem>>) semaphore(%arg11 : memref<!tpu.dma_semaphore, #tpu.memory_space<semaphore_mem>>)
    %dma_wait3A_181 = arith.constant 6 : i32
    %dma_wait3A_182 = arith.constant 0 : i32
    %dma_wait3A_183 = tpu.memref_slice %arg6[%dma_wait3A_181, %dma_wait3A_182] : memref<8x32xi32, #tpu.memory_space<vmem>> -> memref<1x32xi32, #tpu.memory_space<vmem>>
    %dma_wait3A_184 = tpu.memref_squeeze %dma_wait3A_183 : memref<1x32xi32, #tpu.memory_space<vmem>> -> memref<32xi32, #tpu.memory_space<vmem>>
    %dma_wait3A_185 = arith.constant 0 : i32
    %dma_wait3A_186 = arith.constant 0 : i32
    %dma_wait3A_187 = tpu.memref_slice %arg2[%dma_wait3A_185, %dma_wait3A_186] : memref<4096x1024xf32, #tpu.memory_space<hbm>> -> memref<4096x1024xf32, #tpu.memory_space<hbm>>
    tpu.wait_indirect_dma semaphore(%arg10 : memref<!tpu.dma_semaphore, #tpu.memory_space<semaphore_mem>>) src(%dma_wait3A_187 : memref<4096x1024xf32, #tpu.memory_space<hbm>>) dst(%arg8 : memref<32x1024xf32, #tpu.memory_space<vmem>>)
    %dma_start3A_188 = arith.constant 6 : i32
    %dma_start3A_189 = arith.constant 0 : i32
    %dma_start3A_190 = tpu.memref_slice %arg7[%dma_start3A_188, %dma_start3A_189] : memref<8x32xi32, #tpu.memory_space<vmem>> -> memref<1x32xi32, #tpu.memory_space<vmem>>
    %dma_start3A_191 = tpu.memref_squeeze %dma_start3A_190 : memref<1x32xi32, #tpu.memory_space<vmem>> -> memref<32xi32, #tpu.memory_space<vmem>>
    %dma_start3A_192 = arith.constant 0 : i32
    %dma_start3A_193 = arith.constant 0 : i32
    %dma_start3A_194 = tpu.memref_slice %arg5[%dma_start3A_192, %dma_start3A_193] : memref<10240x1024xf32, #tpu.memory_space<hbm>> -> memref<10240x1024xf32, #tpu.memory_space<hbm>>
    tpu.enqueue_indirect_dma source(%arg8 : memref<32x1024xf32, #tpu.memory_space<vmem>>) target(%dma_start3A_194 : memref<10240x1024xf32, #tpu.memory_space<hbm>>) offsets(%dma_start3A_191 : memref<32xi32, #tpu.memory_space<vmem>>) semaphore(%arg12 : memref<!tpu.dma_semaphore, #tpu.memory_space<semaphore_mem>>)
    %dma_wait3A_195 = arith.constant 6 : i32
    %dma_wait3A_196 = arith.constant 0 : i32
    %dma_wait3A_197 = tpu.memref_slice %arg7[%dma_wait3A_195, %dma_wait3A_196] : memref<8x32xi32, #tpu.memory_space<vmem>> -> memref<1x32xi32, #tpu.memory_space<vmem>>
    %dma_wait3A_198 = tpu.memref_squeeze %dma_wait3A_197 : memref<1x32xi32, #tpu.memory_space<vmem>> -> memref<32xi32, #tpu.memory_space<vmem>>
    %dma_wait3A_199 = arith.constant 0 : i32
    %dma_wait3A_200 = arith.constant 0 : i32
    %dma_wait3A_201 = tpu.memref_slice %arg5[%dma_wait3A_199, %dma_wait3A_200] : memref<10240x1024xf32, #tpu.memory_space<hbm>> -> memref<10240x1024xf32, #tpu.memory_space<hbm>>
    tpu.wait_indirect_dma semaphore(%arg12 : memref<!tpu.dma_semaphore, #tpu.memory_space<semaphore_mem>>) src(%arg8 : memref<32x1024xf32, #tpu.memory_space<vmem>>) dst(%dma_wait3A_201 : memref<10240x1024xf32, #tpu.memory_space<hbm>>)
    %dma_wait3A_202 = arith.constant 7 : i32
    %dma_wait3A_203 = arith.constant 0 : i32
    %dma_wait3A_204 = tpu.memref_slice %arg6[%dma_wait3A_202, %dma_wait3A_203] : memref<8x32xi32, #tpu.memory_space<vmem>> -> memref<1x32xi32, #tpu.memory_space<vmem>>
    %dma_wait3A_205 = tpu.memref_squeeze %dma_wait3A_204 : memref<1x32xi32, #tpu.memory_space<vmem>> -> memref<32xi32, #tpu.memory_space<vmem>>
    %dma_wait3A_206 = arith.constant 0 : i32
    %dma_wait3A_207 = arith.constant 0 : i32
    %dma_wait3A_208 = tpu.memref_slice %arg2[%dma_wait3A_206, %dma_wait3A_207] : memref<4096x1024xf32, #tpu.memory_space<hbm>> -> memref<4096x1024xf32, #tpu.memory_space<hbm>>
    tpu.wait_indirect_dma semaphore(%arg11 : memref<!tpu.dma_semaphore, #tpu.memory_space<semaphore_mem>>) src(%dma_wait3A_208 : memref<4096x1024xf32, #tpu.memory_space<hbm>>) dst(%arg9 : memref<32x1024xf32, #tpu.memory_space<vmem>>)
    %dma_start3A_209 = arith.constant 7 : i32
    %dma_start3A_210 = arith.constant 0 : i32
    %dma_start3A_211 = tpu.memref_slice %arg7[%dma_start3A_209, %dma_start3A_210] : memref<8x32xi32, #tpu.memory_space<vmem>> -> memref<1x32xi32, #tpu.memory_space<vmem>>
    %dma_start3A_212 = tpu.memref_squeeze %dma_start3A_211 : memref<1x32xi32, #tpu.memory_space<vmem>> -> memref<32xi32, #tpu.memory_space<vmem>>
    %dma_start3A_213 = arith.constant 0 : i32
    %dma_start3A_214 = arith.constant 0 : i32
    %dma_start3A_215 = tpu.memref_slice %arg5[%dma_start3A_213, %dma_start3A_214] : memref<10240x1024xf32, #tpu.memory_space<hbm>> -> memref<10240x1024xf32, #tpu.memory_space<hbm>>
    tpu.enqueue_indirect_dma source(%arg9 : memref<32x1024xf32, #tpu.memory_space<vmem>>) target(%dma_start3A_215 : memref<10240x1024xf32, #tpu.memory_space<hbm>>) offsets(%dma_start3A_212 : memref<32xi32, #tpu.memory_space<vmem>>) semaphore(%arg13 : memref<!tpu.dma_semaphore, #tpu.memory_space<semaphore_mem>>)
    %dma_wait3A_216 = arith.constant 7 : i32
    %dma_wait3A_217 = arith.constant 0 : i32
    %dma_wait3A_218 = tpu.memref_slice %arg7[%dma_wait3A_216, %dma_wait3A_217] : memref<8x32xi32, #tpu.memory_space<vmem>> -> memref<1x32xi32, #tpu.memory_space<vmem>>
    %dma_wait3A_219 = tpu.memref_squeeze %dma_wait3A_218 : memref<1x32xi32, #tpu.memory_space<vmem>> -> memref<32xi32, #tpu.memory_space<vmem>>
    %dma_wait3A_220 = arith.constant 0 : i32
    %dma_wait3A_221 = arith.constant 0 : i32
    %dma_wait3A_222 = tpu.memref_slice %arg5[%dma_wait3A_220, %dma_wait3A_221] : memref<10240x1024xf32, #tpu.memory_space<hbm>> -> memref<10240x1024xf32, #tpu.memory_space<hbm>>
    tpu.wait_indirect_dma semaphore(%arg13 : memref<!tpu.dma_semaphore, #tpu.memory_space<semaphore_mem>>) src(%arg9 : memref<32x1024xf32, #tpu.memory_space<vmem>>) dst(%dma_wait3A_222 : memref<10240x1024xf32, #tpu.memory_space<hbm>>)
    return
  }
}

#map = affine_map<(d0, d1) -> (0, 0)>
#map1 = affine_map<(d0, d1) -> (0, 0, 0)>
module attributes {stable_mosaic.version = 14 : i64} {
  func.func @k(%arg0: i32, %arg1: i32, %arg2: memref<10240x1024xf32, #tpu.memory_space<hbm>>, %arg3: memref<32x8x32xi32, #tpu.memory_space<hbm>>, %arg4: memref<8192x1024xf32, #tpu.memory_space<hbm>>, %arg5: memref<8x32xi32, #tpu.memory_space<vmem>>, %arg6: memref<32x1024xf32, #tpu.memory_space<vmem>>, %arg7: memref<32x1024xf32, #tpu.memory_space<vmem>>, %arg8: memref<!tpu.dma_semaphore, #tpu.memory_space<semaphore_mem>>, %arg9: memref<!tpu.dma_semaphore, #tpu.memory_space<semaphore_mem>>, %arg10: memref<!tpu.dma_semaphore, #tpu.memory_space<semaphore_mem>>, %arg11: memref<!tpu.dma_semaphore, #tpu.memory_space<semaphore_mem>>) attributes {dimension_semantics = [#tpu.dimension_semantics<core_parallel>, #tpu.dimension_semantics<subcore_parallel>], iteration_bounds = array<i64: 2, 16>, scalar_prefetch = 0 : i64, scratch_operands = 7 : i64, tpu.core_type = #tpu.core_type<sc_vector_subcore>, window_params = [{transform_indices = #map}, {transform_indices = #map1}, {transform_indices = #map}]} {
    %mul3A = arith.constant 2 : i32
    %mul3A_0 = arith.muli %arg1, %mul3A : i32
    %add3A = arith.addi %mul3A_0, %arg0 : i32
    %mul3A_1 = arith.constant 256 : i32
    %mul3A_2 = arith.muli %add3A, %mul3A_1 : i32
    "tpu.region"() ({
      %run_scoped3A = tpu.sem_alloc : memref<!tpu.dma_semaphore, #tpu.memory_space<semaphore_mem>>
      %dma_start3A_193 = arith.constant 0 : i32
      %dma_start3A_194 = arith.constant 0 : i32
      %dma_start3A_195 = tpu.memref_slice %arg3[%add3A, %dma_start3A_193, %dma_start3A_194] : memref<32x8x32xi32, #tpu.memory_space<hbm>> -> memref<1x8x32xi32, #tpu.memory_space<hbm>>
      %dma_start3A_196 = tpu.memref_squeeze %dma_start3A_195 : memref<1x8x32xi32, #tpu.memory_space<hbm>> -> memref<8x32xi32, #tpu.memory_space<hbm>>
      %dma_start3A_197 = arith.constant 0 : i32
      %dma_start3A_198 = arith.constant 0 : i32
      %dma_start3A_199 = tpu.memref_slice %arg3[%add3A, %dma_start3A_197, %dma_start3A_198] : memref<32x8x32xi32, #tpu.memory_space<hbm>> -> memref<1x8x32xi32, #tpu.memory_space<hbm>>
      %dma_start3A_200 = tpu.memref_squeeze %dma_start3A_199 : memref<1x8x32xi32, #tpu.memory_space<hbm>> -> memref<8x32xi32, #tpu.memory_space<hbm>>
      tpu.enqueue_dma source(%dma_start3A_200 : memref<8x32xi32, #tpu.memory_space<hbm>>) target(%arg5 : memref<8x32xi32, #tpu.memory_space<vmem>>) target_semaphore(%run_scoped3A : memref<!tpu.dma_semaphore, #tpu.memory_space<semaphore_mem>>)
      %dma_wait3A_201 = arith.constant 0 : i32
      %dma_wait3A_202 = arith.constant 0 : i32
      %dma_wait3A_203 = tpu.memref_slice %arg3[%add3A, %dma_wait3A_201, %dma_wait3A_202] : memref<32x8x32xi32, #tpu.memory_space<hbm>> -> memref<1x8x32xi32, #tpu.memory_space<hbm>>
      %dma_wait3A_204 = tpu.memref_squeeze %dma_wait3A_203 : memref<1x8x32xi32, #tpu.memory_space<hbm>> -> memref<8x32xi32, #tpu.memory_space<hbm>>
      %dma_wait3A_205 = arith.constant 0 : i32
      %dma_wait3A_206 = arith.constant 0 : i32
      %dma_wait3A_207 = tpu.memref_slice %arg3[%add3A, %dma_wait3A_205, %dma_wait3A_206] : memref<32x8x32xi32, #tpu.memory_space<hbm>> -> memref<1x8x32xi32, #tpu.memory_space<hbm>>
      %dma_wait3A_208 = tpu.memref_squeeze %dma_wait3A_207 : memref<1x8x32xi32, #tpu.memory_space<hbm>> -> memref<8x32xi32, #tpu.memory_space<hbm>>
      tpu.wait_dma2 semaphore(%run_scoped3A : memref<!tpu.dma_semaphore, #tpu.memory_space<semaphore_mem>>) src(%dma_wait3A_208 : memref<8x32xi32, #tpu.memory_space<hbm>>) dst(%arg5 : memref<8x32xi32, #tpu.memory_space<vmem>>)
      tpu.yield
    }) : () -> ()
    %dma_start3A = arith.constant 0 : i32
    %dma_start3A_3 = arith.constant 0 : i32
    %dma_start3A_4 = tpu.memref_slice %arg5[%dma_start3A, %dma_start3A_3] : memref<8x32xi32, #tpu.memory_space<vmem>> -> memref<1x32xi32, #tpu.memory_space<vmem>>
    %dma_start3A_5 = tpu.memref_squeeze %dma_start3A_4 : memref<1x32xi32, #tpu.memory_space<vmem>> -> memref<32xi32, #tpu.memory_space<vmem>>
    %dma_start3A_6 = arith.constant 0 : i32
    %dma_start3A_7 = arith.constant 0 : i32
    %dma_start3A_8 = tpu.memref_slice %arg2[%dma_start3A_6, %dma_start3A_7] : memref<10240x1024xf32, #tpu.memory_space<hbm>> -> memref<10240x1024xf32, #tpu.memory_space<hbm>>
    tpu.enqueue_indirect_dma source(%dma_start3A_8 : memref<10240x1024xf32, #tpu.memory_space<hbm>>) target(%arg6 : memref<32x1024xf32, #tpu.memory_space<vmem>>) offsets(%dma_start3A_5 : memref<32xi32, #tpu.memory_space<vmem>>) semaphore(%arg8 : memref<!tpu.dma_semaphore, #tpu.memory_space<semaphore_mem>>)
    %dma_start3A_9 = arith.constant 1 : i32
    %dma_start3A_10 = arith.constant 0 : i32
    %dma_start3A_11 = tpu.memref_slice %arg5[%dma_start3A_9, %dma_start3A_10] : memref<8x32xi32, #tpu.memory_space<vmem>> -> memref<1x32xi32, #tpu.memory_space<vmem>>
    %dma_start3A_12 = tpu.memref_squeeze %dma_start3A_11 : memref<1x32xi32, #tpu.memory_space<vmem>> -> memref<32xi32, #tpu.memory_space<vmem>>
    %dma_start3A_13 = arith.constant 0 : i32
    %dma_start3A_14 = arith.constant 0 : i32
    %dma_start3A_15 = tpu.memref_slice %arg2[%dma_start3A_13, %dma_start3A_14] : memref<10240x1024xf32, #tpu.memory_space<hbm>> -> memref<10240x1024xf32, #tpu.memory_space<hbm>>
    tpu.enqueue_indirect_dma source(%dma_start3A_15 : memref<10240x1024xf32, #tpu.memory_space<hbm>>) target(%arg7 : memref<32x1024xf32, #tpu.memory_space<vmem>>) offsets(%dma_start3A_12 : memref<32xi32, #tpu.memory_space<vmem>>) semaphore(%arg9 : memref<!tpu.dma_semaphore, #tpu.memory_space<semaphore_mem>>)
    %dma_wait3A = arith.constant 0 : i32
    %dma_wait3A_16 = arith.constant 0 : i32
    %dma_wait3A_17 = tpu.memref_slice %arg5[%dma_wait3A, %dma_wait3A_16] : memref<8x32xi32, #tpu.memory_space<vmem>> -> memref<1x32xi32, #tpu.memory_space<vmem>>
    %dma_wait3A_18 = tpu.memref_squeeze %dma_wait3A_17 : memref<1x32xi32, #tpu.memory_space<vmem>> -> memref<32xi32, #tpu.memory_space<vmem>>
    %dma_wait3A_19 = arith.constant 0 : i32
    %dma_wait3A_20 = arith.constant 0 : i32
    %dma_wait3A_21 = tpu.memref_slice %arg2[%dma_wait3A_19, %dma_wait3A_20] : memref<10240x1024xf32, #tpu.memory_space<hbm>> -> memref<10240x1024xf32, #tpu.memory_space<hbm>>
    tpu.wait_indirect_dma semaphore(%arg8 : memref<!tpu.dma_semaphore, #tpu.memory_space<semaphore_mem>>) src(%dma_wait3A_21 : memref<10240x1024xf32, #tpu.memory_space<hbm>>) dst(%arg6 : memref<32x1024xf32, #tpu.memory_space<vmem>>)
    %add3A_22 = arith.constant 0 : i32
    %add3A_23 = arith.addi %mul3A_2, %add3A_22 : i32
    %dma_start3A_24 = arith.constant 0 : i32
    %dma_start3A_25 = tpu.memref_slice %arg4[%add3A_23, %dma_start3A_24] : memref<8192x1024xf32, #tpu.memory_space<hbm>> -> memref<32x1024xf32, #tpu.memory_space<hbm>>
    %dma_start3A_26 = arith.constant 0 : i32
    %dma_start3A_27 = tpu.memref_slice %arg4[%add3A_23, %dma_start3A_26] : memref<8192x1024xf32, #tpu.memory_space<hbm>> -> memref<32x1024xf32, #tpu.memory_space<hbm>>
    tpu.enqueue_dma source(%arg6 : memref<32x1024xf32, #tpu.memory_space<vmem>>) target(%dma_start3A_27 : memref<32x1024xf32, #tpu.memory_space<hbm>>) target_semaphore(%arg10 : memref<!tpu.dma_semaphore, #tpu.memory_space<semaphore_mem>>)
    %dma_wait3A_28 = arith.constant 0 : i32
    %dma_wait3A_29 = tpu.memref_slice %arg4[%add3A_23, %dma_wait3A_28] : memref<8192x1024xf32, #tpu.memory_space<hbm>> -> memref<32x1024xf32, #tpu.memory_space<hbm>>
    %dma_wait3A_30 = arith.constant 0 : i32
    %dma_wait3A_31 = tpu.memref_slice %arg4[%add3A_23, %dma_wait3A_30] : memref<8192x1024xf32, #tpu.memory_space<hbm>> -> memref<32x1024xf32, #tpu.memory_space<hbm>>
    tpu.wait_dma2 semaphore(%arg10 : memref<!tpu.dma_semaphore, #tpu.memory_space<semaphore_mem>>) src(%arg6 : memref<32x1024xf32, #tpu.memory_space<vmem>>) dst(%dma_wait3A_31 : memref<32x1024xf32, #tpu.memory_space<hbm>>)
    %dma_start3A_32 = arith.constant 2 : i32
    %dma_start3A_33 = arith.constant 0 : i32
    %dma_start3A_34 = tpu.memref_slice %arg5[%dma_start3A_32, %dma_start3A_33] : memref<8x32xi32, #tpu.memory_space<vmem>> -> memref<1x32xi32, #tpu.memory_space<vmem>>
    %dma_start3A_35 = tpu.memref_squeeze %dma_start3A_34 : memref<1x32xi32, #tpu.memory_space<vmem>> -> memref<32xi32, #tpu.memory_space<vmem>>
    %dma_start3A_36 = arith.constant 0 : i32
    %dma_start3A_37 = arith.constant 0 : i32
    %dma_start3A_38 = tpu.memref_slice %arg2[%dma_start3A_36, %dma_start3A_37] : memref<10240x1024xf32, #tpu.memory_space<hbm>> -> memref<10240x1024xf32, #tpu.memory_space<hbm>>
    tpu.enqueue_indirect_dma source(%dma_start3A_38 : memref<10240x1024xf32, #tpu.memory_space<hbm>>) target(%arg6 : memref<32x1024xf32, #tpu.memory_space<vmem>>) offsets(%dma_start3A_35 : memref<32xi32, #tpu.memory_space<vmem>>) semaphore(%arg8 : memref<!tpu.dma_semaphore, #tpu.memory_space<semaphore_mem>>)
    %dma_wait3A_39 = arith.constant 1 : i32
    %dma_wait3A_40 = arith.constant 0 : i32
    %dma_wait3A_41 = tpu.memref_slice %arg5[%dma_wait3A_39, %dma_wait3A_40] : memref<8x32xi32, #tpu.memory_space<vmem>> -> memref<1x32xi32, #tpu.memory_space<vmem>>
    %dma_wait3A_42 = tpu.memref_squeeze %dma_wait3A_41 : memref<1x32xi32, #tpu.memory_space<vmem>> -> memref<32xi32, #tpu.memory_space<vmem>>
    %dma_wait3A_43 = arith.constant 0 : i32
    %dma_wait3A_44 = arith.constant 0 : i32
    %dma_wait3A_45 = tpu.memref_slice %arg2[%dma_wait3A_43, %dma_wait3A_44] : memref<10240x1024xf32, #tpu.memory_space<hbm>> -> memref<10240x1024xf32, #tpu.memory_space<hbm>>
    tpu.wait_indirect_dma semaphore(%arg9 : memref<!tpu.dma_semaphore, #tpu.memory_space<semaphore_mem>>) src(%dma_wait3A_45 : memref<10240x1024xf32, #tpu.memory_space<hbm>>) dst(%arg7 : memref<32x1024xf32, #tpu.memory_space<vmem>>)
    %add3A_46 = arith.constant 32 : i32
    %add3A_47 = arith.addi %mul3A_2, %add3A_46 : i32
    %dma_start3A_48 = arith.constant 0 : i32
    %dma_start3A_49 = tpu.memref_slice %arg4[%add3A_47, %dma_start3A_48] : memref<8192x1024xf32, #tpu.memory_space<hbm>> -> memref<32x1024xf32, #tpu.memory_space<hbm>>
    %dma_start3A_50 = arith.constant 0 : i32
    %dma_start3A_51 = tpu.memref_slice %arg4[%add3A_47, %dma_start3A_50] : memref<8192x1024xf32, #tpu.memory_space<hbm>> -> memref<32x1024xf32, #tpu.memory_space<hbm>>
    tpu.enqueue_dma source(%arg7 : memref<32x1024xf32, #tpu.memory_space<vmem>>) target(%dma_start3A_51 : memref<32x1024xf32, #tpu.memory_space<hbm>>) target_semaphore(%arg11 : memref<!tpu.dma_semaphore, #tpu.memory_space<semaphore_mem>>)
    %dma_wait3A_52 = arith.constant 0 : i32
    %dma_wait3A_53 = tpu.memref_slice %arg4[%add3A_47, %dma_wait3A_52] : memref<8192x1024xf32, #tpu.memory_space<hbm>> -> memref<32x1024xf32, #tpu.memory_space<hbm>>
    %dma_wait3A_54 = arith.constant 0 : i32
    %dma_wait3A_55 = tpu.memref_slice %arg4[%add3A_47, %dma_wait3A_54] : memref<8192x1024xf32, #tpu.memory_space<hbm>> -> memref<32x1024xf32, #tpu.memory_space<hbm>>
    tpu.wait_dma2 semaphore(%arg11 : memref<!tpu.dma_semaphore, #tpu.memory_space<semaphore_mem>>) src(%arg7 : memref<32x1024xf32, #tpu.memory_space<vmem>>) dst(%dma_wait3A_55 : memref<32x1024xf32, #tpu.memory_space<hbm>>)
    %dma_start3A_56 = arith.constant 3 : i32
    %dma_start3A_57 = arith.constant 0 : i32
    %dma_start3A_58 = tpu.memref_slice %arg5[%dma_start3A_56, %dma_start3A_57] : memref<8x32xi32, #tpu.memory_space<vmem>> -> memref<1x32xi32, #tpu.memory_space<vmem>>
    %dma_start3A_59 = tpu.memref_squeeze %dma_start3A_58 : memref<1x32xi32, #tpu.memory_space<vmem>> -> memref<32xi32, #tpu.memory_space<vmem>>
    %dma_start3A_60 = arith.constant 0 : i32
    %dma_start3A_61 = arith.constant 0 : i32
    %dma_start3A_62 = tpu.memref_slice %arg2[%dma_start3A_60, %dma_start3A_61] : memref<10240x1024xf32, #tpu.memory_space<hbm>> -> memref<10240x1024xf32, #tpu.memory_space<hbm>>
    tpu.enqueue_indirect_dma source(%dma_start3A_62 : memref<10240x1024xf32, #tpu.memory_space<hbm>>) target(%arg7 : memref<32x1024xf32, #tpu.memory_space<vmem>>) offsets(%dma_start3A_59 : memref<32xi32, #tpu.memory_space<vmem>>) semaphore(%arg9 : memref<!tpu.dma_semaphore, #tpu.memory_space<semaphore_mem>>)
    %dma_wait3A_63 = arith.constant 2 : i32
    %dma_wait3A_64 = arith.constant 0 : i32
    %dma_wait3A_65 = tpu.memref_slice %arg5[%dma_wait3A_63, %dma_wait3A_64] : memref<8x32xi32, #tpu.memory_space<vmem>> -> memref<1x32xi32, #tpu.memory_space<vmem>>
    %dma_wait3A_66 = tpu.memref_squeeze %dma_wait3A_65 : memref<1x32xi32, #tpu.memory_space<vmem>> -> memref<32xi32, #tpu.memory_space<vmem>>
    %dma_wait3A_67 = arith.constant 0 : i32
    %dma_wait3A_68 = arith.constant 0 : i32
    %dma_wait3A_69 = tpu.memref_slice %arg2[%dma_wait3A_67, %dma_wait3A_68] : memref<10240x1024xf32, #tpu.memory_space<hbm>> -> memref<10240x1024xf32, #tpu.memory_space<hbm>>
    tpu.wait_indirect_dma semaphore(%arg8 : memref<!tpu.dma_semaphore, #tpu.memory_space<semaphore_mem>>) src(%dma_wait3A_69 : memref<10240x1024xf32, #tpu.memory_space<hbm>>) dst(%arg6 : memref<32x1024xf32, #tpu.memory_space<vmem>>)
    %add3A_70 = arith.constant 64 : i32
    %add3A_71 = arith.addi %mul3A_2, %add3A_70 : i32
    %dma_start3A_72 = arith.constant 0 : i32
    %dma_start3A_73 = tpu.memref_slice %arg4[%add3A_71, %dma_start3A_72] : memref<8192x1024xf32, #tpu.memory_space<hbm>> -> memref<32x1024xf32, #tpu.memory_space<hbm>>
    %dma_start3A_74 = arith.constant 0 : i32
    %dma_start3A_75 = tpu.memref_slice %arg4[%add3A_71, %dma_start3A_74] : memref<8192x1024xf32, #tpu.memory_space<hbm>> -> memref<32x1024xf32, #tpu.memory_space<hbm>>
    tpu.enqueue_dma source(%arg6 : memref<32x1024xf32, #tpu.memory_space<vmem>>) target(%dma_start3A_75 : memref<32x1024xf32, #tpu.memory_space<hbm>>) target_semaphore(%arg10 : memref<!tpu.dma_semaphore, #tpu.memory_space<semaphore_mem>>)
    %dma_wait3A_76 = arith.constant 0 : i32
    %dma_wait3A_77 = tpu.memref_slice %arg4[%add3A_71, %dma_wait3A_76] : memref<8192x1024xf32, #tpu.memory_space<hbm>> -> memref<32x1024xf32, #tpu.memory_space<hbm>>
    %dma_wait3A_78 = arith.constant 0 : i32
    %dma_wait3A_79 = tpu.memref_slice %arg4[%add3A_71, %dma_wait3A_78] : memref<8192x1024xf32, #tpu.memory_space<hbm>> -> memref<32x1024xf32, #tpu.memory_space<hbm>>
    tpu.wait_dma2 semaphore(%arg10 : memref<!tpu.dma_semaphore, #tpu.memory_space<semaphore_mem>>) src(%arg6 : memref<32x1024xf32, #tpu.memory_space<vmem>>) dst(%dma_wait3A_79 : memref<32x1024xf32, #tpu.memory_space<hbm>>)
    %dma_start3A_80 = arith.constant 4 : i32
    %dma_start3A_81 = arith.constant 0 : i32
    %dma_start3A_82 = tpu.memref_slice %arg5[%dma_start3A_80, %dma_start3A_81] : memref<8x32xi32, #tpu.memory_space<vmem>> -> memref<1x32xi32, #tpu.memory_space<vmem>>
    %dma_start3A_83 = tpu.memref_squeeze %dma_start3A_82 : memref<1x32xi32, #tpu.memory_space<vmem>> -> memref<32xi32, #tpu.memory_space<vmem>>
    %dma_start3A_84 = arith.constant 0 : i32
    %dma_start3A_85 = arith.constant 0 : i32
    %dma_start3A_86 = tpu.memref_slice %arg2[%dma_start3A_84, %dma_start3A_85] : memref<10240x1024xf32, #tpu.memory_space<hbm>> -> memref<10240x1024xf32, #tpu.memory_space<hbm>>
    tpu.enqueue_indirect_dma source(%dma_start3A_86 : memref<10240x1024xf32, #tpu.memory_space<hbm>>) target(%arg6 : memref<32x1024xf32, #tpu.memory_space<vmem>>) offsets(%dma_start3A_83 : memref<32xi32, #tpu.memory_space<vmem>>) semaphore(%arg8 : memref<!tpu.dma_semaphore, #tpu.memory_space<semaphore_mem>>)
    %dma_wait3A_87 = arith.constant 3 : i32
    %dma_wait3A_88 = arith.constant 0 : i32
    %dma_wait3A_89 = tpu.memref_slice %arg5[%dma_wait3A_87, %dma_wait3A_88] : memref<8x32xi32, #tpu.memory_space<vmem>> -> memref<1x32xi32, #tpu.memory_space<vmem>>
    %dma_wait3A_90 = tpu.memref_squeeze %dma_wait3A_89 : memref<1x32xi32, #tpu.memory_space<vmem>> -> memref<32xi32, #tpu.memory_space<vmem>>
    %dma_wait3A_91 = arith.constant 0 : i32
    %dma_wait3A_92 = arith.constant 0 : i32
    %dma_wait3A_93 = tpu.memref_slice %arg2[%dma_wait3A_91, %dma_wait3A_92] : memref<10240x1024xf32, #tpu.memory_space<hbm>> -> memref<10240x1024xf32, #tpu.memory_space<hbm>>
    tpu.wait_indirect_dma semaphore(%arg9 : memref<!tpu.dma_semaphore, #tpu.memory_space<semaphore_mem>>) src(%dma_wait3A_93 : memref<10240x1024xf32, #tpu.memory_space<hbm>>) dst(%arg7 : memref<32x1024xf32, #tpu.memory_space<vmem>>)
    %add3A_94 = arith.constant 96 : i32
    %add3A_95 = arith.addi %mul3A_2, %add3A_94 : i32
    %dma_start3A_96 = arith.constant 0 : i32
    %dma_start3A_97 = tpu.memref_slice %arg4[%add3A_95, %dma_start3A_96] : memref<8192x1024xf32, #tpu.memory_space<hbm>> -> memref<32x1024xf32, #tpu.memory_space<hbm>>
    %dma_start3A_98 = arith.constant 0 : i32
    %dma_start3A_99 = tpu.memref_slice %arg4[%add3A_95, %dma_start3A_98] : memref<8192x1024xf32, #tpu.memory_space<hbm>> -> memref<32x1024xf32, #tpu.memory_space<hbm>>
    tpu.enqueue_dma source(%arg7 : memref<32x1024xf32, #tpu.memory_space<vmem>>) target(%dma_start3A_99 : memref<32x1024xf32, #tpu.memory_space<hbm>>) target_semaphore(%arg11 : memref<!tpu.dma_semaphore, #tpu.memory_space<semaphore_mem>>)
    %dma_wait3A_100 = arith.constant 0 : i32
    %dma_wait3A_101 = tpu.memref_slice %arg4[%add3A_95, %dma_wait3A_100] : memref<8192x1024xf32, #tpu.memory_space<hbm>> -> memref<32x1024xf32, #tpu.memory_space<hbm>>
    %dma_wait3A_102 = arith.constant 0 : i32
    %dma_wait3A_103 = tpu.memref_slice %arg4[%add3A_95, %dma_wait3A_102] : memref<8192x1024xf32, #tpu.memory_space<hbm>> -> memref<32x1024xf32, #tpu.memory_space<hbm>>
    tpu.wait_dma2 semaphore(%arg11 : memref<!tpu.dma_semaphore, #tpu.memory_space<semaphore_mem>>) src(%arg7 : memref<32x1024xf32, #tpu.memory_space<vmem>>) dst(%dma_wait3A_103 : memref<32x1024xf32, #tpu.memory_space<hbm>>)
    %dma_start3A_104 = arith.constant 5 : i32
    %dma_start3A_105 = arith.constant 0 : i32
    %dma_start3A_106 = tpu.memref_slice %arg5[%dma_start3A_104, %dma_start3A_105] : memref<8x32xi32, #tpu.memory_space<vmem>> -> memref<1x32xi32, #tpu.memory_space<vmem>>
    %dma_start3A_107 = tpu.memref_squeeze %dma_start3A_106 : memref<1x32xi32, #tpu.memory_space<vmem>> -> memref<32xi32, #tpu.memory_space<vmem>>
    %dma_start3A_108 = arith.constant 0 : i32
    %dma_start3A_109 = arith.constant 0 : i32
    %dma_start3A_110 = tpu.memref_slice %arg2[%dma_start3A_108, %dma_start3A_109] : memref<10240x1024xf32, #tpu.memory_space<hbm>> -> memref<10240x1024xf32, #tpu.memory_space<hbm>>
    tpu.enqueue_indirect_dma source(%dma_start3A_110 : memref<10240x1024xf32, #tpu.memory_space<hbm>>) target(%arg7 : memref<32x1024xf32, #tpu.memory_space<vmem>>) offsets(%dma_start3A_107 : memref<32xi32, #tpu.memory_space<vmem>>) semaphore(%arg9 : memref<!tpu.dma_semaphore, #tpu.memory_space<semaphore_mem>>)
    %dma_wait3A_111 = arith.constant 4 : i32
    %dma_wait3A_112 = arith.constant 0 : i32
    %dma_wait3A_113 = tpu.memref_slice %arg5[%dma_wait3A_111, %dma_wait3A_112] : memref<8x32xi32, #tpu.memory_space<vmem>> -> memref<1x32xi32, #tpu.memory_space<vmem>>
    %dma_wait3A_114 = tpu.memref_squeeze %dma_wait3A_113 : memref<1x32xi32, #tpu.memory_space<vmem>> -> memref<32xi32, #tpu.memory_space<vmem>>
    %dma_wait3A_115 = arith.constant 0 : i32
    %dma_wait3A_116 = arith.constant 0 : i32
    %dma_wait3A_117 = tpu.memref_slice %arg2[%dma_wait3A_115, %dma_wait3A_116] : memref<10240x1024xf32, #tpu.memory_space<hbm>> -> memref<10240x1024xf32, #tpu.memory_space<hbm>>
    tpu.wait_indirect_dma semaphore(%arg8 : memref<!tpu.dma_semaphore, #tpu.memory_space<semaphore_mem>>) src(%dma_wait3A_117 : memref<10240x1024xf32, #tpu.memory_space<hbm>>) dst(%arg6 : memref<32x1024xf32, #tpu.memory_space<vmem>>)
    %add3A_118 = arith.constant 128 : i32
    %add3A_119 = arith.addi %mul3A_2, %add3A_118 : i32
    %dma_start3A_120 = arith.constant 0 : i32
    %dma_start3A_121 = tpu.memref_slice %arg4[%add3A_119, %dma_start3A_120] : memref<8192x1024xf32, #tpu.memory_space<hbm>> -> memref<32x1024xf32, #tpu.memory_space<hbm>>
    %dma_start3A_122 = arith.constant 0 : i32
    %dma_start3A_123 = tpu.memref_slice %arg4[%add3A_119, %dma_start3A_122] : memref<8192x1024xf32, #tpu.memory_space<hbm>> -> memref<32x1024xf32, #tpu.memory_space<hbm>>
    tpu.enqueue_dma source(%arg6 : memref<32x1024xf32, #tpu.memory_space<vmem>>) target(%dma_start3A_123 : memref<32x1024xf32, #tpu.memory_space<hbm>>) target_semaphore(%arg10 : memref<!tpu.dma_semaphore, #tpu.memory_space<semaphore_mem>>)
    %dma_wait3A_124 = arith.constant 0 : i32
    %dma_wait3A_125 = tpu.memref_slice %arg4[%add3A_119, %dma_wait3A_124] : memref<8192x1024xf32, #tpu.memory_space<hbm>> -> memref<32x1024xf32, #tpu.memory_space<hbm>>
    %dma_wait3A_126 = arith.constant 0 : i32
    %dma_wait3A_127 = tpu.memref_slice %arg4[%add3A_119, %dma_wait3A_126] : memref<8192x1024xf32, #tpu.memory_space<hbm>> -> memref<32x1024xf32, #tpu.memory_space<hbm>>
    tpu.wait_dma2 semaphore(%arg10 : memref<!tpu.dma_semaphore, #tpu.memory_space<semaphore_mem>>) src(%arg6 : memref<32x1024xf32, #tpu.memory_space<vmem>>) dst(%dma_wait3A_127 : memref<32x1024xf32, #tpu.memory_space<hbm>>)
    %dma_start3A_128 = arith.constant 6 : i32
    %dma_start3A_129 = arith.constant 0 : i32
    %dma_start3A_130 = tpu.memref_slice %arg5[%dma_start3A_128, %dma_start3A_129] : memref<8x32xi32, #tpu.memory_space<vmem>> -> memref<1x32xi32, #tpu.memory_space<vmem>>
    %dma_start3A_131 = tpu.memref_squeeze %dma_start3A_130 : memref<1x32xi32, #tpu.memory_space<vmem>> -> memref<32xi32, #tpu.memory_space<vmem>>
    %dma_start3A_132 = arith.constant 0 : i32
    %dma_start3A_133 = arith.constant 0 : i32
    %dma_start3A_134 = tpu.memref_slice %arg2[%dma_start3A_132, %dma_start3A_133] : memref<10240x1024xf32, #tpu.memory_space<hbm>> -> memref<10240x1024xf32, #tpu.memory_space<hbm>>
    tpu.enqueue_indirect_dma source(%dma_start3A_134 : memref<10240x1024xf32, #tpu.memory_space<hbm>>) target(%arg6 : memref<32x1024xf32, #tpu.memory_space<vmem>>) offsets(%dma_start3A_131 : memref<32xi32, #tpu.memory_space<vmem>>) semaphore(%arg8 : memref<!tpu.dma_semaphore, #tpu.memory_space<semaphore_mem>>)
    %dma_wait3A_135 = arith.constant 5 : i32
    %dma_wait3A_136 = arith.constant 0 : i32
    %dma_wait3A_137 = tpu.memref_slice %arg5[%dma_wait3A_135, %dma_wait3A_136] : memref<8x32xi32, #tpu.memory_space<vmem>> -> memref<1x32xi32, #tpu.memory_space<vmem>>
    %dma_wait3A_138 = tpu.memref_squeeze %dma_wait3A_137 : memref<1x32xi32, #tpu.memory_space<vmem>> -> memref<32xi32, #tpu.memory_space<vmem>>
    %dma_wait3A_139 = arith.constant 0 : i32
    %dma_wait3A_140 = arith.constant 0 : i32
    %dma_wait3A_141 = tpu.memref_slice %arg2[%dma_wait3A_139, %dma_wait3A_140] : memref<10240x1024xf32, #tpu.memory_space<hbm>> -> memref<10240x1024xf32, #tpu.memory_space<hbm>>
    tpu.wait_indirect_dma semaphore(%arg9 : memref<!tpu.dma_semaphore, #tpu.memory_space<semaphore_mem>>) src(%dma_wait3A_141 : memref<10240x1024xf32, #tpu.memory_space<hbm>>) dst(%arg7 : memref<32x1024xf32, #tpu.memory_space<vmem>>)
    %add3A_142 = arith.constant 160 : i32
    %add3A_143 = arith.addi %mul3A_2, %add3A_142 : i32
    %dma_start3A_144 = arith.constant 0 : i32
    %dma_start3A_145 = tpu.memref_slice %arg4[%add3A_143, %dma_start3A_144] : memref<8192x1024xf32, #tpu.memory_space<hbm>> -> memref<32x1024xf32, #tpu.memory_space<hbm>>
    %dma_start3A_146 = arith.constant 0 : i32
    %dma_start3A_147 = tpu.memref_slice %arg4[%add3A_143, %dma_start3A_146] : memref<8192x1024xf32, #tpu.memory_space<hbm>> -> memref<32x1024xf32, #tpu.memory_space<hbm>>
    tpu.enqueue_dma source(%arg7 : memref<32x1024xf32, #tpu.memory_space<vmem>>) target(%dma_start3A_147 : memref<32x1024xf32, #tpu.memory_space<hbm>>) target_semaphore(%arg11 : memref<!tpu.dma_semaphore, #tpu.memory_space<semaphore_mem>>)
    %dma_wait3A_148 = arith.constant 0 : i32
    %dma_wait3A_149 = tpu.memref_slice %arg4[%add3A_143, %dma_wait3A_148] : memref<8192x1024xf32, #tpu.memory_space<hbm>> -> memref<32x1024xf32, #tpu.memory_space<hbm>>
    %dma_wait3A_150 = arith.constant 0 : i32
    %dma_wait3A_151 = tpu.memref_slice %arg4[%add3A_143, %dma_wait3A_150] : memref<8192x1024xf32, #tpu.memory_space<hbm>> -> memref<32x1024xf32, #tpu.memory_space<hbm>>
    tpu.wait_dma2 semaphore(%arg11 : memref<!tpu.dma_semaphore, #tpu.memory_space<semaphore_mem>>) src(%arg7 : memref<32x1024xf32, #tpu.memory_space<vmem>>) dst(%dma_wait3A_151 : memref<32x1024xf32, #tpu.memory_space<hbm>>)
    %dma_start3A_152 = arith.constant 7 : i32
    %dma_start3A_153 = arith.constant 0 : i32
    %dma_start3A_154 = tpu.memref_slice %arg5[%dma_start3A_152, %dma_start3A_153] : memref<8x32xi32, #tpu.memory_space<vmem>> -> memref<1x32xi32, #tpu.memory_space<vmem>>
    %dma_start3A_155 = tpu.memref_squeeze %dma_start3A_154 : memref<1x32xi32, #tpu.memory_space<vmem>> -> memref<32xi32, #tpu.memory_space<vmem>>
    %dma_start3A_156 = arith.constant 0 : i32
    %dma_start3A_157 = arith.constant 0 : i32
    %dma_start3A_158 = tpu.memref_slice %arg2[%dma_start3A_156, %dma_start3A_157] : memref<10240x1024xf32, #tpu.memory_space<hbm>> -> memref<10240x1024xf32, #tpu.memory_space<hbm>>
    tpu.enqueue_indirect_dma source(%dma_start3A_158 : memref<10240x1024xf32, #tpu.memory_space<hbm>>) target(%arg7 : memref<32x1024xf32, #tpu.memory_space<vmem>>) offsets(%dma_start3A_155 : memref<32xi32, #tpu.memory_space<vmem>>) semaphore(%arg9 : memref<!tpu.dma_semaphore, #tpu.memory_space<semaphore_mem>>)
    %dma_wait3A_159 = arith.constant 6 : i32
    %dma_wait3A_160 = arith.constant 0 : i32
    %dma_wait3A_161 = tpu.memref_slice %arg5[%dma_wait3A_159, %dma_wait3A_160] : memref<8x32xi32, #tpu.memory_space<vmem>> -> memref<1x32xi32, #tpu.memory_space<vmem>>
    %dma_wait3A_162 = tpu.memref_squeeze %dma_wait3A_161 : memref<1x32xi32, #tpu.memory_space<vmem>> -> memref<32xi32, #tpu.memory_space<vmem>>
    %dma_wait3A_163 = arith.constant 0 : i32
    %dma_wait3A_164 = arith.constant 0 : i32
    %dma_wait3A_165 = tpu.memref_slice %arg2[%dma_wait3A_163, %dma_wait3A_164] : memref<10240x1024xf32, #tpu.memory_space<hbm>> -> memref<10240x1024xf32, #tpu.memory_space<hbm>>
    tpu.wait_indirect_dma semaphore(%arg8 : memref<!tpu.dma_semaphore, #tpu.memory_space<semaphore_mem>>) src(%dma_wait3A_165 : memref<10240x1024xf32, #tpu.memory_space<hbm>>) dst(%arg6 : memref<32x1024xf32, #tpu.memory_space<vmem>>)
    %add3A_166 = arith.constant 192 : i32
    %add3A_167 = arith.addi %mul3A_2, %add3A_166 : i32
    %dma_start3A_168 = arith.constant 0 : i32
    %dma_start3A_169 = tpu.memref_slice %arg4[%add3A_167, %dma_start3A_168] : memref<8192x1024xf32, #tpu.memory_space<hbm>> -> memref<32x1024xf32, #tpu.memory_space<hbm>>
    %dma_start3A_170 = arith.constant 0 : i32
    %dma_start3A_171 = tpu.memref_slice %arg4[%add3A_167, %dma_start3A_170] : memref<8192x1024xf32, #tpu.memory_space<hbm>> -> memref<32x1024xf32, #tpu.memory_space<hbm>>
    tpu.enqueue_dma source(%arg6 : memref<32x1024xf32, #tpu.memory_space<vmem>>) target(%dma_start3A_171 : memref<32x1024xf32, #tpu.memory_space<hbm>>) target_semaphore(%arg10 : memref<!tpu.dma_semaphore, #tpu.memory_space<semaphore_mem>>)
    %dma_wait3A_172 = arith.constant 0 : i32
    %dma_wait3A_173 = tpu.memref_slice %arg4[%add3A_167, %dma_wait3A_172] : memref<8192x1024xf32, #tpu.memory_space<hbm>> -> memref<32x1024xf32, #tpu.memory_space<hbm>>
    %dma_wait3A_174 = arith.constant 0 : i32
    %dma_wait3A_175 = tpu.memref_slice %arg4[%add3A_167, %dma_wait3A_174] : memref<8192x1024xf32, #tpu.memory_space<hbm>> -> memref<32x1024xf32, #tpu.memory_space<hbm>>
    tpu.wait_dma2 semaphore(%arg10 : memref<!tpu.dma_semaphore, #tpu.memory_space<semaphore_mem>>) src(%arg6 : memref<32x1024xf32, #tpu.memory_space<vmem>>) dst(%dma_wait3A_175 : memref<32x1024xf32, #tpu.memory_space<hbm>>)
    %dma_wait3A_176 = arith.constant 7 : i32
    %dma_wait3A_177 = arith.constant 0 : i32
    %dma_wait3A_178 = tpu.memref_slice %arg5[%dma_wait3A_176, %dma_wait3A_177] : memref<8x32xi32, #tpu.memory_space<vmem>> -> memref<1x32xi32, #tpu.memory_space<vmem>>
    %dma_wait3A_179 = tpu.memref_squeeze %dma_wait3A_178 : memref<1x32xi32, #tpu.memory_space<vmem>> -> memref<32xi32, #tpu.memory_space<vmem>>
    %dma_wait3A_180 = arith.constant 0 : i32
    %dma_wait3A_181 = arith.constant 0 : i32
    %dma_wait3A_182 = tpu.memref_slice %arg2[%dma_wait3A_180, %dma_wait3A_181] : memref<10240x1024xf32, #tpu.memory_space<hbm>> -> memref<10240x1024xf32, #tpu.memory_space<hbm>>
    tpu.wait_indirect_dma semaphore(%arg9 : memref<!tpu.dma_semaphore, #tpu.memory_space<semaphore_mem>>) src(%dma_wait3A_182 : memref<10240x1024xf32, #tpu.memory_space<hbm>>) dst(%arg7 : memref<32x1024xf32, #tpu.memory_space<vmem>>)
    %add3A_183 = arith.constant 224 : i32
    %add3A_184 = arith.addi %mul3A_2, %add3A_183 : i32
    %dma_start3A_185 = arith.constant 0 : i32
    %dma_start3A_186 = tpu.memref_slice %arg4[%add3A_184, %dma_start3A_185] : memref<8192x1024xf32, #tpu.memory_space<hbm>> -> memref<32x1024xf32, #tpu.memory_space<hbm>>
    %dma_start3A_187 = arith.constant 0 : i32
    %dma_start3A_188 = tpu.memref_slice %arg4[%add3A_184, %dma_start3A_187] : memref<8192x1024xf32, #tpu.memory_space<hbm>> -> memref<32x1024xf32, #tpu.memory_space<hbm>>
    tpu.enqueue_dma source(%arg7 : memref<32x1024xf32, #tpu.memory_space<vmem>>) target(%dma_start3A_188 : memref<32x1024xf32, #tpu.memory_space<hbm>>) target_semaphore(%arg11 : memref<!tpu.dma_semaphore, #tpu.memory_space<semaphore_mem>>)
    %dma_wait3A_189 = arith.constant 0 : i32
    %dma_wait3A_190 = tpu.memref_slice %arg4[%add3A_184, %dma_wait3A_189] : memref<8192x1024xf32, #tpu.memory_space<hbm>> -> memref<32x1024xf32, #tpu.memory_space<hbm>>
    %dma_wait3A_191 = arith.constant 0 : i32
    %dma_wait3A_192 = tpu.memref_slice %arg4[%add3A_184, %dma_wait3A_191] : memref<8192x1024xf32, #tpu.memory_space<hbm>> -> memref<32x1024xf32, #tpu.memory_space<hbm>>
    tpu.wait_dma2 semaphore(%arg11 : memref<!tpu.dma_semaphore, #tpu.memory_space<semaphore_mem>>) src(%arg7 : memref<32x1024xf32, #tpu.memory_space<vmem>>) dst(%dma_wait3A_192 : memref<32x1024xf32, #tpu.memory_space<hbm>>)
    return
  }
}

module attributes {stable_mosaic.version = 14 : i64} {
  func.func @_router_body(%arg0: i32, %arg1: memref<128x1024xf32, #tpu.memory_space<vmem>>, %arg2: memref<1024x16xf32, #tpu.memory_space<vmem>>, %arg3: memref<1x2x128xf32, #tpu.memory_space<vmem>>, %arg4: memref<128x1024xbf16, #tpu.memory_space<vmem>>, %arg5: memref<32x1x256xi32, #tpu.memory_space<vmem>>, %arg6: memref<1x128xi32, #tpu.memory_space<vmem>>, %arg7: memref<16x1xf32, #tpu.memory_space<vmem>>, %arg8: memref<32x256xi32, #tpu.memory_space<vmem>>, %arg9: memref<32x256xf32, #tpu.memory_space<vmem>>, %arg10: memref<256x256xf32, #tpu.memory_space<vmem>>) attributes {dimension_semantics = [#tpu.dimension_semantics<arbitrary>], iteration_bounds = array<i64: 33>, scalar_prefetch = 0 : i64, scratch_operands = 4 : i64, tpu.core_type = #tpu.core_type<tc>, window_params = [{transform_indices = @transform_0, window_bounds = array<i64: 128, 1024>}, {pipeline_mode = #tpu.pipeline_mode<synchronous>, transform_indices = @transform_1, window_bounds = array<i64: 1024, 16>}, {transform_indices = @transform_2, window_bounds = array<i64: 1, 2, 128>}, {transform_indices = @transform_3, window_bounds = array<i64: 128, 1024>}, {pipeline_mode = #tpu.pipeline_mode<synchronous>, transform_indices = @transform_4, window_bounds = array<i64: 32, 1, 256>}, {pipeline_mode = #tpu.pipeline_mode<synchronous>, transform_indices = @transform_5, window_bounds = array<i64: 1, 128>}]} {
    %eq3A = arith.constant 0 : i32
    %eq3A_0 = arith.cmpi eq, %arg0, %eq3A : i32
    %convert_element_type3A = arith.extui %eq3A_0 : i1 to i32
    %cond3A = arith.constant 0 : i32
    %cond3A_1 = arith.cmpi ne, %convert_element_type3A, %cond3A : i32
    scf.if %cond3A_1 {
      %broadcast_in_dim3A = arith.constant 0.000000e+00 : f32
      %broadcast_in_dim3A_11 = vector.broadcast %broadcast_in_dim3A : f32 to vector<16x1xf32>
      %swap3A = arith.constant 0 : index
      %swap3A_12 = arith.constant 0 : index
      %swap3A_13 = vector.load %arg7[%swap3A, %swap3A_12] : memref<16x1xf32, #tpu.memory_space<vmem>>, vector<16x1xf32>
      tpu.vector_store %arg7[%swap3A, %swap3A_12], %broadcast_in_dim3A_11 {strides = array<i32>} : memref<16x1xf32, #tpu.memory_space<vmem>>, vector<16x1xf32>,
      %iota3A = tpu.iota {dimensions = array<i32: 0>} : vector<256x256xi32>
      %iota3A_14 = tpu.iota {dimensions = array<i32: 1>} : vector<256x256xi32>
      %lt3A_15 = arith.cmpi slt, %iota3A, %iota3A_14 : vector<256x256xi32>
      %convert_element_type3A_16 = arith.extui %lt3A_15 : vector<256x256xi1> to vector<256x256xi32>
      %convert_element_type3A_17 = arith.sitofp %convert_element_type3A_16 : vector<256x256xi32> to vector<256x256xf32>
      %swap3A_18 = arith.constant 0 : index
      %swap3A_19 = arith.constant 0 : index
      %swap3A_20 = vector.load %arg10[%swap3A_18, %swap3A_19] : memref<256x256xf32, #tpu.memory_space<vmem>>, vector<256x256xf32>
      tpu.vector_store %arg10[%swap3A_18, %swap3A_19], %convert_element_type3A_17 {strides = array<i32>} : memref<256x256xf32, #tpu.memory_space<vmem>>, vector<256x256xf32>,
    } else {
    }
    %lt3A = arith.constant 32 : i32
    %lt3A_2 = arith.cmpi slt, %arg0, %lt3A : i32
    %convert_element_type3A_3 = arith.extui %lt3A_2 : i1 to i32
    %cond3A_4 = arith.constant 0 : i32
    %cond3A_5 = arith.cmpi ne, %convert_element_type3A_3, %cond3A_4 : i32
    scf.if %cond3A_5 {
      %get3A = arith.constant 0 : index
      %get3A_11 = arith.constant 0 : index
      %get3A_12 = vector.load %arg1[%get3A, %get3A_11] : memref<128x1024xf32, #tpu.memory_space<vmem>>, vector<128x1024xf32>
      %convert_element_type3A_13 = arith.truncf %get3A_12 : vector<128x1024xf32> to vector<128x1024xbf16>
      %swap3A = arith.constant 0 : index
      %swap3A_14 = arith.constant 0 : index
      %swap3A_15 = vector.load %arg4[%swap3A, %swap3A_14] : memref<128x1024xbf16, #tpu.memory_space<vmem>>, vector<128x1024xbf16>
      tpu.vector_store %arg4[%swap3A, %swap3A_14], %convert_element_type3A_13 {strides = array<i32>} : memref<128x1024xbf16, #tpu.memory_space<vmem>>, vector<128x1024xbf16>,
      %get3A_16 = arith.constant 0 : index
      %get3A_17 = arith.constant 0 : index
      %get3A_18 = vector.load %arg2[%get3A_16, %get3A_17] : memref<1024x16xf32, #tpu.memory_space<vmem>>, vector<1024x16xf32>
      %dot_general3A = arith.constant dense<0.000000e+00> : vector<128x16xf32>
      %dot_general3A_19 = tpu.matmul %get3A_12, %get3A_18, %dot_general3A {dimension_numbers = #tpu.dot_dimension_numbers<[1], [0], [0], [1], [0, 0, 1, 1], [], []>, transpose_lhs_hint = false} : vector<128x1024xf32>, vector<1024x16xf32>, vector<128x16xf32> -> vector<128x16xf32>
      %transpose3A = tpu.transpose %dot_general3A_19, [1, 0] : vector<128x16xf32> -> vector<16x128xf32>
      %reduce_max3A = arith.constant dense<0xFF800000> : vector<128xf32>
      %reduce_max3A_20 = vector.multi_reduction <maximumf>, %transpose3A, %reduce_max3A [0] : vector<16x128xf32> to vector<128xf32>
      %broadcast_in_dim3A = vector.shape_cast %reduce_max3A_20 : vector<128xf32> to vector<1x128xf32>
      %sub3A = vector.broadcast %broadcast_in_dim3A : vector<1x128xf32> to vector<16x128xf32>
      %sub3A_21 = arith.subf %transpose3A, %sub3A : vector<16x128xf32>
      %exp3A = math.exp %sub3A_21 : vector<16x128xf32>
      %reduce_sum3A = arith.constant dense<0.000000e+00> : vector<128xf32>
      %reduce_sum3A_22 = vector.multi_reduction <add>, %exp3A, %reduce_sum3A [0] : vector<16x128xf32> to vector<128xf32>
      %argmax3A = tpu.reduce_index %exp3A {axis = 0 : i32, kind = #tpu.reduction_kind<arg_max>} : vector<16x128xf32> -> vector<128xi32>
      %iota3A = tpu.iota {dimensions = array<i32: 0>} : vector<16x128xi32>
      %broadcast_in_dim3A_23 = vector.shape_cast %argmax3A : vector<128xi32> to vector<1x128xi32>
      %eq3A_24 = vector.broadcast %broadcast_in_dim3A_23 : vector<1x128xi32> to vector<16x128xi32>
      %eq3A_25 = arith.cmpi eq, %iota3A, %eq3A_24 : vector<16x128xi32>
      %reduce_max3A_26 = arith.constant dense<0xFF800000> : vector<128xf32>
      %reduce_max3A_27 = vector.multi_reduction <maximumf>, %exp3A, %reduce_max3A_26 [0] : vector<16x128xf32> to vector<128xf32>
      %jit3A = arith.constant -1.000000e+00 : f32
      %broadcast_in_dim3A_28 = vector.broadcast %jit3A : f32 to vector<16x128xf32>
      %select_n3A = arith.select %eq3A_25, %broadcast_in_dim3A_28, %exp3A : vector<16x128xi1>, vector<16x128xf32>
      %argmax3A_29 = tpu.reduce_index %select_n3A {axis = 0 : i32, kind = #tpu.reduction_kind<arg_max>} : vector<16x128xf32> -> vector<128xi32>
      %broadcast_in_dim3A_30 = vector.shape_cast %argmax3A_29 : vector<128xi32> to vector<1x128xi32>
      %eq3A_31 = vector.broadcast %broadcast_in_dim3A_30 : vector<1x128xi32> to vector<16x128xi32>
      %eq3A_32 = arith.cmpi eq, %iota3A, %eq3A_31 : vector<16x128xi32>
      %reduce_max3A_33 = arith.constant dense<0xFF800000> : vector<128xf32>
      %reduce_max3A_34 = vector.multi_reduction <maximumf>, %select_n3A, %reduce_max3A_33 [0] : vector<16x128xf32> to vector<128xf32>
      %div3A = arith.divf %reduce_max3A_27, %reduce_sum3A_22 : vector<128xf32>
      %swap3A_35 = arith.constant 0 : index
      %swap3A_36 = arith.constant 0 : index
      %swap3A_37 = arith.constant 0 : index
      %swap3A_38 = vector.load %arg3[%swap3A_35, %swap3A_36, %swap3A_37] : memref<1x2x128xf32, #tpu.memory_space<vmem>>, vector<1x1x128xf32>
      %swap3A_39 = vector.shape_cast %swap3A_38 : vector<1x1x128xf32> to vector<128xf32>
      %swap3A_40 = vector.shape_cast %div3A : vector<128xf32> to vector<1x1x128xf32>
      tpu.vector_store %arg3[%swap3A_35, %swap3A_36, %swap3A_37], %swap3A_40 {strides = array<i32>} : memref<1x2x128xf32, #tpu.memory_space<vmem>>, vector<1x1x128xf32>,
      %div3A_41 = arith.divf %reduce_max3A_34, %reduce_sum3A_22 : vector<128xf32>
      %swap3A_42 = arith.constant 0 : index
      %swap3A_43 = arith.constant 1 : index
      %swap3A_44 = arith.constant 0 : index
      %swap3A_45 = vector.load %arg3[%swap3A_42, %swap3A_43, %swap3A_44] : memref<1x2x128xf32, #tpu.memory_space<vmem>>, vector<1x1x128xf32>
      %swap3A_46 = vector.shape_cast %swap3A_45 : vector<1x1x128xf32> to vector<128xf32>
      %swap3A_47 = vector.shape_cast %div3A_41 : vector<128xf32> to vector<1x1x128xf32>
      tpu.vector_store %arg3[%swap3A_42, %swap3A_43, %swap3A_44], %swap3A_47 {strides = array<i32>} : memref<1x2x128xf32, #tpu.memory_space<vmem>>, vector<1x1x128xf32>,
      %concatenate3A = tpu.concatenate %argmax3A, %argmax3A_29 in 0 : vector<128xi32>, vector<128xi32> -> vector<256xi32>
      %reshape3A = vector.shape_cast %concatenate3A : vector<256xi32> to vector<1x256xi32>
      %swap3A_48 = arith.index_cast %arg0 : i32 to index
      %swap3A_49 = arith.constant 0 : index
      %swap3A_50 = vector.load %arg8[%swap3A_48, %swap3A_49] : memref<32x256xi32, #tpu.memory_space<vmem>>, vector<1x256xi32>
      tpu.vector_store %arg8[%swap3A_48, %swap3A_49], %reshape3A {strides = array<i32>} : memref<32x256xi32, #tpu.memory_space<vmem>>, vector<1x256xi32>,
      %concatenate3A_51 = tpu.concatenate %eq3A_25, %eq3A_32 in 1 : vector<16x128xi1>, vector<16x128xi1> -> vector<16x256xi1>
      %convert_element_type3A_52 = arith.extui %concatenate3A_51 : vector<16x256xi1> to vector<16x256xi32>
      %convert_element_type3A_53 = arith.sitofp %convert_element_type3A_52 : vector<16x256xi32> to vector<16x256xf32>
      %get3A_54 = arith.constant 0 : index
      %get3A_55 = arith.constant 0 : index
      %get3A_56 = vector.load %arg10[%get3A_54, %get3A_55] : memref<256x256xf32, #tpu.memory_space<vmem>>, vector<256x256xf32>
      %dot_general3A_57 = arith.constant dense<0.000000e+00> : vector<16x256xf32>
      %dot_general3A_58 = tpu.matmul %convert_element_type3A_53, %get3A_56, %dot_general3A_57 {dimension_numbers = #tpu.dot_dimension_numbers<[1], [0], [0], [1], [0, 0, 1, 1], [], []>, transpose_lhs_hint = false} : vector<16x256xf32>, vector<256x256xf32>, vector<16x256xf32> -> vector<16x256xf32>
      %get3A_59 = arith.constant 0 : index
      %get3A_60 = arith.constant 0 : index
      %get3A_61 = vector.load %arg7[%get3A_59, %get3A_60] : memref<16x1xf32, #tpu.memory_space<vmem>>, vector<16x1xf32>
      %add3A = vector.broadcast %get3A_61 : vector<16x1xf32> to vector<16x256xf32>
      %add3A_62 = arith.addf %dot_general3A_58, %add3A : vector<16x256xf32>
      %mul3A = arith.mulf %add3A_62, %convert_element_type3A_53 : vector<16x256xf32>
      %reduce_sum3A_63 = arith.constant dense<0.000000e+00> : vector<256xf32>
      %reduce_sum3A_64 = vector.multi_reduction <add>, %mul3A, %reduce_sum3A_63 [0] : vector<16x256xf32> to vector<256xf32>
      %reshape3A_65 = vector.shape_cast %reduce_sum3A_64 : vector<256xf32> to vector<1x256xf32>
      %swap3A_66 = arith.index_cast %arg0 : i32 to index
      %swap3A_67 = arith.constant 0 : index
      %swap3A_68 = vector.load %arg9[%swap3A_66, %swap3A_67] : memref<32x256xf32, #tpu.memory_space<vmem>>, vector<1x256xf32>
      tpu.vector_store %arg9[%swap3A_66, %swap3A_67], %reshape3A_65 {strides = array<i32>} : memref<32x256xf32, #tpu.memory_space<vmem>>, vector<1x256xf32>,
      %get3A_69 = arith.constant 0 : index
      %get3A_70 = arith.constant 0 : index
      %get3A_71 = vector.load %arg7[%get3A_69, %get3A_70] : memref<16x1xf32, #tpu.memory_space<vmem>>, vector<16x1xf32>
      %reduce_sum3A_72 = arith.constant dense<0.000000e+00> : vector<16xf32>
      %reduce_sum3A_73 = vector.multi_reduction <add>, %convert_element_type3A_53, %reduce_sum3A_72 [1] : vector<16x256xf32> to vector<16xf32>
      %broadcast_in_dim3A_74 = vector.shape_cast %reduce_sum3A_73 : vector<16xf32> to vector<16x1xf32>
      %add3A_75 = arith.addf %get3A_71, %broadcast_in_dim3A_74 : vector<16x1xf32>
      %swap3A_76 = arith.constant 0 : index
      %swap3A_77 = arith.constant 0 : index
      %swap3A_78 = vector.load %arg7[%swap3A_76, %swap3A_77] : memref<16x1xf32, #tpu.memory_space<vmem>>, vector<16x1xf32>
      tpu.vector_store %arg7[%swap3A_76, %swap3A_77], %add3A_75 {strides = array<i32>} : memref<16x1xf32, #tpu.memory_space<vmem>>, vector<16x1xf32>,
    } else {
    }
    %eq3A_6 = arith.constant 32 : i32
    %eq3A_7 = arith.cmpi eq, %arg0, %eq3A_6 : i32
    %convert_element_type3A_8 = arith.extui %eq3A_7 : i1 to i32
    %cond3A_9 = arith.constant 0 : i32
    %cond3A_10 = arith.cmpi ne, %convert_element_type3A_8, %cond3A_9 : i32
    scf.if %cond3A_10 {
      %get3A = arith.constant 0 : index
      %get3A_11 = arith.constant 0 : index
      %get3A_12 = vector.load %arg7[%get3A, %get3A_11] : memref<16x1xf32, #tpu.memory_space<vmem>>, vector<16x1xf32>
      %div3A = arith.constant 1.280000e+02 : f32
      %div3A_13 = vector.broadcast %div3A : f32 to vector<16x1xf32>
      %div3A_14 = arith.divf %get3A_12, %div3A_13 : vector<16x1xf32>
      %ceil3A = math.ceil %div3A_14 : vector<16x1xf32>
      %mul3A = arith.constant 1.280000e+02 : f32
      %mul3A_15 = vector.broadcast %mul3A : f32 to vector<16x1xf32>
      %mul3A_16 = arith.mulf %ceil3A, %mul3A_15 : vector<16x1xf32>
      %iota3A = tpu.iota {dimensions = array<i32: 0>} : vector<16x16xi32>
      %iota3A_17 = tpu.iota {dimensions = array<i32: 1>} : vector<16x16xi32>
      %lt3A_18 = arith.cmpi slt, %iota3A_17, %iota3A : vector<16x16xi32>
      %convert_element_type3A_19 = arith.extui %lt3A_18 : vector<16x16xi1> to vector<16x16xi32>
      %convert_element_type3A_20 = arith.sitofp %convert_element_type3A_19 : vector<16x16xi32> to vector<16x16xf32>
      %dot_general3A = arith.constant dense<0.000000e+00> : vector<16x1xf32>
      %dot_general3A_21 = tpu.matmul %convert_element_type3A_20, %mul3A_16, %dot_general3A {dimension_numbers = #tpu.dot_dimension_numbers<[1], [0], [0], [1], [0, 0, 1, 1], [], []>, transpose_lhs_hint = false} : vector<16x16xf32>, vector<16x1xf32>, vector<16x1xf32> -> vector<16x1xf32>
      %get3A_22 = arith.constant 0 : index
      %get3A_23 = arith.constant 0 : index
      %get3A_24 = vector.load %arg8[%get3A_22, %get3A_23] : memref<32x256xi32, #tpu.memory_space<vmem>>, vector<32x256xi32>
      %broadcast_in_dim3A = arith.constant 0.000000e+00 : f32
      %broadcast_in_dim3A_25 = vector.broadcast %broadcast_in_dim3A : f32 to vector<32x256xf32>
      %eq3A_26 = arith.constant 0 : i32
      %eq3A_27 = vector.broadcast %eq3A_26 : i32 to vector<32x256xi32>
      %eq3A_28 = arith.cmpi eq, %get3A_24, %eq3A_27 : vector<32x256xi32>
      %slice3A = vector.extract_strided_slice %dot_general3A_21 {offsets = [0, 0], sizes = [1, 1], strides = [1, 1]} : vector<16x1xf32> to vector<1x1xf32>
      %jit3A = arith.constant 0.000000e+00 : f32
      %broadcast_in_dim3A_29 = vector.shape_cast %slice3A : vector<1x1xf32> to vector<1x1xf32>
      %broadcast_in_dim3A_30 = vector.broadcast %broadcast_in_dim3A_29 : vector<1x1xf32> to vector<32x256xf32>
      %broadcast_in_dim3A_31 = vector.broadcast %jit3A : f32 to vector<32x256xf32>
      %select_n3A = arith.select %eq3A_28, %broadcast_in_dim3A_30, %broadcast_in_dim3A_31 : vector<32x256xi1>, vector<32x256xf32>
      %add3A = arith.addf %broadcast_in_dim3A_25, %select_n3A : vector<32x256xf32>
      %eq3A_32 = arith.constant 1 : i32
      %eq3A_33 = vector.broadcast %eq3A_32 : i32 to vector<32x256xi32>
      %eq3A_34 = arith.cmpi eq, %get3A_24, %eq3A_33 : vector<32x256xi32>
      %slice3A_35 = vector.extract_strided_slice %dot_general3A_21 {offsets = [1, 0], sizes = [1, 1], strides = [1, 1]} : vector<16x1xf32> to vector<1x1xf32>
      %jit3A_36 = arith.constant 0.000000e+00 : f32
      %broadcast_in_dim3A_37 = vector.shape_cast %slice3A_35 : vector<1x1xf32> to vector<1x1xf32>
      %broadcast_in_dim3A_38 = vector.broadcast %broadcast_in_dim3A_37 : vector<1x1xf32> to vector<32x256xf32>
      %broadcast_in_dim3A_39 = vector.broadcast %jit3A_36 : f32 to vector<32x256xf32>
      %select_n3A_40 = arith.select %eq3A_34, %broadcast_in_dim3A_38, %broadcast_in_dim3A_39 : vector<32x256xi1>, vector<32x256xf32>
      %add3A_41 = arith.addf %add3A, %select_n3A_40 : vector<32x256xf32>
      %eq3A_42 = arith.constant 2 : i32
      %eq3A_43 = vector.broadcast %eq3A_42 : i32 to vector<32x256xi32>
      %eq3A_44 = arith.cmpi eq, %get3A_24, %eq3A_43 : vector<32x256xi32>
      %slice3A_45 = vector.extract_strided_slice %dot_general3A_21 {offsets = [2, 0], sizes = [1, 1], strides = [1, 1]} : vector<16x1xf32> to vector<1x1xf32>
      %jit3A_46 = arith.constant 0.000000e+00 : f32
      %broadcast_in_dim3A_47 = vector.shape_cast %slice3A_45 : vector<1x1xf32> to vector<1x1xf32>
      %broadcast_in_dim3A_48 = vector.broadcast %broadcast_in_dim3A_47 : vector<1x1xf32> to vector<32x256xf32>
      %broadcast_in_dim3A_49 = vector.broadcast %jit3A_46 : f32 to vector<32x256xf32>
      %select_n3A_50 = arith.select %eq3A_44, %broadcast_in_dim3A_48, %broadcast_in_dim3A_49 : vector<32x256xi1>, vector<32x256xf32>
      %add3A_51 = arith.addf %add3A_41, %select_n3A_50 : vector<32x256xf32>
      %eq3A_52 = arith.constant 3 : i32
      %eq3A_53 = vector.broadcast %eq3A_52 : i32 to vector<32x256xi32>
      %eq3A_54 = arith.cmpi eq, %get3A_24, %eq3A_53 : vector<32x256xi32>
      %slice3A_55 = vector.extract_strided_slice %dot_general3A_21 {offsets = [3, 0], sizes = [1, 1], strides = [1, 1]} : vector<16x1xf32> to vector<1x1xf32>
      %jit3A_56 = arith.constant 0.000000e+00 : f32
      %broadcast_in_dim3A_57 = vector.shape_cast %slice3A_55 : vector<1x1xf32> to vector<1x1xf32>
      %broadcast_in_dim3A_58 = vector.broadcast %broadcast_in_dim3A_57 : vector<1x1xf32> to vector<32x256xf32>
      %broadcast_in_dim3A_59 = vector.broadcast %jit3A_56 : f32 to vector<32x256xf32>
      %select_n3A_60 = arith.select %eq3A_54, %broadcast_in_dim3A_58, %broadcast_in_dim3A_59 : vector<32x256xi1>, vector<32x256xf32>
      %add3A_61 = arith.addf %add3A_51, %select_n3A_60 : vector<32x256xf32>
      %eq3A_62 = arith.constant 4 : i32
      %eq3A_63 = vector.broadcast %eq3A_62 : i32 to vector<32x256xi32>
      %eq3A_64 = arith.cmpi eq, %get3A_24, %eq3A_63 : vector<32x256xi32>
      %slice3A_65 = vector.extract_strided_slice %dot_general3A_21 {offsets = [4, 0], sizes = [1, 1], strides = [1, 1]} : vector<16x1xf32> to vector<1x1xf32>
      %jit3A_66 = arith.constant 0.000000e+00 : f32
      %broadcast_in_dim3A_67 = vector.shape_cast %slice3A_65 : vector<1x1xf32> to vector<1x1xf32>
      %broadcast_in_dim3A_68 = vector.broadcast %broadcast_in_dim3A_67 : vector<1x1xf32> to vector<32x256xf32>
      %broadcast_in_dim3A_69 = vector.broadcast %jit3A_66 : f32 to vector<32x256xf32>
      %select_n3A_70 = arith.select %eq3A_64, %broadcast_in_dim3A_68, %broadcast_in_dim3A_69 : vector<32x256xi1>, vector<32x256xf32>
      %add3A_71 = arith.addf %add3A_61, %select_n3A_70 : vector<32x256xf32>
      %eq3A_72 = arith.constant 5 : i32
      %eq3A_73 = vector.broadcast %eq3A_72 : i32 to vector<32x256xi32>
      %eq3A_74 = arith.cmpi eq, %get3A_24, %eq3A_73 : vector<32x256xi32>
      %slice3A_75 = vector.extract_strided_slice %dot_general3A_21 {offsets = [5, 0], sizes = [1, 1], strides = [1, 1]} : vector<16x1xf32> to vector<1x1xf32>
      %jit3A_76 = arith.constant 0.000000e+00 : f32
      %broadcast_in_dim3A_77 = vector.shape_cast %slice3A_75 : vector<1x1xf32> to vector<1x1xf32>
      %broadcast_in_dim3A_78 = vector.broadcast %broadcast_in_dim3A_77 : vector<1x1xf32> to vector<32x256xf32>
      %broadcast_in_dim3A_79 = vector.broadcast %jit3A_76 : f32 to vector<32x256xf32>
      %select_n3A_80 = arith.select %eq3A_74, %broadcast_in_dim3A_78, %broadcast_in_dim3A_79 : vector<32x256xi1>, vector<32x256xf32>
      %add3A_81 = arith.addf %add3A_71, %select_n3A_80 : vector<32x256xf32>
      %eq3A_82 = arith.constant 6 : i32
      %eq3A_83 = vector.broadcast %eq3A_82 : i32 to vector<32x256xi32>
      %eq3A_84 = arith.cmpi eq, %get3A_24, %eq3A_83 : vector<32x256xi32>
      %slice3A_85 = vector.extract_strided_slice %dot_general3A_21 {offsets = [6, 0], sizes = [1, 1], strides = [1, 1]} : vector<16x1xf32> to vector<1x1xf32>
      %jit3A_86 = arith.constant 0.000000e+00 : f32
      %broadcast_in_dim3A_87 = vector.shape_cast %slice3A_85 : vector<1x1xf32> to vector<1x1xf32>
      %broadcast_in_dim3A_88 = vector.broadcast %broadcast_in_dim3A_87 : vector<1x1xf32> to vector<32x256xf32>
      %broadcast_in_dim3A_89 = vector.broadcast %jit3A_86 : f32 to vector<32x256xf32>
      %select_n3A_90 = arith.select %eq3A_84, %broadcast_in_dim3A_88, %broadcast_in_dim3A_89 : vector<32x256xi1>, vector<32x256xf32>
      %add3A_91 = arith.addf %add3A_81, %select_n3A_90 : vector<32x256xf32>
      %eq3A_92 = arith.constant 7 : i32
      %eq3A_93 = vector.broadcast %eq3A_92 : i32 to vector<32x256xi32>
      %eq3A_94 = arith.cmpi eq, %get3A_24, %eq3A_93 : vector<32x256xi32>
      %slice3A_95 = vector.extract_strided_slice %dot_general3A_21 {offsets = [7, 0], sizes = [1, 1], strides = [1, 1]} : vector<16x1xf32> to vector<1x1xf32>
      %jit3A_96 = arith.constant 0.000000e+00 : f32
      %broadcast_in_dim3A_97 = vector.shape_cast %slice3A_95 : vector<1x1xf32> to vector<1x1xf32>
      %broadcast_in_dim3A_98 = vector.broadcast %broadcast_in_dim3A_97 : vector<1x1xf32> to vector<32x256xf32>
      %broadcast_in_dim3A_99 = vector.broadcast %jit3A_96 : f32 to vector<32x256xf32>
      %select_n3A_100 = arith.select %eq3A_94, %broadcast_in_dim3A_98, %broadcast_in_dim3A_99 : vector<32x256xi1>, vector<32x256xf32>
      %add3A_101 = arith.addf %add3A_91, %select_n3A_100 : vector<32x256xf32>
      %eq3A_102 = arith.constant 8 : i32
      %eq3A_103 = vector.broadcast %eq3A_102 : i32 to vector<32x256xi32>
      %eq3A_104 = arith.cmpi eq, %get3A_24, %eq3A_103 : vector<32x256xi32>
      %slice3A_105 = vector.extract_strided_slice %dot_general3A_21 {offsets = [8, 0], sizes = [1, 1], strides = [1, 1]} : vector<16x1xf32> to vector<1x1xf32>
      %jit3A_106 = arith.constant 0.000000e+00 : f32
      %broadcast_in_dim3A_107 = vector.shape_cast %slice3A_105 : vector<1x1xf32> to vector<1x1xf32>
      %broadcast_in_dim3A_108 = vector.broadcast %broadcast_in_dim3A_107 : vector<1x1xf32> to vector<32x256xf32>
      %broadcast_in_dim3A_109 = vector.broadcast %jit3A_106 : f32 to vector<32x256xf32>
      %select_n3A_110 = arith.select %eq3A_104, %broadcast_in_dim3A_108, %broadcast_in_dim3A_109 : vector<32x256xi1>, vector<32x256xf32>
      %add3A_111 = arith.addf %add3A_101, %select_n3A_110 : vector<32x256xf32>
      %eq3A_112 = arith.constant 9 : i32
      %eq3A_113 = vector.broadcast %eq3A_112 : i32 to vector<32x256xi32>
      %eq3A_114 = arith.cmpi eq, %get3A_24, %eq3A_113 : vector<32x256xi32>
      %slice3A_115 = vector.extract_strided_slice %dot_general3A_21 {offsets = [9, 0], sizes = [1, 1], strides = [1, 1]} : vector<16x1xf32> to vector<1x1xf32>
      %jit3A_116 = arith.constant 0.000000e+00 : f32
      %broadcast_in_dim3A_117 = vector.shape_cast %slice3A_115 : vector<1x1xf32> to vector<1x1xf32>
      %broadcast_in_dim3A_118 = vector.broadcast %broadcast_in_dim3A_117 : vector<1x1xf32> to vector<32x256xf32>
      %broadcast_in_dim3A_119 = vector.broadcast %jit3A_116 : f32 to vector<32x256xf32>
      %select_n3A_120 = arith.select %eq3A_114, %broadcast_in_dim3A_118, %broadcast_in_dim3A_119 : vector<32x256xi1>, vector<32x256xf32>
      %add3A_121 = arith.addf %add3A_111, %select_n3A_120 : vector<32x256xf32>
      %eq3A_122 = arith.constant 10 : i32
      %eq3A_123 = vector.broadcast %eq3A_122 : i32 to vector<32x256xi32>
      %eq3A_124 = arith.cmpi eq, %get3A_24, %eq3A_123 : vector<32x256xi32>
      %slice3A_125 = vector.extract_strided_slice %dot_general3A_21 {offsets = [10, 0], sizes = [1, 1], strides = [1, 1]} : vector<16x1xf32> to vector<1x1xf32>
      %jit3A_126 = arith.constant 0.000000e+00 : f32
      %broadcast_in_dim3A_127 = vector.shape_cast %slice3A_125 : vector<1x1xf32> to vector<1x1xf32>
      %broadcast_in_dim3A_128 = vector.broadcast %broadcast_in_dim3A_127 : vector<1x1xf32> to vector<32x256xf32>
      %broadcast_in_dim3A_129 = vector.broadcast %jit3A_126 : f32 to vector<32x256xf32>
      %select_n3A_130 = arith.select %eq3A_124, %broadcast_in_dim3A_128, %broadcast_in_dim3A_129 : vector<32x256xi1>, vector<32x256xf32>
      %add3A_131 = arith.addf %add3A_121, %select_n3A_130 : vector<32x256xf32>
      %eq3A_132 = arith.constant 11 : i32
      %eq3A_133 = vector.broadcast %eq3A_132 : i32 to vector<32x256xi32>
      %eq3A_134 = arith.cmpi eq, %get3A_24, %eq3A_133 : vector<32x256xi32>
      %slice3A_135 = vector.extract_strided_slice %dot_general3A_21 {offsets = [11, 0], sizes = [1, 1], strides = [1, 1]} : vector<16x1xf32> to vector<1x1xf32>
      %jit3A_136 = arith.constant 0.000000e+00 : f32
      %broadcast_in_dim3A_137 = vector.shape_cast %slice3A_135 : vector<1x1xf32> to vector<1x1xf32>
      %broadcast_in_dim3A_138 = vector.broadcast %broadcast_in_dim3A_137 : vector<1x1xf32> to vector<32x256xf32>
      %broadcast_in_dim3A_139 = vector.broadcast %jit3A_136 : f32 to vector<32x256xf32>
      %select_n3A_140 = arith.select %eq3A_134, %broadcast_in_dim3A_138, %broadcast_in_dim3A_139 : vector<32x256xi1>, vector<32x256xf32>
      %add3A_141 = arith.addf %add3A_131, %select_n3A_140 : vector<32x256xf32>
      %eq3A_142 = arith.constant 12 : i32
      %eq3A_143 = vector.broadcast %eq3A_142 : i32 to vector<32x256xi32>
      %eq3A_144 = arith.cmpi eq, %get3A_24, %eq3A_143 : vector<32x256xi32>
      %slice3A_145 = vector.extract_strided_slice %dot_general3A_21 {offsets = [12, 0], sizes = [1, 1], strides = [1, 1]} : vector<16x1xf32> to vector<1x1xf32>
      %jit3A_146 = arith.constant 0.000000e+00 : f32
      %broadcast_in_dim3A_147 = vector.shape_cast %slice3A_145 : vector<1x1xf32> to vector<1x1xf32>
      %broadcast_in_dim3A_148 = vector.broadcast %broadcast_in_dim3A_147 : vector<1x1xf32> to vector<32x256xf32>
      %broadcast_in_dim3A_149 = vector.broadcast %jit3A_146 : f32 to vector<32x256xf32>
      %select_n3A_150 = arith.select %eq3A_144, %broadcast_in_dim3A_148, %broadcast_in_dim3A_149 : vector<32x256xi1>, vector<32x256xf32>
      %add3A_151 = arith.addf %add3A_141, %select_n3A_150 : vector<32x256xf32>
      %eq3A_152 = arith.constant 13 : i32
      %eq3A_153 = vector.broadcast %eq3A_152 : i32 to vector<32x256xi32>
      %eq3A_154 = arith.cmpi eq, %get3A_24, %eq3A_153 : vector<32x256xi32>
      %slice3A_155 = vector.extract_strided_slice %dot_general3A_21 {offsets = [13, 0], sizes = [1, 1], strides = [1, 1]} : vector<16x1xf32> to vector<1x1xf32>
      %jit3A_156 = arith.constant 0.000000e+00 : f32
      %broadcast_in_dim3A_157 = vector.shape_cast %slice3A_155 : vector<1x1xf32> to vector<1x1xf32>
      %broadcast_in_dim3A_158 = vector.broadcast %broadcast_in_dim3A_157 : vector<1x1xf32> to vector<32x256xf32>
      %broadcast_in_dim3A_159 = vector.broadcast %jit3A_156 : f32 to vector<32x256xf32>
      %select_n3A_160 = arith.select %eq3A_154, %broadcast_in_dim3A_158, %broadcast_in_dim3A_159 : vector<32x256xi1>, vector<32x256xf32>
      %add3A_161 = arith.addf %add3A_151, %select_n3A_160 : vector<32x256xf32>
      %eq3A_162 = arith.constant 14 : i32
      %eq3A_163 = vector.broadcast %eq3A_162 : i32 to vector<32x256xi32>
      %eq3A_164 = arith.cmpi eq, %get3A_24, %eq3A_163 : vector<32x256xi32>
      %slice3A_165 = vector.extract_strided_slice %dot_general3A_21 {offsets = [14, 0], sizes = [1, 1], strides = [1, 1]} : vector<16x1xf32> to vector<1x1xf32>
      %jit3A_166 = arith.constant 0.000000e+00 : f32
      %broadcast_in_dim3A_167 = vector.shape_cast %slice3A_165 : vector<1x1xf32> to vector<1x1xf32>
      %broadcast_in_dim3A_168 = vector.broadcast %broadcast_in_dim3A_167 : vector<1x1xf32> to vector<32x256xf32>
      %broadcast_in_dim3A_169 = vector.broadcast %jit3A_166 : f32 to vector<32x256xf32>
      %select_n3A_170 = arith.select %eq3A_164, %broadcast_in_dim3A_168, %broadcast_in_dim3A_169 : vector<32x256xi1>, vector<32x256xf32>
      %add3A_171 = arith.addf %add3A_161, %select_n3A_170 : vector<32x256xf32>
      %eq3A_172 = arith.constant 15 : i32
      %eq3A_173 = vector.broadcast %eq3A_172 : i32 to vector<32x256xi32>
      %eq3A_174 = arith.cmpi eq, %get3A_24, %eq3A_173 : vector<32x256xi32>
      %slice3A_175 = vector.extract_strided_slice %dot_general3A_21 {offsets = [15, 0], sizes = [1, 1], strides = [1, 1]} : vector<16x1xf32> to vector<1x1xf32>
      %jit3A_176 = arith.constant 0.000000e+00 : f32
      %broadcast_in_dim3A_177 = vector.shape_cast %slice3A_175 : vector<1x1xf32> to vector<1x1xf32>
      %broadcast_in_dim3A_178 = vector.broadcast %broadcast_in_dim3A_177 : vector<1x1xf32> to vector<32x256xf32>
      %broadcast_in_dim3A_179 = vector.broadcast %jit3A_176 : f32 to vector<32x256xf32>
      %select_n3A_180 = arith.select %eq3A_174, %broadcast_in_dim3A_178, %broadcast_in_dim3A_179 : vector<32x256xi1>, vector<32x256xf32>
      %add3A_181 = arith.addf %add3A_171, %select_n3A_180 : vector<32x256xf32>
      %get3A_182 = arith.constant 0 : index
      %get3A_183 = arith.constant 0 : index
      %get3A_184 = vector.load %arg9[%get3A_182, %get3A_183] : memref<32x256xf32, #tpu.memory_space<vmem>>, vector<32x256xf32>
      %add3A_185 = arith.addf %add3A_181, %get3A_184 : vector<32x256xf32>
      %convert_element_type3A_186 = arith.fptosi %add3A_185 : vector<32x256xf32> to vector<32x256xi32>
      %reshape3A = vector.shape_cast %convert_element_type3A_186 : vector<32x256xi32> to vector<32x1x256xi32>
      %swap3A = arith.constant 0 : index
      %swap3A_187 = arith.constant 0 : index
      %swap3A_188 = arith.constant 0 : index
      %swap3A_189 = vector.load %arg5[%swap3A, %swap3A_187, %swap3A_188] : memref<32x1x256xi32, #tpu.memory_space<vmem>>, vector<32x1x256xi32>
      tpu.vector_store %arg5[%swap3A, %swap3A_187, %swap3A_188], %reshape3A {strides = array<i32>} : memref<32x1x256xi32, #tpu.memory_space<vmem>>, vector<32x1x256xi32>,
      %add3A_190 = arith.addf %dot_general3A_21, %mul3A_16 : vector<16x1xf32>
      %iota3A_191 = tpu.iota {dimensions = array<i32: 1>} : vector<16x128xi32>
      %convert_element_type3A_192 = arith.sitofp %iota3A_191 : vector<16x128xi32> to vector<16x128xf32>
      %mul3A_193 = arith.constant 1.280000e+02 : f32
      %mul3A_194 = vector.broadcast %mul3A_193 : f32 to vector<16x128xf32>
      %mul3A_195 = arith.mulf %convert_element_type3A_192, %mul3A_194 : vector<16x128xf32>
      %ge3A = vector.broadcast %add3A_190 : vector<16x1xf32> to vector<16x128xf32>
      %ge3A_196 = arith.cmpf oge, %mul3A_195, %ge3A : vector<16x128xf32>
      %convert_element_type3A_197 = arith.extui %ge3A_196 : vector<16x128xi1> to vector<16x128xi32>
      %convert_element_type3A_198 = arith.sitofp %convert_element_type3A_197 : vector<16x128xi32> to vector<16x128xf32>
      %reduce_sum3A = arith.constant dense<0.000000e+00> : vector<128xf32>
      %reduce_sum3A_199 = vector.multi_reduction <add>, %convert_element_type3A_198, %reduce_sum3A [0] : vector<16x128xf32> to vector<128xf32>
      %min3A = arith.constant 1.500000e+01 : f32
      %min3A_200 = vector.broadcast %min3A : f32 to vector<128xf32>
      %min3A_201 = arith.minimumf %reduce_sum3A_199, %min3A_200 : vector<128xf32>
      %reduce_sum3A_202 = vector.shape_cast %mul3A_16 : vector<16x1xf32> to vector<1x16x1xf32>
      %reduce_sum3A_203 = arith.constant dense<0.000000e+00> : vector<1xf32>
      %reduce_sum3A_204 = vector.multi_reduction <add>, %reduce_sum3A_202, %reduce_sum3A_203 [1, 2] : vector<1x16x1xf32> to vector<1xf32>
      %reduce_sum3A_205 = vector.shape_cast %reduce_sum3A_204 : vector<1xf32> to vector<1x1x1xf32>
      %reduce_sum3A_206 = vector.extract %reduce_sum3A_205[0, 0, 0] : f32 from vector<1x1x1xf32>
      %iota3A_207 = tpu.iota {dimensions = array<i32: 1>} : vector<1x128xi32>
      %lt3A_208 = arith.constant 80 : i32
      %lt3A_209 = vector.broadcast %lt3A_208 : i32 to vector<1x128xi32>
      %lt3A_210 = arith.cmpi slt, %iota3A_207, %lt3A_209 : vector<1x128xi32>
      %reshape3A_211 = vector.shape_cast %min3A_201 : vector<128xf32> to vector<1x128xf32>
      %eq3A_212 = arith.constant 80 : i32
      %eq3A_213 = vector.broadcast %eq3A_212 : i32 to vector<1x128xi32>
      %eq3A_214 = arith.cmpi eq, %iota3A_207, %eq3A_213 : vector<1x128xi32>
      %jit3A_215 = arith.constant 0.000000e+00 : f32
      %broadcast_in_dim3A_216 = vector.broadcast %reduce_sum3A_206 : f32 to vector<1x128xf32>
      %broadcast_in_dim3A_217 = vector.broadcast %jit3A_215 : f32 to vector<1x128xf32>
      %select_n3A_218 = arith.select %eq3A_214, %broadcast_in_dim3A_216, %broadcast_in_dim3A_217 : vector<1x128xi1>, vector<1x128xf32>
      %select_n3A_219 = arith.select %lt3A_210, %reshape3A_211, %select_n3A_218 : vector<1x128xi1>, vector<1x128xf32>
      %convert_element_type3A_220 = arith.fptosi %select_n3A_219 : vector<1x128xf32> to vector<1x128xi32>
      %swap3A_221 = arith.constant 0 : index
      %swap3A_222 = arith.constant 0 : index
      %swap3A_223 = vector.load %arg6[%swap3A_221, %swap3A_222] : memref<1x128xi32, #tpu.memory_space<vmem>>, vector<1x128xi32>
      tpu.vector_store %arg6[%swap3A_221, %swap3A_222], %convert_element_type3A_220 {strides = array<i32>} : memref<1x128xi32, #tpu.memory_space<vmem>>, vector<1x128xi32>,
    } else {
    }
    return
  }
  func.func @transform_0(%arg0: i32) -> (i32, i32) {
    %min3A = arith.constant 31 : i32
    %min3A_0 = arith.minsi %arg0, %min3A : i32
    %c0_i32 = arith.constant 0 : i32
    %c0_i32_1 = arith.constant 0 : i32
    return %min3A_0, %c0_i32 : i32, i32
  }
  func.func @transform_1(%arg0: i32) -> (i32, i32) {
    %c0_i32 = arith.constant 0 : i32
    %c0_i32_0 = arith.constant 0 : i32
    %c0_i32_1 = arith.constant 0 : i32
    return %c0_i32, %c0_i32_0 : i32, i32
  }
  func.func @transform_2(%arg0: i32) -> (i32, i32, i32) {
    %min3A = arith.constant 31 : i32
    %min3A_0 = arith.minsi %arg0, %min3A : i32
    %c0_i32 = arith.constant 0 : i32
    %c0_i32_1 = arith.constant 0 : i32
    %c0_i32_2 = arith.constant 0 : i32
    return %min3A_0, %c0_i32, %c0_i32_1 : i32, i32, i32
  }
  func.func @transform_3(%arg0: i32) -> (i32, i32) {
    %min3A = arith.constant 31 : i32
    %min3A_0 = arith.minsi %arg0, %min3A : i32
    %c0_i32 = arith.constant 0 : i32
    %c0_i32_1 = arith.constant 0 : i32
    return %min3A_0, %c0_i32 : i32, i32
  }
  func.func @transform_4(%arg0: i32) -> (i32, i32, i32) {
    %c0_i32 = arith.constant 0 : i32
    %c0_i32_0 = arith.constant 0 : i32
    %c0_i32_1 = arith.constant 0 : i32
    %c0_i32_2 = arith.constant 0 : i32
    return %c0_i32, %c0_i32_0, %c0_i32_1 : i32, i32, i32
  }
  func.func @transform_5(%arg0: i32) -> (i32, i32) {
    %c0_i32 = arith.constant 0 : i32
    %c0_i32_0 = arith.constant 0 : i32
    %c0_i32_1 = arith.constant 0 : i32
    return %c0_i32, %c0_i32_0 : i32, i32
  }
}

module attributes {stable_mosaic.version = 14 : i64} {
  func.func @_combine_body(%arg0: i32, %arg1: memref<128x1024xbf16, #tpu.memory_space<vmem>>, %arg2: memref<256x1024xf32, #tpu.memory_space<vmem>>, %arg3: memref<1x2x128xf32, #tpu.memory_space<vmem>>, %arg4: memref<1024x256xf32, #tpu.memory_space<vmem>>, %arg5: memref<1024x256xf32, #tpu.memory_space<vmem>>, %arg6: memref<256x1024xf32, #tpu.memory_space<vmem>>, %arg7: memref<1x256xf32, #tpu.memory_space<vmem>>, %arg8: memref<1x256xf32, #tpu.memory_space<vmem>>, %arg9: memref<1x1024xf32, #tpu.memory_space<vmem>>, %arg10: memref<128x1024xf32, #tpu.memory_space<vmem>>) attributes {dimension_semantics = [#tpu.dimension_semantics<arbitrary>], iteration_bounds = array<i64: 32>, scalar_prefetch = 0 : i64, scratch_operands = 0 : i64, tpu.core_type = #tpu.core_type<tc>, window_params = [{transform_indices = @transform_0, window_bounds = array<i64: 128, 1024>}, {transform_indices = @transform_1, window_bounds = array<i64: 256, 1024>}, {transform_indices = @transform_2, window_bounds = array<i64: 1, 2, 128>}, {pipeline_mode = #tpu.pipeline_mode<synchronous>, transform_indices = @transform_3, window_bounds = array<i64: 1024, 256>}, {pipeline_mode = #tpu.pipeline_mode<synchronous>, transform_indices = @transform_4, window_bounds = array<i64: 1024, 256>}, {pipeline_mode = #tpu.pipeline_mode<synchronous>, transform_indices = @transform_5, window_bounds = array<i64: 256, 1024>}, {pipeline_mode = #tpu.pipeline_mode<synchronous>, transform_indices = @transform_6, window_bounds = array<i64: 1, 256>}, {pipeline_mode = #tpu.pipeline_mode<synchronous>, transform_indices = @transform_7, window_bounds = array<i64: 1, 256>}, {pipeline_mode = #tpu.pipeline_mode<synchronous>, transform_indices = @transform_8, window_bounds = array<i64: 1, 1024>}, {transform_indices = @transform_9, window_bounds = array<i64: 128, 1024>}]} {
    %get3A = arith.constant 0 : index
    %get3A_0 = arith.constant 0 : index
    %get3A_1 = vector.load %arg2[%get3A, %get3A_0] : memref<256x1024xf32, #tpu.memory_space<vmem>>, vector<256x1024xf32>
    %get3A_2 = arith.constant 0 : index
    %get3A_3 = arith.constant 0 : index
    %get3A_4 = arith.constant 0 : index
    %get3A_5 = vector.load %arg3[%get3A_2, %get3A_3, %get3A_4] : memref<1x2x128xf32, #tpu.memory_space<vmem>>, vector<1x1x128xf32>
    %get3A_6 = vector.shape_cast %get3A_5 : vector<1x1x128xf32> to vector<128xf32>
    %get3A_7 = arith.constant 0 : index
    %get3A_8 = arith.constant 1 : index
    %get3A_9 = arith.constant 0 : index
    %get3A_10 = vector.load %arg3[%get3A_7, %get3A_8, %get3A_9] : memref<1x2x128xf32, #tpu.memory_space<vmem>>, vector<1x1x128xf32>
    %get3A_11 = vector.shape_cast %get3A_10 : vector<1x1x128xf32> to vector<128xf32>
    %broadcast_in_dim3A = vector.shape_cast %get3A_6 : vector<128xf32> to vector<128x1xf32>
    %slice3A = vector.extract_strided_slice %get3A_1 {offsets = [0, 0], sizes = [128, 1024], strides = [1, 1]} : vector<256x1024xf32> to vector<128x1024xf32>
    %mul3A = vector.broadcast %broadcast_in_dim3A : vector<128x1xf32> to vector<128x1024xf32>
    %mul3A_12 = arith.mulf %mul3A, %slice3A : vector<128x1024xf32>
    %broadcast_in_dim3A_13 = vector.shape_cast %get3A_11 : vector<128xf32> to vector<128x1xf32>
    %slice3A_14 = vector.extract_strided_slice %get3A_1 {offsets = [128, 0], sizes = [128, 1024], strides = [1, 1]} : vector<256x1024xf32> to vector<128x1024xf32>
    %mul3A_15 = vector.broadcast %broadcast_in_dim3A_13 : vector<128x1xf32> to vector<128x1024xf32>
    %mul3A_16 = arith.mulf %mul3A_15, %slice3A_14 : vector<128x1024xf32>
    %add3A = arith.addf %mul3A_12, %mul3A_16 : vector<128x1024xf32>
    %get3A_17 = arith.constant 0 : index
    %get3A_18 = arith.constant 0 : index
    %get3A_19 = vector.load %arg1[%get3A_17, %get3A_18] : memref<128x1024xbf16, #tpu.memory_space<vmem>>, vector<128x1024xbf16>
    %convert_element_type3A = arith.extf %get3A_19 : vector<128x1024xbf16> to vector<128x1024xf32>
    %get3A_20 = arith.constant 0 : index
    %get3A_21 = arith.constant 0 : index
    %get3A_22 = vector.load %arg4[%get3A_20, %get3A_21] : memref<1024x256xf32, #tpu.memory_space<vmem>>, vector<1024x256xf32>
    %dot_general3A = arith.constant dense<0.000000e+00> : vector<128x256xf32>
    %dot_general3A_23 = tpu.matmul %convert_element_type3A, %get3A_22, %dot_general3A {dimension_numbers = #tpu.dot_dimension_numbers<[1], [0], [0], [1], [0, 0, 1, 1], [], []>, transpose_lhs_hint = false} : vector<128x1024xf32>, vector<1024x256xf32>, vector<128x256xf32> -> vector<128x256xf32>
    %get3A_24 = arith.constant 0 : index
    %get3A_25 = arith.constant 0 : index
    %get3A_26 = vector.load %arg7[%get3A_24, %get3A_25] : memref<1x256xf32, #tpu.memory_space<vmem>>, vector<1x256xf32>
    %add3A_27 = vector.broadcast %get3A_26 : vector<1x256xf32> to vector<128x256xf32>
    %add3A_28 = arith.addf %dot_general3A_23, %add3A_27 : vector<128x256xf32>
    %get3A_29 = arith.constant 0 : index
    %get3A_30 = arith.constant 0 : index
    %get3A_31 = vector.load %arg5[%get3A_29, %get3A_30] : memref<1024x256xf32, #tpu.memory_space<vmem>>, vector<1024x256xf32>
    %dot_general3A_32 = arith.constant dense<0.000000e+00> : vector<128x256xf32>
    %dot_general3A_33 = tpu.matmul %convert_element_type3A, %get3A_31, %dot_general3A_32 {dimension_numbers = #tpu.dot_dimension_numbers<[1], [0], [0], [1], [0, 0, 1, 1], [], []>, transpose_lhs_hint = false} : vector<128x1024xf32>, vector<1024x256xf32>, vector<128x256xf32> -> vector<128x256xf32>
    %get3A_34 = arith.constant 0 : index
    %get3A_35 = arith.constant 0 : index
    %get3A_36 = vector.load %arg8[%get3A_34, %get3A_35] : memref<1x256xf32, #tpu.memory_space<vmem>>, vector<1x256xf32>
    %add3A_37 = vector.broadcast %get3A_36 : vector<1x256xf32> to vector<128x256xf32>
    %add3A_38 = arith.addf %dot_general3A_33, %add3A_37 : vector<128x256xf32>
    %logistic3A = arith.negf %add3A_28 : vector<128x256xf32>
    %logistic3A_39 = math.exp %logistic3A : vector<128x256xf32>
    %logistic3A_40 = arith.constant 1.000000e+00 : f32
    %logistic3A_41 = vector.broadcast %logistic3A_40 : f32 to vector<128x256xf32>
    %logistic3A_42 = arith.addf %logistic3A_41, %logistic3A_39 : vector<128x256xf32>
    %logistic3A_43 = arith.divf %logistic3A_41, %logistic3A_42 : vector<128x256xf32>
    %mul3A_44 = arith.mulf %add3A_28, %logistic3A_43 : vector<128x256xf32>
    %mul3A_45 = arith.mulf %mul3A_44, %add3A_38 : vector<128x256xf32>
    %get3A_46 = arith.constant 0 : index
    %get3A_47 = arith.constant 0 : index
    %get3A_48 = vector.load %arg6[%get3A_46, %get3A_47] : memref<256x1024xf32, #tpu.memory_space<vmem>>, vector<256x1024xf32>
    %dot_general3A_49 = arith.constant dense<0.000000e+00> : vector<128x1024xf32>
    %dot_general3A_50 = tpu.matmul %mul3A_45, %get3A_48, %dot_general3A_49 {dimension_numbers = #tpu.dot_dimension_numbers<[1], [0], [0], [1], [0, 0, 1, 1], [], []>, transpose_lhs_hint = false} : vector<128x256xf32>, vector<256x1024xf32>, vector<128x1024xf32> -> vector<128x1024xf32>
    %get3A_51 = arith.constant 0 : index
    %get3A_52 = arith.constant 0 : index
    %get3A_53 = vector.load %arg9[%get3A_51, %get3A_52] : memref<1x1024xf32, #tpu.memory_space<vmem>>, vector<1x1024xf32>
    %add3A_54 = vector.broadcast %get3A_53 : vector<1x1024xf32> to vector<128x1024xf32>
    %add3A_55 = arith.addf %dot_general3A_50, %add3A_54 : vector<128x1024xf32>
    %add3A_56 = arith.addf %add3A, %add3A_55 : vector<128x1024xf32>
    %swap3A = arith.constant 0 : index
    %swap3A_57 = arith.constant 0 : index
    %swap3A_58 = vector.load %arg10[%swap3A, %swap3A_57] : memref<128x1024xf32, #tpu.memory_space<vmem>>, vector<128x1024xf32>
    tpu.vector_store %arg10[%swap3A, %swap3A_57], %add3A_56 {strides = array<i32>} : memref<128x1024xf32, #tpu.memory_space<vmem>>, vector<128x1024xf32>,
    return
  }
  func.func @transform_0(%arg0: i32) -> (i32, i32) {
    %c0_i32 = arith.constant 0 : i32
    %c0_i32_0 = arith.constant 0 : i32
    return %arg0, %c0_i32 : i32, i32
  }
  func.func @transform_1(%arg0: i32) -> (i32, i32) {
    %c0_i32 = arith.constant 0 : i32
    %c0_i32_0 = arith.constant 0 : i32
    return %arg0, %c0_i32 : i32, i32
  }
  func.func @transform_2(%arg0: i32) -> (i32, i32, i32) {
    %c0_i32 = arith.constant 0 : i32
    %c0_i32_0 = arith.constant 0 : i32
    %c0_i32_1 = arith.constant 0 : i32
    return %arg0, %c0_i32, %c0_i32_0 : i32, i32, i32
  }
  func.func @transform_3(%arg0: i32) -> (i32, i32) {
    %c0_i32 = arith.constant 0 : i32
    %c0_i32_0 = arith.constant 0 : i32
    %c0_i32_1 = arith.constant 0 : i32
    return %c0_i32, %c0_i32_0 : i32, i32
  }
  func.func @transform_4(%arg0: i32) -> (i32, i32) {
    %c0_i32 = arith.constant 0 : i32
    %c0_i32_0 = arith.constant 0 : i32
    %c0_i32_1 = arith.constant 0 : i32
    return %c0_i32, %c0_i32_0 : i32, i32
  }
  func.func @transform_5(%arg0: i32) -> (i32, i32) {
    %c0_i32 = arith.constant 0 : i32
    %c0_i32_0 = arith.constant 0 : i32
    %c0_i32_1 = arith.constant 0 : i32
    return %c0_i32, %c0_i32_0 : i32, i32
  }
  func.func @transform_6(%arg0: i32) -> (i32, i32) {
    %c0_i32 = arith.constant 0 : i32
    %c0_i32_0 = arith.constant 0 : i32
    %c0_i32_1 = arith.constant 0 : i32
    return %c0_i32, %c0_i32_0 : i32, i32
  }
  func.func @transform_7(%arg0: i32) -> (i32, i32) {
    %c0_i32 = arith.constant 0 : i32
    %c0_i32_0 = arith.constant 0 : i32
    %c0_i32_1 = arith.constant 0 : i32
    return %c0_i32, %c0_i32_0 : i32, i32
  }
  func.func @transform_8(%arg0: i32) -> (i32, i32) {
    %c0_i32 = arith.constant 0 : i32
    %c0_i32_0 = arith.constant 0 : i32
    %c0_i32_1 = arith.constant 0 : i32
    return %c0_i32, %c0_i32_0 : i32, i32
  }
  func.func @transform_9(%arg0: i32) -> (i32, i32) {
    %c0_i32 = arith.constant 0 : i32
    %c0_i32_0 = arith.constant 0 : i32
    return %arg0, %c0_i32 : i32, i32
  }
}

module attributes {stable_mosaic.version = 14 : i64} {
  func.func @_grouped_body(%arg0: i32, %arg1: memref<128xi32, #tpu.memory_space<smem>>, %arg2: memref<128x1024xf32, #tpu.memory_space<vmem>>, %arg3: memref<1x1024x256xf32, #tpu.memory_space<vmem>>, %arg4: memref<1x1024x256xf32, #tpu.memory_space<vmem>>, %arg5: memref<1x256x1024xf32, #tpu.memory_space<vmem>>, %arg6: memref<1x1x256xf32, #tpu.memory_space<vmem>>, %arg7: memref<1x1x256xf32, #tpu.memory_space<vmem>>, %arg8: memref<1x1x1024xf32, #tpu.memory_space<vmem>>, %arg9: memref<128x1024xf32, #tpu.memory_space<vmem>>) attributes {dimension_semantics = [#tpu.dimension_semantics<arbitrary>], iteration_bounds = array<i64: 80>, scalar_prefetch = 1 : i64, scratch_operands = 0 : i64, tpu.core_type = #tpu.core_type<tc>, window_params = [{transform_indices = @transform_0, window_bounds = array<i64: 128, 1024>}, {transform_indices = @transform_1, window_bounds = array<i64: 1, 1024, 256>}, {transform_indices = @transform_2, window_bounds = array<i64: 1, 1024, 256>}, {transform_indices = @transform_3, window_bounds = array<i64: 1, 256, 1024>}, {transform_indices = @transform_4, window_bounds = array<i64: 1, 1, 256>}, {transform_indices = @transform_5, window_bounds = array<i64: 1, 1, 256>}, {transform_indices = @transform_6, window_bounds = array<i64: 1, 1, 1024>}, {transform_indices = @transform_7, window_bounds = array<i64: 128, 1024>}]} {
    %mul3A = arith.constant 128 : i32
    %mul3A_0 = arith.muli %arg0, %mul3A : i32
    %get3A = arith.constant 80 : index
    %get3A_1 = memref.load %arg1[%get3A] : memref<128xi32, #tpu.memory_space<smem>>
    %lt3A = arith.cmpi slt, %mul3A_0, %get3A_1 : i32
    %convert_element_type3A = arith.extui %lt3A : i1 to i32
    %cond3A = arith.constant 0 : i32
    %cond3A_2 = arith.cmpi ne, %convert_element_type3A, %cond3A : i32
    scf.if %cond3A_2 {
      %get3A_3 = arith.constant 0 : index
      %get3A_4 = arith.constant 0 : index
      %get3A_5 = vector.load %arg2[%get3A_3, %get3A_4] : memref<128x1024xf32, #tpu.memory_space<vmem>>, vector<128x1024xf32>
      %get3A_6 = arith.constant 0 : index
      %get3A_7 = arith.constant 0 : index
      %get3A_8 = arith.constant 0 : index
      %get3A_9 = vector.load %arg3[%get3A_6, %get3A_7, %get3A_8] : memref<1x1024x256xf32, #tpu.memory_space<vmem>>, vector<1x1024x256xf32>
      %get3A_10 = vector.shape_cast %get3A_9 : vector<1x1024x256xf32> to vector<1024x256xf32>
      %dot_general3A = arith.constant dense<0.000000e+00> : vector<128x256xf32>
      %dot_general3A_11 = tpu.matmul %get3A_5, %get3A_10, %dot_general3A {dimension_numbers = #tpu.dot_dimension_numbers<[1], [0], [0], [1], [0, 0, 1, 1], [], []>, transpose_lhs_hint = false} : vector<128x1024xf32>, vector<1024x256xf32>, vector<128x256xf32> -> vector<128x256xf32>
      %get3A_12 = arith.constant 0 : index
      %get3A_13 = arith.constant 0 : index
      %get3A_14 = arith.constant 0 : index
      %get3A_15 = vector.load %arg6[%get3A_12, %get3A_13, %get3A_14] : memref<1x1x256xf32, #tpu.memory_space<vmem>>, vector<1x1x256xf32>
      %get3A_16 = vector.shape_cast %get3A_15 : vector<1x1x256xf32> to vector<256xf32>
      %broadcast_in_dim3A = vector.shape_cast %get3A_16 : vector<256xf32> to vector<1x256xf32>
      %add3A = vector.broadcast %broadcast_in_dim3A : vector<1x256xf32> to vector<128x256xf32>
      %add3A_17 = arith.addf %dot_general3A_11, %add3A : vector<128x256xf32>
      %get3A_18 = arith.constant 0 : index
      %get3A_19 = arith.constant 0 : index
      %get3A_20 = arith.constant 0 : index
      %get3A_21 = vector.load %arg4[%get3A_18, %get3A_19, %get3A_20] : memref<1x1024x256xf32, #tpu.memory_space<vmem>>, vector<1x1024x256xf32>
      %get3A_22 = vector.shape_cast %get3A_21 : vector<1x1024x256xf32> to vector<1024x256xf32>
      %dot_general3A_23 = arith.constant dense<0.000000e+00> : vector<128x256xf32>
      %dot_general3A_24 = tpu.matmul %get3A_5, %get3A_22, %dot_general3A_23 {dimension_numbers = #tpu.dot_dimension_numbers<[1], [0], [0], [1], [0, 0, 1, 1], [], []>, transpose_lhs_hint = false} : vector<128x1024xf32>, vector<1024x256xf32>, vector<128x256xf32> -> vector<128x256xf32>
      %get3A_25 = arith.constant 0 : index
      %get3A_26 = arith.constant 0 : index
      %get3A_27 = arith.constant 0 : index
      %get3A_28 = vector.load %arg7[%get3A_25, %get3A_26, %get3A_27] : memref<1x1x256xf32, #tpu.memory_space<vmem>>, vector<1x1x256xf32>
      %get3A_29 = vector.shape_cast %get3A_28 : vector<1x1x256xf32> to vector<256xf32>
      %broadcast_in_dim3A_30 = vector.shape_cast %get3A_29 : vector<256xf32> to vector<1x256xf32>
      %add3A_31 = vector.broadcast %broadcast_in_dim3A_30 : vector<1x256xf32> to vector<128x256xf32>
      %add3A_32 = arith.addf %dot_general3A_24, %add3A_31 : vector<128x256xf32>
      %logistic3A = arith.negf %add3A_17 : vector<128x256xf32>
      %logistic3A_33 = math.exp %logistic3A : vector<128x256xf32>
      %logistic3A_34 = arith.constant 1.000000e+00 : f32
      %logistic3A_35 = vector.broadcast %logistic3A_34 : f32 to vector<128x256xf32>
      %logistic3A_36 = arith.addf %logistic3A_35, %logistic3A_33 : vector<128x256xf32>
      %logistic3A_37 = arith.divf %logistic3A_35, %logistic3A_36 : vector<128x256xf32>
      %mul3A_38 = arith.mulf %add3A_17, %logistic3A_37 : vector<128x256xf32>
      %mul3A_39 = arith.mulf %mul3A_38, %add3A_32 : vector<128x256xf32>
      %get3A_40 = arith.constant 0 : index
      %get3A_41 = arith.constant 0 : index
      %get3A_42 = arith.constant 0 : index
      %get3A_43 = vector.load %arg5[%get3A_40, %get3A_41, %get3A_42] : memref<1x256x1024xf32, #tpu.memory_space<vmem>>, vector<1x256x1024xf32>
      %get3A_44 = vector.shape_cast %get3A_43 : vector<1x256x1024xf32> to vector<256x1024xf32>
      %dot_general3A_45 = arith.constant dense<0.000000e+00> : vector<128x1024xf32>
      %dot_general3A_46 = tpu.matmul %mul3A_39, %get3A_44, %dot_general3A_45 {dimension_numbers = #tpu.dot_dimension_numbers<[1], [0], [0], [1], [0, 0, 1, 1], [], []>, transpose_lhs_hint = false} : vector<128x256xf32>, vector<256x1024xf32>, vector<128x1024xf32> -> vector<128x1024xf32>
      %get3A_47 = arith.constant 0 : index
      %get3A_48 = arith.constant 0 : index
      %get3A_49 = arith.constant 0 : index
      %get3A_50 = vector.load %arg8[%get3A_47, %get3A_48, %get3A_49] : memref<1x1x1024xf32, #tpu.memory_space<vmem>>, vector<1x1x1024xf32>
      %get3A_51 = vector.shape_cast %get3A_50 : vector<1x1x1024xf32> to vector<1024xf32>
      %broadcast_in_dim3A_52 = vector.shape_cast %get3A_51 : vector<1024xf32> to vector<1x1024xf32>
      %add3A_53 = vector.broadcast %broadcast_in_dim3A_52 : vector<1x1024xf32> to vector<128x1024xf32>
      %add3A_54 = arith.addf %dot_general3A_46, %add3A_53 : vector<128x1024xf32>
      %swap3A = arith.constant 0 : index
      %swap3A_55 = arith.constant 0 : index
      %swap3A_56 = vector.load %arg9[%swap3A, %swap3A_55] : memref<128x1024xf32, #tpu.memory_space<vmem>>, vector<128x1024xf32>
      tpu.vector_store %arg9[%swap3A, %swap3A_55], %add3A_54 {strides = array<i32>} : memref<128x1024xf32, #tpu.memory_space<vmem>>, vector<128x1024xf32>,
    } else {
    }
    return
  }
  func.func @transform_0(%arg0: i32, %arg1: memref<128xi32, #tpu.memory_space<smem>>) -> (i32, i32) {
    %get3A = arith.constant 80 : index
    %get3A_0 = memref.load %arg1[%get3A] : memref<128xi32, #tpu.memory_space<smem>>
    %jit3A = arith.constant 128 : i32
    %div3A = arith.divsi %get3A_0, %jit3A : i32
    %sign3A = arith.constant 0 : i32
    %sign3A_1 = arith.cmpi sgt, %get3A_0, %sign3A : i32
    %sign3A_2 = arith.extui %sign3A_1 : i1 to i32
    %sign3A_3 = arith.constant 0 : i32
    %sign3A_4 = arith.cmpi slt, %get3A_0, %sign3A_3 : i32
    %sign3A_5 = arith.extui %sign3A_4 : i1 to i32
    %sign3A_6 = arith.subi %sign3A_2, %sign3A_5 : i32
    %sign3A_7 = arith.constant 0 : i32
    %sign3A_8 = arith.cmpi sgt, %jit3A, %sign3A_7 : i32
    %sign3A_9 = arith.extui %sign3A_8 : i1 to i32
    %sign3A_10 = arith.constant 0 : i32
    %sign3A_11 = arith.cmpi slt, %jit3A, %sign3A_10 : i32
    %sign3A_12 = arith.extui %sign3A_11 : i1 to i32
    %sign3A_13 = arith.subi %sign3A_9, %sign3A_12 : i32
    %ne3A = arith.cmpi ne, %sign3A_6, %sign3A_13 : i32
    %rem3A = arith.remsi %get3A_0, %jit3A : i32
    %ne3A_14 = arith.constant 0 : i32
    %ne3A_15 = arith.cmpi ne, %rem3A, %ne3A_14 : i32
    %and3A = arith.andi %ne3A, %ne3A_15 : i1
    %sub3A = arith.constant 1 : i32
    %sub3A_16 = arith.subi %div3A, %sub3A : i32
    %select_n3A = arith.select %and3A, %sub3A_16, %div3A : i32
    %sub3A_17 = arith.constant 1 : i32
    %sub3A_18 = arith.subi %select_n3A, %sub3A_17 : i32
    %min3A = arith.minsi %arg0, %sub3A_18 : i32
    %c0_i32 = arith.constant 0 : i32
    %c0_i32_19 = arith.constant 0 : i32
    return %min3A, %c0_i32 : i32, i32
  }
  func.func @transform_1(%arg0: i32, %arg1: memref<128xi32, #tpu.memory_space<smem>>) -> (i32, i32, i32) {
    %get3A = arith.constant 80 : index
    %get3A_0 = memref.load %arg1[%get3A] : memref<128xi32, #tpu.memory_space<smem>>
    %jit3A = arith.constant 128 : i32
    %div3A = arith.divsi %get3A_0, %jit3A : i32
    %sign3A = arith.constant 0 : i32
    %sign3A_1 = arith.cmpi sgt, %get3A_0, %sign3A : i32
    %sign3A_2 = arith.extui %sign3A_1 : i1 to i32
    %sign3A_3 = arith.constant 0 : i32
    %sign3A_4 = arith.cmpi slt, %get3A_0, %sign3A_3 : i32
    %sign3A_5 = arith.extui %sign3A_4 : i1 to i32
    %sign3A_6 = arith.subi %sign3A_2, %sign3A_5 : i32
    %sign3A_7 = arith.constant 0 : i32
    %sign3A_8 = arith.cmpi sgt, %jit3A, %sign3A_7 : i32
    %sign3A_9 = arith.extui %sign3A_8 : i1 to i32
    %sign3A_10 = arith.constant 0 : i32
    %sign3A_11 = arith.cmpi slt, %jit3A, %sign3A_10 : i32
    %sign3A_12 = arith.extui %sign3A_11 : i1 to i32
    %sign3A_13 = arith.subi %sign3A_9, %sign3A_12 : i32
    %ne3A = arith.cmpi ne, %sign3A_6, %sign3A_13 : i32
    %rem3A = arith.remsi %get3A_0, %jit3A : i32
    %ne3A_14 = arith.constant 0 : i32
    %ne3A_15 = arith.cmpi ne, %rem3A, %ne3A_14 : i32
    %and3A = arith.andi %ne3A, %ne3A_15 : i1
    %sub3A = arith.constant 1 : i32
    %sub3A_16 = arith.subi %div3A, %sub3A : i32
    %select_n3A = arith.select %and3A, %sub3A_16, %div3A : i32
    %sub3A_17 = arith.constant 1 : i32
    %sub3A_18 = arith.subi %select_n3A, %sub3A_17 : i32
    %min3A = arith.minsi %arg0, %sub3A_18 : i32
    %get3A_19 = arith.index_cast %min3A : i32 to index
    %get3A_20 = memref.load %arg1[%get3A_19] : memref<128xi32, #tpu.memory_space<smem>>
    %c0_i32 = arith.constant 0 : i32
    %c0_i32_21 = arith.constant 0 : i32
    %c0_i32_22 = arith.constant 0 : i32
    return %get3A_20, %c0_i32, %c0_i32_21 : i32, i32, i32
  }
  func.func @transform_2(%arg0: i32, %arg1: memref<128xi32, #tpu.memory_space<smem>>) -> (i32, i32, i32) {
    %get3A = arith.constant 80 : index
    %get3A_0 = memref.load %arg1[%get3A] : memref<128xi32, #tpu.memory_space<smem>>
    %jit3A = arith.constant 128 : i32
    %div3A = arith.divsi %get3A_0, %jit3A : i32
    %sign3A = arith.constant 0 : i32
    %sign3A_1 = arith.cmpi sgt, %get3A_0, %sign3A : i32
    %sign3A_2 = arith.extui %sign3A_1 : i1 to i32
    %sign3A_3 = arith.constant 0 : i32
    %sign3A_4 = arith.cmpi slt, %get3A_0, %sign3A_3 : i32
    %sign3A_5 = arith.extui %sign3A_4 : i1 to i32
    %sign3A_6 = arith.subi %sign3A_2, %sign3A_5 : i32
    %sign3A_7 = arith.constant 0 : i32
    %sign3A_8 = arith.cmpi sgt, %jit3A, %sign3A_7 : i32
    %sign3A_9 = arith.extui %sign3A_8 : i1 to i32
    %sign3A_10 = arith.constant 0 : i32
    %sign3A_11 = arith.cmpi slt, %jit3A, %sign3A_10 : i32
    %sign3A_12 = arith.extui %sign3A_11 : i1 to i32
    %sign3A_13 = arith.subi %sign3A_9, %sign3A_12 : i32
    %ne3A = arith.cmpi ne, %sign3A_6, %sign3A_13 : i32
    %rem3A = arith.remsi %get3A_0, %jit3A : i32
    %ne3A_14 = arith.constant 0 : i32
    %ne3A_15 = arith.cmpi ne, %rem3A, %ne3A_14 : i32
    %and3A = arith.andi %ne3A, %ne3A_15 : i1
    %sub3A = arith.constant 1 : i32
    %sub3A_16 = arith.subi %div3A, %sub3A : i32
    %select_n3A = arith.select %and3A, %sub3A_16, %div3A : i32
    %sub3A_17 = arith.constant 1 : i32
    %sub3A_18 = arith.subi %select_n3A, %sub3A_17 : i32
    %min3A = arith.minsi %arg0, %sub3A_18 : i32
    %get3A_19 = arith.index_cast %min3A : i32 to index
    %get3A_20 = memref.load %arg1[%get3A_19] : memref<128xi32, #tpu.memory_space<smem>>
    %c0_i32 = arith.constant 0 : i32
    %c0_i32_21 = arith.constant 0 : i32
    %c0_i32_22 = arith.constant 0 : i32
    return %get3A_20, %c0_i32, %c0_i32_21 : i32, i32, i32
  }
  func.func @transform_3(%arg0: i32, %arg1: memref<128xi32, #tpu.memory_space<smem>>) -> (i32, i32, i32) {
    %get3A = arith.constant 80 : index
    %get3A_0 = memref.load %arg1[%get3A] : memref<128xi32, #tpu.memory_space<smem>>
    %jit3A = arith.constant 128 : i32
    %div3A = arith.divsi %get3A_0, %jit3A : i32
    %sign3A = arith.constant 0 : i32
    %sign3A_1 = arith.cmpi sgt, %get3A_0, %sign3A : i32
    %sign3A_2 = arith.extui %sign3A_1 : i1 to i32
    %sign3A_3 = arith.constant 0 : i32
    %sign3A_4 = arith.cmpi slt, %get3A_0, %sign3A_3 : i32
    %sign3A_5 = arith.extui %sign3A_4 : i1 to i32
    %sign3A_6 = arith.subi %sign3A_2, %sign3A_5 : i32
    %sign3A_7 = arith.constant 0 : i32
    %sign3A_8 = arith.cmpi sgt, %jit3A, %sign3A_7 : i32
    %sign3A_9 = arith.extui %sign3A_8 : i1 to i32
    %sign3A_10 = arith.constant 0 : i32
    %sign3A_11 = arith.cmpi slt, %jit3A, %sign3A_10 : i32
    %sign3A_12 = arith.extui %sign3A_11 : i1 to i32
    %sign3A_13 = arith.subi %sign3A_9, %sign3A_12 : i32
    %ne3A = arith.cmpi ne, %sign3A_6, %sign3A_13 : i32
    %rem3A = arith.remsi %get3A_0, %jit3A : i32
    %ne3A_14 = arith.constant 0 : i32
    %ne3A_15 = arith.cmpi ne, %rem3A, %ne3A_14 : i32
    %and3A = arith.andi %ne3A, %ne3A_15 : i1
    %sub3A = arith.constant 1 : i32
    %sub3A_16 = arith.subi %div3A, %sub3A : i32
    %select_n3A = arith.select %and3A, %sub3A_16, %div3A : i32
    %sub3A_17 = arith.constant 1 : i32
    %sub3A_18 = arith.subi %select_n3A, %sub3A_17 : i32
    %min3A = arith.minsi %arg0, %sub3A_18 : i32
    %get3A_19 = arith.index_cast %min3A : i32 to index
    %get3A_20 = memref.load %arg1[%get3A_19] : memref<128xi32, #tpu.memory_space<smem>>
    %c0_i32 = arith.constant 0 : i32
    %c0_i32_21 = arith.constant 0 : i32
    %c0_i32_22 = arith.constant 0 : i32
    return %get3A_20, %c0_i32, %c0_i32_21 : i32, i32, i32
  }
  func.func @transform_4(%arg0: i32, %arg1: memref<128xi32, #tpu.memory_space<smem>>) -> (i32, i32, i32) {
    %get3A = arith.constant 80 : index
    %get3A_0 = memref.load %arg1[%get3A] : memref<128xi32, #tpu.memory_space<smem>>
    %jit3A = arith.constant 128 : i32
    %div3A = arith.divsi %get3A_0, %jit3A : i32
    %sign3A = arith.constant 0 : i32
    %sign3A_1 = arith.cmpi sgt, %get3A_0, %sign3A : i32
    %sign3A_2 = arith.extui %sign3A_1 : i1 to i32
    %sign3A_3 = arith.constant 0 : i32
    %sign3A_4 = arith.cmpi slt, %get3A_0, %sign3A_3 : i32
    %sign3A_5 = arith.extui %sign3A_4 : i1 to i32
    %sign3A_6 = arith.subi %sign3A_2, %sign3A_5 : i32
    %sign3A_7 = arith.constant 0 : i32
    %sign3A_8 = arith.cmpi sgt, %jit3A, %sign3A_7 : i32
    %sign3A_9 = arith.extui %sign3A_8 : i1 to i32
    %sign3A_10 = arith.constant 0 : i32
    %sign3A_11 = arith.cmpi slt, %jit3A, %sign3A_10 : i32
    %sign3A_12 = arith.extui %sign3A_11 : i1 to i32
    %sign3A_13 = arith.subi %sign3A_9, %sign3A_12 : i32
    %ne3A = arith.cmpi ne, %sign3A_6, %sign3A_13 : i32
    %rem3A = arith.remsi %get3A_0, %jit3A : i32
    %ne3A_14 = arith.constant 0 : i32
    %ne3A_15 = arith.cmpi ne, %rem3A, %ne3A_14 : i32
    %and3A = arith.andi %ne3A, %ne3A_15 : i1
    %sub3A = arith.constant 1 : i32
    %sub3A_16 = arith.subi %div3A, %sub3A : i32
    %select_n3A = arith.select %and3A, %sub3A_16, %div3A : i32
    %sub3A_17 = arith.constant 1 : i32
    %sub3A_18 = arith.subi %select_n3A, %sub3A_17 : i32
    %min3A = arith.minsi %arg0, %sub3A_18 : i32
    %get3A_19 = arith.index_cast %min3A : i32 to index
    %get3A_20 = memref.load %arg1[%get3A_19] : memref<128xi32, #tpu.memory_space<smem>>
    %c0_i32 = arith.constant 0 : i32
    %c0_i32_21 = arith.constant 0 : i32
    %c0_i32_22 = arith.constant 0 : i32
    return %get3A_20, %c0_i32, %c0_i32_21 : i32, i32, i32
  }
  func.func @transform_5(%arg0: i32, %arg1: memref<128xi32, #tpu.memory_space<smem>>) -> (i32, i32, i32) {
    %get3A = arith.constant 80 : index
    %get3A_0 = memref.load %arg1[%get3A] : memref<128xi32, #tpu.memory_space<smem>>
    %jit3A = arith.constant 128 : i32
    %div3A = arith.divsi %get3A_0, %jit3A : i32
    %sign3A = arith.constant 0 : i32
    %sign3A_1 = arith.cmpi sgt, %get3A_0, %sign3A : i32
    %sign3A_2 = arith.extui %sign3A_1 : i1 to i32
    %sign3A_3 = arith.constant 0 : i32
    %sign3A_4 = arith.cmpi slt, %get3A_0, %sign3A_3 : i32
    %sign3A_5 = arith.extui %sign3A_4 : i1 to i32
    %sign3A_6 = arith.subi %sign3A_2, %sign3A_5 : i32
    %sign3A_7 = arith.constant 0 : i32
    %sign3A_8 = arith.cmpi sgt, %jit3A, %sign3A_7 : i32
    %sign3A_9 = arith.extui %sign3A_8 : i1 to i32
    %sign3A_10 = arith.constant 0 : i32
    %sign3A_11 = arith.cmpi slt, %jit3A, %sign3A_10 : i32
    %sign3A_12 = arith.extui %sign3A_11 : i1 to i32
    %sign3A_13 = arith.subi %sign3A_9, %sign3A_12 : i32
    %ne3A = arith.cmpi ne, %sign3A_6, %sign3A_13 : i32
    %rem3A = arith.remsi %get3A_0, %jit3A : i32
    %ne3A_14 = arith.constant 0 : i32
    %ne3A_15 = arith.cmpi ne, %rem3A, %ne3A_14 : i32
    %and3A = arith.andi %ne3A, %ne3A_15 : i1
    %sub3A = arith.constant 1 : i32
    %sub3A_16 = arith.subi %div3A, %sub3A : i32
    %select_n3A = arith.select %and3A, %sub3A_16, %div3A : i32
    %sub3A_17 = arith.constant 1 : i32
    %sub3A_18 = arith.subi %select_n3A, %sub3A_17 : i32
    %min3A = arith.minsi %arg0, %sub3A_18 : i32
    %get3A_19 = arith.index_cast %min3A : i32 to index
    %get3A_20 = memref.load %arg1[%get3A_19] : memref<128xi32, #tpu.memory_space<smem>>
    %c0_i32 = arith.constant 0 : i32
    %c0_i32_21 = arith.constant 0 : i32
    %c0_i32_22 = arith.constant 0 : i32
    return %get3A_20, %c0_i32, %c0_i32_21 : i32, i32, i32
  }
  func.func @transform_6(%arg0: i32, %arg1: memref<128xi32, #tpu.memory_space<smem>>) -> (i32, i32, i32) {
    %get3A = arith.constant 80 : index
    %get3A_0 = memref.load %arg1[%get3A] : memref<128xi32, #tpu.memory_space<smem>>
    %jit3A = arith.constant 128 : i32
    %div3A = arith.divsi %get3A_0, %jit3A : i32
    %sign3A = arith.constant 0 : i32
    %sign3A_1 = arith.cmpi sgt, %get3A_0, %sign3A : i32
    %sign3A_2 = arith.extui %sign3A_1 : i1 to i32
    %sign3A_3 = arith.constant 0 : i32
    %sign3A_4 = arith.cmpi slt, %get3A_0, %sign3A_3 : i32
    %sign3A_5 = arith.extui %sign3A_4 : i1 to i32
    %sign3A_6 = arith.subi %sign3A_2, %sign3A_5 : i32
    %sign3A_7 = arith.constant 0 : i32
    %sign3A_8 = arith.cmpi sgt, %jit3A, %sign3A_7 : i32
    %sign3A_9 = arith.extui %sign3A_8 : i1 to i32
    %sign3A_10 = arith.constant 0 : i32
    %sign3A_11 = arith.cmpi slt, %jit3A, %sign3A_10 : i32
    %sign3A_12 = arith.extui %sign3A_11 : i1 to i32
    %sign3A_13 = arith.subi %sign3A_9, %sign3A_12 : i32
    %ne3A = arith.cmpi ne, %sign3A_6, %sign3A_13 : i32
    %rem3A = arith.remsi %get3A_0, %jit3A : i32
    %ne3A_14 = arith.constant 0 : i32
    %ne3A_15 = arith.cmpi ne, %rem3A, %ne3A_14 : i32
    %and3A = arith.andi %ne3A, %ne3A_15 : i1
    %sub3A = arith.constant 1 : i32
    %sub3A_16 = arith.subi %div3A, %sub3A : i32
    %select_n3A = arith.select %and3A, %sub3A_16, %div3A : i32
    %sub3A_17 = arith.constant 1 : i32
    %sub3A_18 = arith.subi %select_n3A, %sub3A_17 : i32
    %min3A = arith.minsi %arg0, %sub3A_18 : i32
    %get3A_19 = arith.index_cast %min3A : i32 to index
    %get3A_20 = memref.load %arg1[%get3A_19] : memref<128xi32, #tpu.memory_space<smem>>
    %c0_i32 = arith.constant 0 : i32
    %c0_i32_21 = arith.constant 0 : i32
    %c0_i32_22 = arith.constant 0 : i32
    return %get3A_20, %c0_i32, %c0_i32_21 : i32, i32, i32
  }
  func.func @transform_7(%arg0: i32, %arg1: memref<128xi32, #tpu.memory_space<smem>>) -> (i32, i32) {
    %get3A = arith.constant 80 : index
    %get3A_0 = memref.load %arg1[%get3A] : memref<128xi32, #tpu.memory_space<smem>>
    %jit3A = arith.constant 128 : i32
    %div3A = arith.divsi %get3A_0, %jit3A : i32
    %sign3A = arith.constant 0 : i32
    %sign3A_1 = arith.cmpi sgt, %get3A_0, %sign3A : i32
    %sign3A_2 = arith.extui %sign3A_1 : i1 to i32
    %sign3A_3 = arith.constant 0 : i32
    %sign3A_4 = arith.cmpi slt, %get3A_0, %sign3A_3 : i32
    %sign3A_5 = arith.extui %sign3A_4 : i1 to i32
    %sign3A_6 = arith.subi %sign3A_2, %sign3A_5 : i32
    %sign3A_7 = arith.constant 0 : i32
    %sign3A_8 = arith.cmpi sgt, %jit3A, %sign3A_7 : i32
    %sign3A_9 = arith.extui %sign3A_8 : i1 to i32
    %sign3A_10 = arith.constant 0 : i32
    %sign3A_11 = arith.cmpi slt, %jit3A, %sign3A_10 : i32
    %sign3A_12 = arith.extui %sign3A_11 : i1 to i32
    %sign3A_13 = arith.subi %sign3A_9, %sign3A_12 : i32
    %ne3A = arith.cmpi ne, %sign3A_6, %sign3A_13 : i32
    %rem3A = arith.remsi %get3A_0, %jit3A : i32
    %ne3A_14 = arith.constant 0 : i32
    %ne3A_15 = arith.cmpi ne, %rem3A, %ne3A_14 : i32
    %and3A = arith.andi %ne3A, %ne3A_15 : i1
    %sub3A = arith.constant 1 : i32
    %sub3A_16 = arith.subi %div3A, %sub3A : i32
    %select_n3A = arith.select %and3A, %sub3A_16, %div3A : i32
    %sub3A_17 = arith.constant 1 : i32
    %sub3A_18 = arith.subi %select_n3A, %sub3A_17 : i32
    %min3A = arith.minsi %arg0, %sub3A_18 : i32
    %c0_i32 = arith.constant 0 : i32
    %c0_i32_19 = arith.constant 0 : i32
    return %min3A, %c0_i32 : i32, i32
  }
}

</mosaic_0001>

<sc_bundles>
// kernel: kernel.10.cloned.1.call-start
scs
__scs_entry_jumppad:
0x0: {  	(pc) =	sbr.rel $0x88, $3  }
0x1: {  	(tag) =	ssettag $0x0;
	lr =	simm.s32 $0x1  }
0x2: {  	[smem:$0x3F93] =	sst lr;
	_ =	strace $0xD0000000  }
0x3: {  	_ = 	snop  }
0x4: {  	_ = 	snop  }
0x5: {  	_ = 	snop  }
0x6: {  	_ = 	snop  }
0x7: {  	_ = 	snop  }
__scs_overlays_trampoline_lowered:
0x8: {  	[smem:$0x3FA2] =	sst s0  }
0x9: {  	[smem:$0x3FA3] =	sst s1  }
0xa: {  	[smem:$0x3FA4] =	sst s2  }
0xb: {  	[smem:$0x3FA5] =	sst s3  }
0xc: {  	[smem:$0x3FA6] =	sst s4  }
0xd: {  	[smem:$0x3FA7] =	sst s5  }
0xe: {  	[smem:$0x3FA8] =	sst s6  }
0xf: {  	[smem:$0x3FA9] =	sst s7  }
0x10: {  	[smem:$0x3FAA] =	sst s8  }
0x11: {  	[smem:$0x3FAB] =	sst s9;
	s0 =	simm.s32 @!p0 $0x0  }
0x12: {  	s1 =	sld [smem:$0x3F91];
	s0 =	simm.s32 @p0 $0x1  }
0x13: {  	[smem:$0x3FAC] =	sst s0;
	s0 =	simm.s32 @!p1 $0x0  }
0x14: {  	s2 =	sld [smem:$0x3F90];
	s0 =	simm.s32 @p1 $0x1  }
0x15: {  	[smem:$0x3FAD] =	sst s0;
	s0 =	simm.s32 @!p2 $0x0  }
0x16: {  	s3 =	sld [smem:$0x3FDB];
	s0 =	simm.s32 @p2 $0x1  }
0x17: {  	s4 =	simm.s32 $0x1BF5;
	[smem:$0x3FAF] =	sst s0  }
0x18: {  	s0 =	sld [smem:$0x3F92];
	_ =	swait.ge [sflag:s4], $0x0  }
0x19: {  	s7 =	sld [smem:$0x3F93]  }
0x1a: {  	s8 =	sadd.s32 $0xFFFFE003, lr  }
0x1b: {  	s9 =	sadd.s32 $0xFFFFFEF7, lr;
	s5 =	simm.s32 $0xFFFFFFFF;
	p2 =	slt.u32 s8, $0xFFFFF086  }
0x1c: {  	p1 =	slt.u32 s9, $0xF7A;
	s5 =	simm.s32 @!p2 $0x0  }
0x1d: {  	s5 =	simm.s32 @p1 $0x1;
	p0 =	seq.s32 s7, s2  }
0x1e: {  	s7 =	smul.u32 @!p0 $0xF7A, s2;
	p2 =	seq.s32 @!p0 s5, $0x0  }
0x1f: {  	s9 =	smul.u32 $0xF7A, s1;
	s8 =	simm.s32 @!p0 $0x1BF5;
	p2 =	por !p2, p0  }
0x20: {  	[sflag:s8] =	ssyncset.s32 @!p0 $0xFFFFF086;
	s6 =	sadd.s32 @!p0 s3, s7;
	s7 =	simm.s32 @!p0 $0x108  }
0x21: {  	s3 =	sadd.s32 s3, s9;
	s6 =	sadd.s32 @!p0 $0x88, s6;
	s7 =	simm.s32 @p2 $0x1082  }
0x22: {  	[simem:s7], [sflag:s8] =	dma.local @!p0 [hbm:s6], $0xF7A  }
0x23: {  	s9 =	sor.u32 $0xD0000000, s2;
	s6 =	simm.s32 $0x108;
	_ =	swait.ge @!p0 [sflag:s8], $0x0  }
0x24: {  	s3 =	sadd.s32 $0x88, s3;
	s6 =	simm.s32 @!p1 $0x1082;
	[sflag:s4] =	ssyncset.s32 $0xFFFFF086  }
0x25: {  	[simem:s6], [sflag:s4] =	dma.local [hbm:s3], $0xF7A  }
0x26: {  	[smem:$0x3F93] =	sst s1;
	(tag) =	ssettag s2;
	_ =	strace s9  }
0x27: {  	s1 =	sld [smem:$0x3FA3]  }
0x28: {  	s2 =	sld [smem:$0x3FA4]  }
0x29: {  	s4 =	sld [smem:$0x3FA6]  }
0x2a: {  	p0 =	seq.s32 s5, $0x0;
	s5 =	sld [smem:$0x3FA7]  }
0x2b: {  	s6 =	sld [smem:$0x3FA8]  }
0x2c: {  	s7 =	sld [smem:$0x3FA9]  }
0x2d: {  	s3 =	simm.s32 $0x108;
	s8 =	sld [smem:$0x3FAA]  }
0x2e: {  	s3 =	simm.s32 @!p0 $0x1082;
	s9 =	sld [smem:$0x3FAB]  }
0x2f: {  	lr =	sadd.s32 s0, s3;
	s0 =	sld [smem:$0x3FA2]  }
0x30: {  	s3 =	sld [smem:$0x3FA5]  }
0x31: {  	[smem:$0x3FAE] =	sst s10  }
0x32: {  	s10 =	sld [smem:$0x3FAC];
	_ =	sdelay $0x3  }
0x33: {  	p0 =	seq.s32 s10, $0x1;
	s10 =	sld [smem:$0x3FAE];
	_ =	sdelay $0x3  }
0x34: {  	[smem:$0x3FAE] =	sst s10  }
0x35: {  	s10 =	sld [smem:$0x3FAD];
	_ =	sdelay $0x3  }
0x36: {  	p1 =	seq.s32 s10, $0x1;
	s10 =	sld [smem:$0x3FAE];
	_ =	sdelay $0x3  }
0x37: {  	[smem:$0x3FAE] =	sst s10  }
0x38: {  	s10 =	sld [smem:$0x3FAF]  }
0x39: {  	_ = 	snop;
	(pc) =	sbr.ind lr, $3  }
0x3a: {  	_ = 	snop  }
0x3b: {  	_ = 	snop  }
0x3c: {  	p2 =	seq.s32 s10, $0x1;
	s10 =	sld [smem:$0x3FAE]  }
0x3d: {  	_ =	shalt  }
0x3e: {  	_ =	shalt  }
0x3f: {  	_ =	shalt  }
0x40: {  	_ =	shalt  }
0x41: {  	_ =	shalt  }
0x42: {  	_ =	shalt  }
0x43: {  	_ =	shalt  }
0x44: {  	_ =	shalt  }
0x45: {  	_ =	shalt  }
0x46: {  	_ =	shalt  }
0x47: {  	_ =	shalt  }
0x48: {  	_ =	shalt  }
0x49: {  	_ =	shalt  }
0x4a: {  	_ =	shalt  }
0x4b: {  	_ =	shalt  }
0x4c: {  	_ =	shalt  }
0x4d: {  	_ =	shalt  }
0x4e: {  	_ =	shalt  }
0x4f: {  	_ =	shalt  }
0x50: {  	_ =	shalt  }
0x51: {  	_ =	shalt  }
0x52: {  	_ =	shalt  }
0x53: {  	_ =	shalt  }
0x54: {  	_ =	shalt  }
0x55: {  	_ =	shalt  }
0x56: {  	_ =	shalt  }
0x57: {  	_ =	shalt  }
0x58: {  	_ =	shalt  }
0x59: {  	_ =	shalt  }
0x5a: {  	_ =	shalt  }
0x5b: {  	_ =	shalt  }
0x5c: {  	_ =	shalt  }
0x5d: {  	_ =	shalt  }
0x5e: {  	_ =	shalt  }
0x5f: {  	_ =	shalt  }
0x60: {  	_ =	shalt  }
0x61: {  	_ =	shalt  }
0x62: {  	_ =	shalt  }
0x63: {  	_ =	shalt  }
0x64: {  	_ =	shalt  }
0x65: {  	_ =	shalt  }
0x66: {  	_ =	shalt  }
0x67: {  	_ =	shalt  }
0x68: {  	_ =	shalt  }
0x69: {  	_ =	shalt  }
0x6a: {  	_ =	shalt  }
0x6b: {  	_ =	shalt  }
0x6c: {  	_ =	shalt  }
0x6d: {  	_ =	shalt  }
0x6e: {  	_ =	shalt  }
0x6f: {  	_ =	shalt  }
0x70: {  	_ =	shalt  }
0x71: {  	_ =	shalt  }
0x72: {  	_ =	shalt  }
0x73: {  	_ =	shalt  }
0x74: {  	_ =	shalt  }
0x75: {  	_ =	shalt  }
0x76: {  	_ =	shalt  }
0x77: {  	_ =	shalt  }
0x78: {  	_ =	shalt  }
0x79: {  	_ =	shalt  }
0x7a: {  	_ =	shalt  }
0x7b: {  	_ =	shalt  }
0x7c: {  	_ =	shalt  }
0x7d: {  	_ =	shalt  }
0x7e: {  	_ =	shalt  }
0x7f: {  	_ =	shalt  }
0x80: {  	_ =	shalt  }
0x81: {  	_ =	shalt  }
0x82: {  	_ =	shalt  }
0x83: {  	_ =	shalt  }
0x84: {  	_ =	shalt  }
0x85: {  	_ =	shalt  }
0x86: {  	_ =	shalt  }
0x87: {  	_ =	shalt  }
.Lfunc_end0:
.L_simem_size_0:
called_computation.1_lowered:
.L_overlay_start_0:
0x88: {  	s2 =	sld [smem:$0x3FD9]  }
0x89: {  	s3 =	sld [smem:$0x3FFE];
	_ =	sdelay $0x1  }
0x8a: {  	s1 =	srdreg.scid  }
0x8b: {  	s0 =	sand.u32 $0x1, s1  }
0x8c: {  	s16 =	sshll.u32 s0, $0xA;
	s2 =	sadd.s32 s3, s2  }
0x8d: {  	s2 =	sadd.s32 s2, s16  }
0x8e: {  	[smem:$0x3FBA] =	sst s2  }
0x8f: {  	_ = 	snop  }
0x90: {  	(tm) =	ssettm $0x1  }
0x91: {  	s17 =	sld [smem:$0x3FFB];
	_ =	sdelay $0x3  }
0x92: {  	_ =	strace s17  }
0x93: {  	s2 =	sld [smem:$0x3FFC];
	_ =	sdelay $0x3  }
0x94: {  	_ =	strace s2  }
0x95: {  	s2 =	sld [smem:$0x3FFD];
	_ =	sdelay $0x3  }
0x96: {  	_ =	strace s2  }
0x97: {  	_ =	strace $0x8FFFFFFF  }
0x98: {  	s18 =	sld [smem:$0x3FDB];
	_ =	sdelay $0x1  }
0x99: {  	s19 =	simm.s32 $_scs_section_size  }
0x9a: {  	s4 =	simm.s32 $_size__tile_overlayer_lowered;
	s5 =	simm.s32 $_tile_overlayer_lowered  }
0x9b: {  	s22 =	simm.s32 $0x1BFF;
	s21 =	sshll.u32 s5, $0x1;
	s2 =	sadd.s32 s19, s18  }
0x9c: {  	s6 =	simm.s32 $0x0;
	s20 =	sshll.u32 s4, $0x1;
	s4 =	sadd.s32 s21, s2  }
0x9d: {  	[timem:s6], [sflag:s22] =	dma.local [hbm:s4], s20  }
0x9e: {  	_ =	swait.ge [sflag:s22], s20  }
0x9f: {  	s3 =	ssub.s32 $0x0, s20;
	[sflag:s22] =	ssyncset.done $0x0  }
0xa0: {  	[sflag:s22] =	ssyncadd.s32 s3;
	_ =	sdelay $0x1  }
0xa1: {  	s23 =	simm.s32 $0x1B8B  }
0xa2: {  	_ =	swait.ge [sflag:s23], $0x1  }
0xa3: {  	[sflag:s23] =	ssyncset.done $0x0  }
0xa4: {  	s25 =	simm.s32 $0x1B8E;
	s24 =	sld [smem:$0x3FFE];
	[sflag:s23] =	ssyncadd.s32 $0xFFFFFFFF  }
0xa5: {  	s26 =	simm.s32 $execute0_lowered;
	[smem:$0x3FD2] =	sst s25  }
0xa6: {  	s4 =	sshll.u32 s26, $0x1;
	_ =	strace $0x80000049;
	[dreg:$0x1] =	wrdreg $0xFFFFFFFF  }
0xa7: {  	s28 =	simm.s32 $_size_execute0_lowered;
	s2 =	sadd.s32 s2, s4;
	[dreg:$0x0] =	wrdreg $0x0  }
0xa8: {  	s4 =	sshll.u32 s28, $0x1;
	[dreg:$0x2] =	wrdreg s2  }
0xa9: {  	[dreg:$0x3] =	wrdreg s4  }
0xaa: {  	[dreg:$0x4] =	wrdreg $0xC0  }
0xab: {  	_ =	task [dreg:s6], $0x5FFFF  }
0xac: {  	[dreg:$0x1] =	wrdreg $0xFFFFFFFF  }
0xad: {  	[dreg:$0x0] =	wrdreg $0x60  }
0xae: {  	[dreg:$0x2] =	wrdreg s24  }
0xaf: {  	[dreg:$0x3] =	wrdreg $0x9  }
0xb0: {  	_ =	task.clear_ibuf [dreg:s6], $0x4FFFF;
	_ =	strace $0x90000049  }
0xb1: {  	s29 =	simm.s32 $0x9;
	_ =	strace $0x8000004B  }
0xb2: {  	_ =	swait.ge [sflag:s29], $0x1  }
0xb3: {  	[sflag:s29] =	ssyncadd.s32 $0xFFFFFFFF  }
0xb4: {  	_ =	strace $0x9000004B  }
0xb5: {  	_ =	sfence  }
0xb6: {  	s30 =	sld [smem:$0x0];
	_ =	sdelay $0x2  }
0xb7: {  	s31 =	sshll.u32 s1, $0xD;
	s1 =	sshrl.u32 s1, $0x2  }
0xb8: {  	s3 =	sand.u32 $0x4000, s31;
	s1 =	sadd.s32 s1, s30  }
0xb9: {  	s0 =	sor.u32 s3, s0;
	s1 =	sshll.u32 s1, $0x11  }
0xba: {  	s0 =	sor.u32 s1, s0  }
0xbb: {  	s0 =	sadd.s32 $0x8F2B, s0  }
0xbc: {  	[sflag:s0] =	ssyncadd.remote.s32 $0x1  }
0xbd: {  	_ =	sfence.sel $0xFFFF  }
0xbe: {  	[dreg:$0x0] =	wrdreg $0xFFFFFFFF;
	(pc) =	sbr.abs _section_cstart, $3  }
0xbf: {  	[dreg:$0x1] =	wrdreg $0xFFFFFFFF  }
0xc0: {  	_ =	task.clear_ibuf [dreg:s6], $0x2FFFF;
	_ =	strace $0x9FFFFFFF  }
0xc1: {  	(tm) =	ssettm $0x7FFFFFFF  }
tec
execute0_lowered:
.L_overlay_start_1:
0x0: {  	(tag) =	ssettag $0x1  }
0x1: {  	s0 =	srdreg.scid;
	s1 =	stileid.u32  }
0x2: {  	s6 =	rddreg [dreg:$0x0];
	s2 =	simm.s32 $0x0;
	s9 =	simm.s32 $0x400  }
0x3: {  	s17 =	simm.s32 $0x1;
	s18 =	simm.s32 $0x3;
	s19 =	simm.s32 $0x2  }
0x4: {  	s20 =	simm.s32 $0x4;
	s28 =	simm.s32 $0x2C00;
	s29 =	simm.s32 $0x3400  }
0x5: {  	s30 =	simm.s32 $0x3C00;
	s0 =	sand.u32 $0x1, s0;
	s1 =	sshll.u32 s1, $0x1  }
0x6: {  	s31 =	simm.s32 $0x4400;
	s15 =	simm.s32 $0x5400;
	s1 =	sor.u32 s0, s1  }
0x7: {  	s8 =	simm.s32 $0x5C00;
	s10 =	simm.s32 $0x6400;
	s3 =	sshll.u32 s1, $0x7  }
0x8: {  	s11 =	simm.s32 $0x6C00;
	s1 =	sshll.u32 s1, $0xF;
	s3 =	sadd.s32 s3, s6  }
0x9: {  	[smem:$0x7FF] =	sst s2;
	s1 =	sadd.s32 s1, s6;
	s3 =	sadd.s32 $0x4A00, s3  }
0xa: {  	_ =	strace $0x8000004A;
	s4 =	sadd.s32 $0x5A00, s1;
	[dreg:$0x2] =	wrdreg s3  }
0xb: {  	s12 =	simm.s32 $0x7400;
	s22 =	sadd.s32 $0x6A00, s1;
	[dreg:$0x3] =	wrdreg s4  }
0xc: {  	s13 =	simm.s32 $0x7C00;
	s23 =	sadd.s32 $0x7A00, s1;
	[dreg:$0x4] =	wrdreg s22  }
0xd: {  	s0 =	ssub.s32 $0x2, s0;
	s24 =	sadd.s32 $0x8A00, s1;
	[dreg:$0x5] =	wrdreg s23  }
0xe: {  	s5 =	sshrl.u32 s0, $0x1;
	s25 =	sadd.s32 $0x9A00, s1;
	[dreg:$0x6] =	wrdreg s24  }
0xf: {  	s0 =	ssub.s32 s0, s5;
	s7 =	sadd.s32 $0xAA00, s1;
	[dreg:$0x7] =	wrdreg s25  }
0x10: {  	s5 =	sadd.s32 $0x145C00, s6;
	s26 =	sadd.s32 $0xBA00, s1;
	[dreg:$0x8] =	wrdreg s7  }
0x11: {  	s1 =	sadd.s32 $0xCA00, s1;
	s3 =	sadd.s32 $0x145A00, s6;
	[dreg:$0x9] =	wrdreg s26  }
0x12: {  	v2 =	vlaneseq.u32;
	s4 =	sadd.s32 $0x145B00, s6;
	s6 =	sadd.s32 $0x145D00, s6;
	[dreg:$0xa] =	wrdreg s1  }
0x13: {  	vm0 =	vmmov $0xffff;
	v1 =	vshrl.u32 v2, $0x3;
	s7 =	smax.u32 s0, $0x1;
	s25 =	simm.s32 $0x8400;
	s22 =	simm.s32 $0xC00  }
0x14: {  	v0 =	vand.u32 $0x7, v2;
	v2 =	vor.u32 $0x8, v2;
	v1 =	vmul.u32 $0x8, v1;
	s23 =	simm.s32 $0x1400;
	s24 =	simm.s32 $0x1C00;
	s26 =	simm.s32 $0x2400  }
.LBB2_1:
0x15: {  	s21 =	rddreg [dreg:$0x2];
	s14 =	simm.s32 $0x5  }
0x16: {  	[tilespmem:s2], [sflag:$0x5] =	stream.linear.gather [hbm4b:s21+s2], $0x400, $0x38;
	[tilespmem:$0x10400] =	vst v63  }
0x17: {  	_ =	swait.ge [sflag:s14], $0x400  }
0x18: {  	[sflag:s14] =	ssyncset.done $0x0  }
0x19: {  	[sflag:s14] =	ssyncadd.s32 $0xFFFFFC00  }
0x1a: {  	v3 =	vld [tilespmem:$0x0];
	_ =	sdelay $0x4  }
0x1b: {  	v4 =	vshll.u32 v3, $0x3  }
0x1c: {  	v3 =	vand.u32 $0x7, v3;
	v4 =	vand.u32 $0xFFFFFFC0, v4  }
0x1d: {  	v3 =	vor.u32 v3, v4  }
0x1e: {  	v4 =	vperm.xlane v3, v0;
	_ =	sdelay $0x1  }
0x1f: {  	v4 =	vadd.s32 v1, v4;
	_ =	sdelay $0x4  }
0x20: {  	[tilespmem:s9], [sflag:$0x1] =	stream.indirect_vreg.gather [hbm4b:s3+s2], $0x80, v4, vm0, $0xb8;
	[tilespmem:$0x10400] =	vst v63  }
0x21: {  	v3 =	vperm.xlane v3, v2  }
0x22: {  	[tilespmem:s22], [sflag:$0x1] =	stream.indirect_vreg.gather [hbm4b:s4+s2], $0x80, v4, vm0, $0xb8;
	[tilespmem:$0x10400] =	vst v63  }
0x23: {  	v3 =	vadd.s32 v1, v3  }
0x24: {  	[tilespmem:s23], [sflag:$0x1] =	stream.indirect_vreg.gather [hbm4b:s5+s2], $0x80, v4, vm0, $0xb8;
	[tilespmem:$0x10400] =	vst v63  }
0x25: {  	_ = 	snop  }
0x26: {  	[tilespmem:s24], [sflag:$0x1] =	stream.indirect_vreg.gather [hbm4b:s6+s2], $0x80, v4, vm0, $0xb8;
	[tilespmem:$0x10400] =	vst v63  }
0x27: {  	_ = 	snop  }
0x28: {  	[tilespmem:s26], [sflag:$0x1] =	stream.indirect_vreg.gather [hbm4b:s3+s2], $0x80, v3, vm0, $0xb8;
	[tilespmem:$0x10400] =	vst v63  }
0x29: {  	_ = 	snop  }
0x2a: {  	[tilespmem:s28], [sflag:$0x1] =	stream.indirect_vreg.gather [hbm4b:s4+s2], $0x80, v3, vm0, $0xb8;
	[tilespmem:$0x10400] =	vst v63  }
0x2b: {  	_ = 	snop  }
0x2c: {  	[tilespmem:s29], [sflag:$0x1] =	stream.indirect_vreg.gather [hbm4b:s5+s2], $0x80, v3, vm0, $0xb8;
	[tilespmem:$0x10400] =	vst v63  }
0x2d: {  	_ = 	snop  }
0x2e: {  	[tilespmem:s30], [sflag:$0x1] =	stream.indirect_vreg.gather [hbm4b:s6+s2], $0x80, v3, vm0, $0xb8;
	[tilespmem:$0x10400] =	vst v63  }
0x2f: {  	v3 =	vld [tilespmem:$0x10];
	_ =	sdelay $0x4  }
0x30: {  	v49 =	vshll.u32 v3, $0x3  }
0x31: {  	v3 =	vand.u32 $0x7, v3;
	v4 =	vand.u32 $0xFFFFFFC0, v49  }
0x32: {  	v3 =	vor.u32 v3, v4  }
0x33: {  	v4 =	vperm.xlane v3, v0;
	_ =	sdelay $0x1  }
0x34: {  	v4 =	vadd.s32 v1, v4;
	_ =	sdelay $0x4  }
0x35: {  	[tilespmem:s31], [sflag:$0x1] =	stream.indirect_vreg.gather [hbm4b:s3+s2], $0x80, v4, vm0, $0xb8;
	[tilespmem:$0x10400] =	vst v63  }
0x36: {  	s1 =	simm.s32 $0x4C00;
	v3 =	vperm.xlane v3, v2  }
0x37: {  	[tilespmem:s1], [sflag:$0x1] =	stream.indirect_vreg.gather [hbm4b:s4+s2], $0x80, v4, vm0, $0xb8;
	[tilespmem:$0x10400] =	vst v63  }
0x38: {  	v3 =	vadd.s32 v1, v3  }
0x39: {  	[tilespmem:s15], [sflag:$0x1] =	stream.indirect_vreg.gather [hbm4b:s5+s2], $0x80, v4, vm0, $0xb8;
	[tilespmem:$0x10400] =	vst v63  }
0x3a: {  	_ = 	snop  }
0x3b: {  	[tilespmem:s8], [sflag:$0x1] =	stream.indirect_vreg.gather [hbm4b:s6+s2], $0x80, v4, vm0, $0xb8;
	[tilespmem:$0x10400] =	vst v63  }
0x3c: {  	_ = 	snop  }
0x3d: {  	[tilespmem:s10], [sflag:$0x1] =	stream.indirect_vreg.gather [hbm4b:s3+s2], $0x80, v3, vm0, $0xb8;
	[tilespmem:$0x10400] =	vst v63  }
0x3e: {  	_ = 	snop  }
0x3f: {  	[tilespmem:s11], [sflag:$0x1] =	stream.indirect_vreg.gather [hbm4b:s4+s2], $0x80, v3, vm0, $0xb8;
	[tilespmem:$0x10400] =	vst v63  }
0x40: {  	_ = 	snop  }
0x41: {  	[tilespmem:s12], [sflag:$0x1] =	stream.indirect_vreg.gather [hbm4b:s5+s2], $0x80, v3, vm0, $0xb8;
	[tilespmem:$0x10400] =	vst v63  }
0x42: {  	_ = 	snop  }
0x43: {  	[tilespmem:s13], [sflag:$0x1] =	stream.indirect_vreg.gather [hbm4b:s6+s2], $0x80, v3, vm0, $0xb8;
	[tilespmem:$0x10400] =	vst v63  }
0x44: {  	v3 =	vld [tilespmem:$0x80];
	_ =	sdelay $0x4  }
0x45: {  	v50 =	vshll.u32 v3, $0x3  }
0x46: {  	v3 =	vand.u32 $0x7, v3;
	v4 =	vand.u32 $0xFFFFFFC0, v50  }
0x47: {  	v3 =	vor.u32 v3, v4  }
0x48: {  	v4 =	vperm.xlane v3, v0;
	_ =	sdelay $0x1  }
0x49: {  	v4 =	vadd.s32 v1, v4;
	_ =	sdelay $0x4  }
0x4a: {  	[tilespmem:s25], [sflag:$0x2] =	stream.indirect_vreg.gather [hbm4b:s3+s2], $0x80, v4, vm0, $0xb8;
	[tilespmem:$0x10400] =	vst v63  }
0x4b: {  	s14 =	simm.s32 $0x8C00;
	v3 =	vperm.xlane v3, v2  }
0x4c: {  	[tilespmem:s14], [sflag:$0x2] =	stream.indirect_vreg.gather [hbm4b:s4+s2], $0x80, v4, vm0, $0xb8;
	[tilespmem:$0x10400] =	vst v63  }
0x4d: {  	s16 =	simm.s32 $0x9400;
	v3 =	vadd.s32 v1, v3  }
0x4e: {  	[tilespmem:s16], [sflag:$0x2] =	stream.indirect_vreg.gather [hbm4b:s5+s2], $0x80, v4, vm0, $0xb8;
	[tilespmem:$0x10400] =	vst v63  }
0x4f: {  	s21 =	simm.s32 $0x9C00  }
0x50: {  	[tilespmem:s21], [sflag:$0x2] =	stream.indirect_vreg.gather [hbm4b:s6+s2], $0x80, v4, vm0, $0xb8;
	[tilespmem:$0x10400] =	vst v63  }
0x51: {  	s16 =	simm.s32 $0xA400  }
0x52: {  	[tilespmem:s16], [sflag:$0x2] =	stream.indirect_vreg.gather [hbm4b:s3+s2], $0x80, v3, vm0, $0xb8;
	[tilespmem:$0x10400] =	vst v63  }
0x53: {  	s14 =	simm.s32 $0xAC00  }
0x54: {  	[tilespmem:s14], [sflag:$0x2] =	stream.indirect_vreg.gather [hbm4b:s4+s2], $0x80, v3, vm0, $0xb8;
	[tilespmem:$0x10400] =	vst v63  }
0x55: {  	s16 =	simm.s32 $0xB400  }
0x56: {  	[tilespmem:s16], [sflag:$0x2] =	stream.indirect_vreg.gather [hbm4b:s5+s2], $0x80, v3, vm0, $0xb8;
	[tilespmem:$0x10400] =	vst v63  }
0x57: {  	s14 =	simm.s32 $0xBC00  }
0x58: {  	[tilespmem:s14], [sflag:$0x2] =	stream.indirect_vreg.gather [hbm4b:s6+s2], $0x80, v3, vm0, $0xb8;
	[tilespmem:$0x10400] =	vst v63  }
0x59: {  	v3 =	vld [tilespmem:$0x90];
	_ =	sdelay $0x4  }
0x5a: {  	v51 =	vshll.u32 v3, $0x3  }
0x5b: {  	v3 =	vand.u32 $0x7, v3;
	v4 =	vand.u32 $0xFFFFFFC0, v51  }
0x5c: {  	v3 =	vor.u32 v3, v4  }
0x5d: {  	v4 =	vperm.xlane v3, v0;
	_ =	sdelay $0x1  }
0x5e: {  	v4 =	vadd.s32 v1, v4;
	_ =	sdelay $0x3  }
0x5f: {  	s16 =	simm.s32 $0xC400  }
0x60: {  	[tilespmem:s16], [sflag:$0x2] =	stream.indirect_vreg.gather [hbm4b:s3+s2], $0x80, v4, vm0, $0xb8;
	[tilespmem:$0x10400] =	vst v63  }
0x61: {  	s21 =	simm.s32 $0xCC00;
	v3 =	vperm.xlane v3, v2  }
0x62: {  	[tilespmem:s21], [sflag:$0x2] =	stream.indirect_vreg.gather [hbm4b:s4+s2], $0x80, v4, vm0, $0xb8;
	[tilespmem:$0x10400] =	vst v63  }
0x63: {  	v3 =	vadd.s32 v1, v3;
	s21 =	simm.s32 $0xD400  }
0x64: {  	[tilespmem:s21], [sflag:$0x2] =	stream.indirect_vreg.gather [hbm4b:s5+s2], $0x80, v4, vm0, $0xb8;
	[tilespmem:$0x10400] =	vst v63  }
0x65: {  	s21 =	simm.s32 $0xDC00  }
0x66: {  	[tilespmem:s21], [sflag:$0x2] =	stream.indirect_vreg.gather [hbm4b:s6+s2], $0x80, v4, vm0, $0xb8;
	[tilespmem:$0x10400] =	vst v63  }
0x67: {  	s21 =	simm.s32 $0xE400  }
0x68: {  	[tilespmem:s21], [sflag:$0x2] =	stream.indirect_vreg.gather [hbm4b:s3+s2], $0x80, v3, vm0, $0xb8;
	[tilespmem:$0x10400] =	vst v63  }
0x69: {  	s21 =	simm.s32 $0xEC00  }
0x6a: {  	[tilespmem:s21], [sflag:$0x2] =	stream.indirect_vreg.gather [hbm4b:s4+s2], $0x80, v3, vm0, $0xb8;
	[tilespmem:$0x10400] =	vst v63  }
0x6b: {  	s21 =	simm.s32 $0xF400  }
0x6c: {  	[tilespmem:s21], [sflag:$0x2] =	stream.indirect_vreg.gather [hbm4b:s5+s2], $0x80, v3, vm0, $0xb8;
	[tilespmem:$0x10400] =	vst v63  }
0x6d: {  	s21 =	simm.s32 $0xFC00  }
0x6e: {  	[tilespmem:s21], [sflag:$0x2] =	stream.indirect_vreg.gather [hbm4b:s6+s2], $0x80, v3, vm0, $0xb8;
	[tilespmem:$0x10400] =	vst v63  }
0x6f: {  	_ =	swait.ge [sflag:s17], $0x8000  }
0x70: {  	[sflag:s17] =	ssyncset.done $0x0  }
0x71: {  	s21 =	rddreg [dreg:$0x3];
	[sflag:s17] =	ssyncadd.s32 $0xFFFF8000  }
0x72: {  	[hbm4b:s21+s2] =	stream.linear.scatter [tilespmem:s9], [sflag:$0x3], $0x8000, $0x38;
	[tilespmem:$0x10400] =	vst v63  }
0x73: {  	_ =	swait.ge [sflag:s18], $0x8000  }
0x74: {  	[sflag:s18] =	ssyncset.done $0x0  }
0x75: {  	[sflag:s18] =	ssyncadd.s32 $0xFFFF8000  }
0x76: {  	v3 =	vld [tilespmem:$0x100];
	_ =	sdelay $0x4  }
0x77: {  	v52 =	vshll.u32 v3, $0x3  }
0x78: {  	v3 =	vand.u32 $0x7, v3;
	v4 =	vand.u32 $0xFFFFFFC0, v52  }
0x79: {  	v3 =	vor.u32 v3, v4  }
0x7a: {  	v4 =	vperm.xlane v3, v0;
	_ =	sdelay $0x1  }
0x7b: {  	v4 =	vadd.s32 v1, v4;
	_ =	sdelay $0x4  }
0x7c: {  	[tilespmem:s9], [sflag:$0x1] =	stream.indirect_vreg.gather [hbm4b:s3+s2], $0x80, v4, vm0, $0xb8;
	[tilespmem:$0x10400] =	vst v63  }
0x7d: {  	v3 =	vperm.xlane v3, v2  }
0x7e: {  	[tilespmem:s22], [sflag:$0x1] =	stream.indirect_vreg.gather [hbm4b:s4+s2], $0x80, v4, vm0, $0xb8;
	[tilespmem:$0x10400] =	vst v63  }
0x7f: {  	v3 =	vadd.s32 v1, v3  }
0x80: {  	[tilespmem:s23], [sflag:$0x1] =	stream.indirect_vreg.gather [hbm4b:s5+s2], $0x80, v4, vm0, $0xb8;
	[tilespmem:$0x10400] =	vst v63  }
0x81: {  	_ = 	snop  }
0x82: {  	[tilespmem:s24], [sflag:$0x1] =	stream.indirect_vreg.gather [hbm4b:s6+s2], $0x80, v4, vm0, $0xb8;
	[tilespmem:$0x10400] =	vst v63  }
0x83: {  	_ = 	snop  }
0x84: {  	[tilespmem:s26], [sflag:$0x1] =	stream.indirect_vreg.gather [hbm4b:s3+s2], $0x80, v3, vm0, $0xb8;
	[tilespmem:$0x10400] =	vst v63  }
0x85: {  	_ = 	snop  }
0x86: {  	[tilespmem:s28], [sflag:$0x1] =	stream.indirect_vreg.gather [hbm4b:s4+s2], $0x80, v3, vm0, $0xb8;
	[tilespmem:$0x10400] =	vst v63  }
0x87: {  	_ = 	snop  }
0x88: {  	[tilespmem:s29], [sflag:$0x1] =	stream.indirect_vreg.gather [hbm4b:s5+s2], $0x80, v3, vm0, $0xb8;
	[tilespmem:$0x10400] =	vst v63  }
0x89: {  	_ = 	snop  }
0x8a: {  	[tilespmem:s30], [sflag:$0x1] =	stream.indirect_vreg.gather [hbm4b:s6+s2], $0x80, v3, vm0, $0xb8;
	[tilespmem:$0x10400] =	vst v63  }
0x8b: {  	v3 =	vld [tilespmem:$0x110];
	_ =	sdelay $0x4  }
0x8c: {  	v53 =	vshll.u32 v3, $0x3  }
0x8d: {  	v3 =	vand.u32 $0x7, v3;
	v4 =	vand.u32 $0xFFFFFFC0, v53  }
0x8e: {  	v3 =	vor.u32 v3, v4  }
0x8f: {  	v4 =	vperm.xlane v3, v0;
	_ =	sdelay $0x1  }
0x90: {  	v4 =	vadd.s32 v1, v4;
	_ =	sdelay $0x4  }
0x91: {  	[tilespmem:s31], [sflag:$0x1] =	stream.indirect_vreg.gather [hbm4b:s3+s2], $0x80, v4, vm0, $0xb8;
	[tilespmem:$0x10400] =	vst v63  }
0x92: {  	v3 =	vperm.xlane v3, v2  }
0x93: {  	[tilespmem:s1], [sflag:$0x1] =	stream.indirect_vreg.gather [hbm4b:s4+s2], $0x80, v4, vm0, $0xb8;
	[tilespmem:$0x10400] =	vst v63  }
0x94: {  	v3 =	vadd.s32 v1, v3  }
0x95: {  	[tilespmem:s15], [sflag:$0x1] =	stream.indirect_vreg.gather [hbm4b:s5+s2], $0x80, v4, vm0, $0xb8;
	[tilespmem:$0x10400] =	vst v63  }
0x96: {  	_ = 	snop  }
0x97: {  	[tilespmem:s8], [sflag:$0x1] =	stream.indirect_vreg.gather [hbm4b:s6+s2], $0x80, v4, vm0, $0xb8;
	[tilespmem:$0x10400] =	vst v63  }
0x98: {  	_ = 	snop  }
0x99: {  	[tilespmem:s10], [sflag:$0x1] =	stream.indirect_vreg.gather [hbm4b:s3+s2], $0x80, v3, vm0, $0xb8;
	[tilespmem:$0x10400] =	vst v63  }
0x9a: {  	_ = 	snop  }
0x9b: {  	[tilespmem:s11], [sflag:$0x1] =	stream.indirect_vreg.gather [hbm4b:s4+s2], $0x80, v3, vm0, $0xb8;
	[tilespmem:$0x10400] =	vst v63  }
0x9c: {  	_ = 	snop  }
0x9d: {  	[tilespmem:s12], [sflag:$0x1] =	stream.indirect_vreg.gather [hbm4b:s5+s2], $0x80, v3, vm0, $0xb8;
	[tilespmem:$0x10400] =	vst v63  }
0x9e: {  	_ = 	snop  }
0x9f: {  	[tilespmem:s13], [sflag:$0x1] =	stream.indirect_vreg.gather [hbm4b:s6+s2], $0x80, v3, vm0, $0xb8;
	[tilespmem:$0x10400] =	vst v63  }
0xa0: {  	_ =	swait.ge [sflag:s19], $0x8000  }
0xa1: {  	[sflag:s19] =	ssyncset.done $0x0  }
0xa2: {  	s21 =	rddreg [dreg:$0x4];
	[sflag:s19] =	ssyncadd.s32 $0xFFFF8000  }
0xa3: {  	[hbm4b:s21+s2] =	stream.linear.scatter [tilespmem:s25], [sflag:$0x4], $0x8000, $0x38;
	[tilespmem:$0x10400] =	vst v63  }
0xa4: {  	_ =	swait.ge [sflag:s20], $0x8000  }
0xa5: {  	[sflag:s20] =	ssyncset.done $0x0  }
0xa6: {  	[sflag:s20] =	ssyncadd.s32 $0xFFFF8000  }
0xa7: {  	v3 =	vld [tilespmem:$0x180];
	_ =	sdelay $0x4  }
0xa8: {  	v54 =	vshll.u32 v3, $0x3  }
0xa9: {  	v3 =	vand.u32 $0x7, v3;
	v4 =	vand.u32 $0xFFFFFFC0, v54  }
0xaa: {  	v3 =	vor.u32 v3, v4  }
0xab: {  	v4 =	vperm.xlane v3, v0;
	_ =	sdelay $0x1  }
0xac: {  	v4 =	vadd.s32 v1, v4;
	_ =	sdelay $0x4  }
0xad: {  	[tilespmem:s25], [sflag:$0x2] =	stream.indirect_vreg.gather [hbm4b:s3+s2], $0x80, v4, vm0, $0xb8;
	[tilespmem:$0x10400] =	vst v63  }
0xae: {  	s0 =	simm.s32 $0x8C00;
	v3 =	vperm.xlane v3, v2  }
0xaf: {  	[tilespmem:s0], [sflag:$0x2] =	stream.indirect_vreg.gather [hbm4b:s4+s2], $0x80, v4, vm0, $0xb8;
	[tilespmem:$0x10400] =	vst v63  }
0xb0: {  	v3 =	vadd.s32 v1, v3;
	s0 =	simm.s32 $0x9400  }
0xb1: {  	[tilespmem:s0], [sflag:$0x2] =	stream.indirect_vreg.gather [hbm4b:s5+s2], $0x80, v4, vm0, $0xb8;
	[tilespmem:$0x10400] =	vst v63  }
0xb2: {  	s21 =	simm.s32 $0x9C00  }
0xb3: {  	[tilespmem:s21], [sflag:$0x2] =	stream.indirect_vreg.gather [hbm4b:s6+s2], $0x80, v4, vm0, $0xb8;
	[tilespmem:$0x10400] =	vst v63  }
0xb4: {  	s21 =	simm.s32 $0xA400  }
0xb5: {  	[tilespmem:s21], [sflag:$0x2] =	stream.indirect_vreg.gather [hbm4b:s3+s2], $0x80, v3, vm0, $0xb8;
	[tilespmem:$0x10400] =	vst v63  }
0xb6: {  	s21 =	simm.s32 $0xAC00  }
0xb7: {  	[tilespmem:s21], [sflag:$0x2] =	stream.indirect_vreg.gather [hbm4b:s4+s2], $0x80, v3, vm0, $0xb8;
	[tilespmem:$0x10400] =	vst v63  }
0xb8: {  	s21 =	simm.s32 $0xB400  }
0xb9: {  	[tilespmem:s21], [sflag:$0x2] =	stream.indirect_vreg.gather [hbm4b:s5+s2], $0x80, v3, vm0, $0xb8;
	[tilespmem:$0x10400] =	vst v63  }
0xba: {  	s14 =	simm.s32 $0xBC00  }
0xbb: {  	[tilespmem:s14], [sflag:$0x2] =	stream.indirect_vreg.gather [hbm4b:s6+s2], $0x80, v3, vm0, $0xb8;
	[tilespmem:$0x10400] =	vst v63  }
0xbc: {  	v3 =	vld [tilespmem:$0x190];
	_ =	sdelay $0x4  }
0xbd: {  	v55 =	vshll.u32 v3, $0x3  }
0xbe: {  	v3 =	vand.u32 $0x7, v3;
	v4 =	vand.u32 $0xFFFFFFC0, v55  }
0xbf: {  	v3 =	vor.u32 v3, v4  }
0xc0: {  	v4 =	vperm.xlane v3, v0;
	_ =	sdelay $0x1  }
0xc1: {  	v4 =	vadd.s32 v1, v4;
	_ =	sdelay $0x3  }
0xc2: {  	s16 =	simm.s32 $0xC400  }
0xc3: {  	[tilespmem:s16], [sflag:$0x2] =	stream.indirect_vreg.gather [hbm4b:s3+s2], $0x80, v4, vm0, $0xb8;
	[tilespmem:$0x10400] =	vst v63  }
0xc4: {  	s21 =	simm.s32 $0xCC00;
	v3 =	vperm.xlane v3, v2  }
0xc5: {  	[tilespmem:s21], [sflag:$0x2] =	stream.indirect_vreg.gather [hbm4b:s4+s2], $0x80, v4, vm0, $0xb8;
	[tilespmem:$0x10400] =	vst v63  }
0xc6: {  	v3 =	vadd.s32 v1, v3;
	s16 =	simm.s32 $0xD400  }
0xc7: {  	[tilespmem:s16], [sflag:$0x2] =	stream.indirect_vreg.gather [hbm4b:s5+s2], $0x80, v4, vm0, $0xb8;
	[tilespmem:$0x10400] =	vst v63  }
0xc8: {  	s21 =	simm.s32 $0xDC00  }
0xc9: {  	[tilespmem:s21], [sflag:$0x2] =	stream.indirect_vreg.gather [hbm4b:s6+s2], $0x80, v4, vm0, $0xb8;
	[tilespmem:$0x10400] =	vst v63  }
0xca: {  	s16 =	simm.s32 $0xE400  }
0xcb: {  	[tilespmem:s16], [sflag:$0x2] =	stream.indirect_vreg.gather [hbm4b:s3+s2], $0x80, v3, vm0, $0xb8;
	[tilespmem:$0x10400] =	vst v63  }
0xcc: {  	s21 =	simm.s32 $0xEC00  }
0xcd: {  	[tilespmem:s21], [sflag:$0x2] =	stream.indirect_vreg.gather [hbm4b:s4+s2], $0x80, v3, vm0, $0xb8;
	[tilespmem:$0x10400] =	vst v63  }
0xce: {  	s16 =	simm.s32 $0xF400  }
0xcf: {  	[tilespmem:s16], [sflag:$0x2] =	stream.indirect_vreg.gather [hbm4b:s5+s2], $0x80, v3, vm0, $0xb8;
	[tilespmem:$0x10400] =	vst v63  }
0xd0: {  	s21 =	simm.s32 $0xFC00  }
0xd1: {  	[tilespmem:s21], [sflag:$0x2] =	stream.indirect_vreg.gather [hbm4b:s6+s2], $0x80, v3, vm0, $0xb8;
	[tilespmem:$0x10400] =	vst v63  }
0xd2: {  	_ =	swait.ge [sflag:s17], $0x8000  }
0xd3: {  	[sflag:s17] =	ssyncset.done $0x0  }
0xd4: {  	s16 =	rddreg [dreg:$0x5];
	[sflag:s17] =	ssyncadd.s32 $0xFFFF8000  }
0xd5: {  	[hbm4b:s16+s2] =	stream.linear.scatter [tilespmem:s9], [sflag:$0x3], $0x8000, $0x38;
	[tilespmem:$0x10400] =	vst v63  }
0xd6: {  	_ =	swait.ge [sflag:s18], $0x8000  }
0xd7: {  	[sflag:s18] =	ssyncset.done $0x0  }
0xd8: {  	[sflag:s18] =	ssyncadd.s32 $0xFFFF8000  }
0xd9: {  	v3 =	vld [tilespmem:$0x200];
	_ =	sdelay $0x4  }
0xda: {  	v56 =	vshll.u32 v3, $0x3  }
0xdb: {  	v3 =	vand.u32 $0x7, v3;
	v4 =	vand.u32 $0xFFFFFFC0, v56  }
0xdc: {  	v3 =	vor.u32 v3, v4  }
0xdd: {  	v4 =	vperm.xlane v3, v0;
	_ =	sdelay $0x1  }
0xde: {  	v4 =	vadd.s32 v1, v4;
	_ =	sdelay $0x4  }
0xdf: {  	[tilespmem:s9], [sflag:$0x1] =	stream.indirect_vreg.gather [hbm4b:s3+s2], $0x80, v4, vm0, $0xb8;
	[tilespmem:$0x10400] =	vst v63  }
0xe0: {  	v3 =	vperm.xlane v3, v2  }
0xe1: {  	[tilespmem:s22], [sflag:$0x1] =	stream.indirect_vreg.gather [hbm4b:s4+s2], $0x80, v4, vm0, $0xb8;
	[tilespmem:$0x10400] =	vst v63  }
0xe2: {  	v3 =	vadd.s32 v1, v3  }
0xe3: {  	[tilespmem:s23], [sflag:$0x1] =	stream.indirect_vreg.gather [hbm4b:s5+s2], $0x80, v4, vm0, $0xb8;
	[tilespmem:$0x10400] =	vst v63  }
0xe4: {  	_ = 	snop  }
0xe5: {  	[tilespmem:s24], [sflag:$0x1] =	stream.indirect_vreg.gather [hbm4b:s6+s2], $0x80, v4, vm0, $0xb8;
	[tilespmem:$0x10400] =	vst v63  }
0xe6: {  	_ = 	snop  }
0xe7: {  	[tilespmem:s26], [sflag:$0x1] =	stream.indirect_vreg.gather [hbm4b:s3+s2], $0x80, v3, vm0, $0xb8;
	[tilespmem:$0x10400] =	vst v63  }
0xe8: {  	_ = 	snop  }
0xe9: {  	[tilespmem:s28], [sflag:$0x1] =	stream.indirect_vreg.gather [hbm4b:s4+s2], $0x80, v3, vm0, $0xb8;
	[tilespmem:$0x10400] =	vst v63  }
0xea: {  	_ = 	snop  }
0xeb: {  	[tilespmem:s29], [sflag:$0x1] =	stream.indirect_vreg.gather [hbm4b:s5+s2], $0x80, v3, vm0, $0xb8;
	[tilespmem:$0x10400] =	vst v63  }
0xec: {  	_ = 	snop  }
0xed: {  	[tilespmem:s30], [sflag:$0x1] =	stream.indirect_vreg.gather [hbm4b:s6+s2], $0x80, v3, vm0, $0xb8;
	[tilespmem:$0x10400] =	vst v63  }
0xee: {  	v3 =	vld [tilespmem:$0x210];
	_ =	sdelay $0x4  }
0xef: {  	v57 =	vshll.u32 v3, $0x3  }
0xf0: {  	v3 =	vand.u32 $0x7, v3;
	v4 =	vand.u32 $0xFFFFFFC0, v57  }
0xf1: {  	v3 =	vor.u32 v3, v4  }
0xf2: {  	v4 =	vperm.xlane v3, v0;
	_ =	sdelay $0x1  }
0xf3: {  	v4 =	vadd.s32 v1, v4;
	_ =	sdelay $0x4  }
0xf4: {  	[tilespmem:s31], [sflag:$0x1] =	stream.indirect_vreg.gather [hbm4b:s3+s2], $0x80, v4, vm0, $0xb8;
	[tilespmem:$0x10400] =	vst v63  }
0xf5: {  	v3 =	vperm.xlane v3, v2  }
0xf6: {  	[tilespmem:s1], [sflag:$0x1] =	stream.indirect_vreg.gather [hbm4b:s4+s2], $0x80, v4, vm0, $0xb8;
	[tilespmem:$0x10400] =	vst v63  }
0xf7: {  	v3 =	vadd.s32 v1, v3  }
0xf8: {  	[tilespmem:s15], [sflag:$0x1] =	stream.indirect_vreg.gather [hbm4b:s5+s2], $0x80, v4, vm0, $0xb8;
	[tilespmem:$0x10400] =	vst v63  }
0xf9: {  	_ = 	snop  }
0xfa: {  	[tilespmem:s8], [sflag:$0x1] =	stream.indirect_vreg.gather [hbm4b:s6+s2], $0x80, v4, vm0, $0xb8;
	[tilespmem:$0x10400] =	vst v63  }
0xfb: {  	_ = 	snop  }
0xfc: {  	[tilespmem:s10], [sflag:$0x1] =	stream.indirect_vreg.gather [hbm4b:s3+s2], $0x80, v3, vm0, $0xb8;
	[tilespmem:$0x10400] =	vst v63  }
0xfd: {  	_ = 	snop  }
0xfe: {  	[tilespmem:s11], [sflag:$0x1] =	stream.indirect_vreg.gather [hbm4b:s4+s2], $0x80, v3, vm0, $0xb8;
	[tilespmem:$0x10400] =	vst v63  }
0xff: {  	_ = 	snop  }
0x100: {  	[tilespmem:s12], [sflag:$0x1] =	stream.indirect_vreg.gather [hbm4b:s5+s2], $0x80, v3, vm0, $0xb8;
	[tilespmem:$0x10400] =	vst v63  }
0x101: {  	_ = 	snop  }
0x102: {  	[tilespmem:s13], [sflag:$0x1] =	stream.indirect_vreg.gather [hbm4b:s6+s2], $0x80, v3, vm0, $0xb8;
	[tilespmem:$0x10400] =	vst v63  }
0x103: {  	_ =	swait.ge [sflag:s19], $0x8000  }
0x104: {  	[sflag:s19] =	ssyncset.done $0x0  }
0x105: {  	s14 =	rddreg [dreg:$0x6];
	[sflag:s19] =	ssyncadd.s32 $0xFFFF8000  }
0x106: {  	[hbm4b:s14+s2] =	stream.linear.scatter [tilespmem:s25], [sflag:$0x4], $0x8000, $0x38;
	[tilespmem:$0x10400] =	vst v63  }
0x107: {  	_ =	swait.ge [sflag:s20], $0x8000  }
0x108: {  	[sflag:s20] =	ssyncset.done $0x0  }
0x109: {  	[sflag:s20] =	ssyncadd.s32 $0xFFFF8000  }
0x10a: {  	v3 =	vld [tilespmem:$0x280];
	_ =	sdelay $0x4  }
0x10b: {  	v58 =	vshll.u32 v3, $0x3  }
0x10c: {  	v3 =	vand.u32 $0x7, v3;
	v4 =	vand.u32 $0xFFFFFFC0, v58  }
0x10d: {  	v3 =	vor.u32 v3, v4  }
0x10e: {  	v4 =	vperm.xlane v3, v0;
	_ =	sdelay $0x1  }
0x10f: {  	v4 =	vadd.s32 v1, v4;
	_ =	sdelay $0x4  }
0x110: {  	[tilespmem:s25], [sflag:$0x2] =	stream.indirect_vreg.gather [hbm4b:s3+s2], $0x80, v4, vm0, $0xb8;
	[tilespmem:$0x10400] =	vst v63  }
0x111: {  	s16 =	simm.s32 $0x8C00;
	v3 =	vperm.xlane v3, v2  }
0x112: {  	[tilespmem:s16], [sflag:$0x2] =	stream.indirect_vreg.gather [hbm4b:s4+s2], $0x80, v4, vm0, $0xb8;
	[tilespmem:$0x10400] =	vst v63  }
0x113: {  	v3 =	vadd.s32 v1, v3  }
0x114: {  	[tilespmem:s0], [sflag:$0x2] =	stream.indirect_vreg.gather [hbm4b:s5+s2], $0x80, v4, vm0, $0xb8;
	[tilespmem:$0x10400] =	vst v63  }
0x115: {  	s21 =	simm.s32 $0x9C00  }
0x116: {  	[tilespmem:s21], [sflag:$0x2] =	stream.indirect_vreg.gather [hbm4b:s6+s2], $0x80, v4, vm0, $0xb8;
	[tilespmem:$0x10400] =	vst v63  }
0x117: {  	s16 =	simm.s32 $0xA400  }
0x118: {  	[tilespmem:s16], [sflag:$0x2] =	stream.indirect_vreg.gather [hbm4b:s3+s2], $0x80, v3, vm0, $0xb8;
	[tilespmem:$0x10400] =	vst v63  }
0x119: {  	s21 =	simm.s32 $0xAC00  }
0x11a: {  	[tilespmem:s21], [sflag:$0x2] =	stream.indirect_vreg.gather [hbm4b:s4+s2], $0x80, v3, vm0, $0xb8;
	[tilespmem:$0x10400] =	vst v63  }
0x11b: {  	s21 =	simm.s32 $0xB400  }
0x11c: {  	[tilespmem:s21], [sflag:$0x2] =	stream.indirect_vreg.gather [hbm4b:s5+s2], $0x80, v3, vm0, $0xb8;
	[tilespmem:$0x10400] =	vst v63  }
0x11d: {  	s21 =	simm.s32 $0xBC00  }
0x11e: {  	[tilespmem:s21], [sflag:$0x2] =	stream.indirect_vreg.gather [hbm4b:s6+s2], $0x80, v3, vm0, $0xb8;
	[tilespmem:$0x10400] =	vst v63  }
0x11f: {  	v3 =	vld [tilespmem:$0x290];
	_ =	sdelay $0x4  }
0x120: {  	v59 =	vshll.u32 v3, $0x3  }
0x121: {  	v3 =	vand.u32 $0x7, v3;
	v4 =	vand.u32 $0xFFFFFFC0, v59  }
0x122: {  	v3 =	vor.u32 v3, v4  }
0x123: {  	v4 =	vperm.xlane v3, v0;
	_ =	sdelay $0x1  }
0x124: {  	v4 =	vadd.s32 v1, v4;
	_ =	sdelay $0x3  }
0x125: {  	s21 =	simm.s32 $0xC400  }
0x126: {  	[tilespmem:s21], [sflag:$0x2] =	stream.indirect_vreg.gather [hbm4b:s3+s2], $0x80, v4, vm0, $0xb8;
	[tilespmem:$0x10400] =	vst v63  }
0x127: {  	v3 =	vperm.xlane v3, v2;
	s21 =	simm.s32 $0xCC00  }
0x128: {  	[tilespmem:s21], [sflag:$0x2] =	stream.indirect_vreg.gather [hbm4b:s4+s2], $0x80, v4, vm0, $0xb8;
	[tilespmem:$0x10400] =	vst v63  }
0x129: {  	v3 =	vadd.s32 v1, v3;
	s21 =	simm.s32 $0xD400  }
0x12a: {  	[tilespmem:s21], [sflag:$0x2] =	stream.indirect_vreg.gather [hbm4b:s5+s2], $0x80, v4, vm0, $0xb8;
	[tilespmem:$0x10400] =	vst v63  }
0x12b: {  	s21 =	simm.s32 $0xDC00  }
0x12c: {  	[tilespmem:s21], [sflag:$0x2] =	stream.indirect_vreg.gather [hbm4b:s6+s2], $0x80, v4, vm0, $0xb8;
	[tilespmem:$0x10400] =	vst v63  }
0x12d: {  	s21 =	simm.s32 $0xE400  }
0x12e: {  	[tilespmem:s21], [sflag:$0x2] =	stream.indirect_vreg.gather [hbm4b:s3+s2], $0x80, v3, vm0, $0xb8;
	[tilespmem:$0x10400] =	vst v63  }
0x12f: {  	s21 =	simm.s32 $0xEC00  }
0x130: {  	[tilespmem:s21], [sflag:$0x2] =	stream.indirect_vreg.gather [hbm4b:s4+s2], $0x80, v3, vm0, $0xb8;
	[tilespmem:$0x10400] =	vst v63  }
0x131: {  	s21 =	simm.s32 $0xF400  }
0x132: {  	[tilespmem:s21], [sflag:$0x2] =	stream.indirect_vreg.gather [hbm4b:s5+s2], $0x80, v3, vm0, $0xb8;
	[tilespmem:$0x10400] =	vst v63  }
0x133: {  	s21 =	simm.s32 $0xFC00  }
0x134: {  	[tilespmem:s21], [sflag:$0x2] =	stream.indirect_vreg.gather [hbm4b:s6+s2], $0x80, v3, vm0, $0xb8;
	[tilespmem:$0x10400] =	vst v63  }
0x135: {  	_ =	swait.ge [sflag:s17], $0x8000  }
0x136: {  	[sflag:s17] =	ssyncset.done $0x0  }
0x137: {  	s21 =	rddreg [dreg:$0x7];
	[sflag:s17] =	ssyncadd.s32 $0xFFFF8000  }
0x138: {  	[hbm4b:s21+s2] =	stream.linear.scatter [tilespmem:s9], [sflag:$0x3], $0x8000, $0x38;
	[tilespmem:$0x10400] =	vst v63  }
0x139: {  	_ =	swait.ge [sflag:s18], $0x8000  }
0x13a: {  	[sflag:s18] =	ssyncset.done $0x0  }
0x13b: {  	[sflag:s18] =	ssyncadd.s32 $0xFFFF8000  }
0x13c: {  	v3 =	vld [tilespmem:$0x300];
	_ =	sdelay $0x4  }
0x13d: {  	v60 =	vshll.u32 v3, $0x3  }
0x13e: {  	v3 =	vand.u32 $0x7, v3;
	v4 =	vand.u32 $0xFFFFFFC0, v60  }
0x13f: {  	v3 =	vor.u32 v3, v4  }
0x140: {  	v4 =	vperm.xlane v3, v0;
	_ =	sdelay $0x1  }
0x141: {  	v4 =	vadd.s32 v1, v4;
	_ =	sdelay $0x4  }
0x142: {  	[tilespmem:s9], [sflag:$0x1] =	stream.indirect_vreg.gather [hbm4b:s3+s2], $0x80, v4, vm0, $0xb8;
	[tilespmem:$0x10400] =	vst v63  }
0x143: {  	v3 =	vperm.xlane v3, v2  }
0x144: {  	[tilespmem:s22], [sflag:$0x1] =	stream.indirect_vreg.gather [hbm4b:s4+s2], $0x80, v4, vm0, $0xb8;
	[tilespmem:$0x10400] =	vst v63  }
0x145: {  	v3 =	vadd.s32 v1, v3  }
0x146: {  	[tilespmem:s23], [sflag:$0x1] =	stream.indirect_vreg.gather [hbm4b:s5+s2], $0x80, v4, vm0, $0xb8;
	[tilespmem:$0x10400] =	vst v63  }
0x147: {  	_ = 	snop  }
0x148: {  	[tilespmem:s24], [sflag:$0x1] =	stream.indirect_vreg.gather [hbm4b:s6+s2], $0x80, v4, vm0, $0xb8;
	[tilespmem:$0x10400] =	vst v63  }
0x149: {  	_ = 	snop  }
0x14a: {  	[tilespmem:s26], [sflag:$0x1] =	stream.indirect_vreg.gather [hbm4b:s3+s2], $0x80, v3, vm0, $0xb8;
	[tilespmem:$0x10400] =	vst v63  }
0x14b: {  	_ = 	snop  }
0x14c: {  	[tilespmem:s28], [sflag:$0x1] =	stream.indirect_vreg.gather [hbm4b:s4+s2], $0x80, v3, vm0, $0xb8;
	[tilespmem:$0x10400] =	vst v63  }
0x14d: {  	_ = 	snop  }
0x14e: {  	[tilespmem:s29], [sflag:$0x1] =	stream.indirect_vreg.gather [hbm4b:s5+s2], $0x80, v3, vm0, $0xb8;
	[tilespmem:$0x10400] =	vst v63  }
0x14f: {  	_ = 	snop  }
0x150: {  	[tilespmem:s30], [sflag:$0x1] =	stream.indirect_vreg.gather [hbm4b:s6+s2], $0x80, v3, vm0, $0xb8;
	[tilespmem:$0x10400] =	vst v63  }
0x151: {  	v3 =	vld [tilespmem:$0x310];
	_ =	sdelay $0x4  }
0x152: {  	v61 =	vshll.u32 v3, $0x3  }
0x153: {  	v3 =	vand.u32 $0x7, v3;
	v4 =	vand.u32 $0xFFFFFFC0, v61  }
0x154: {  	v3 =	vor.u32 v3, v4  }
0x155: {  	v4 =	vperm.xlane v3, v0;
	_ =	sdelay $0x1  }
0x156: {  	v4 =	vadd.s32 v1, v4;
	_ =	sdelay $0x4  }
0x157: {  	[tilespmem:s31], [sflag:$0x1] =	stream.indirect_vreg.gather [hbm4b:s3+s2], $0x80, v4, vm0, $0xb8;
	[tilespmem:$0x10400] =	vst v63  }
0x158: {  	v3 =	vperm.xlane v3, v2  }
0x159: {  	[tilespmem:s1], [sflag:$0x1] =	stream.indirect_vreg.gather [hbm4b:s4+s2], $0x80, v4, vm0, $0xb8;
	[tilespmem:$0x10400] =	vst v63  }
0x15a: {  	v3 =	vadd.s32 v1, v3  }
0x15b: {  	[tilespmem:s15], [sflag:$0x1] =	stream.indirect_vreg.gather [hbm4b:s5+s2], $0x80, v4, vm0, $0xb8;
	[tilespmem:$0x10400] =	vst v63  }
0x15c: {  	_ = 	snop  }
0x15d: {  	[tilespmem:s8], [sflag:$0x1] =	stream.indirect_vreg.gather [hbm4b:s6+s2], $0x80, v4, vm0, $0xb8;
	[tilespmem:$0x10400] =	vst v63  }
0x15e: {  	_ = 	snop  }
0x15f: {  	[tilespmem:s10], [sflag:$0x1] =	stream.indirect_vreg.gather [hbm4b:s3+s2], $0x80, v3, vm0, $0xb8;
	[tilespmem:$0x10400] =	vst v63  }
0x160: {  	_ = 	snop  }
0x161: {  	[tilespmem:s11], [sflag:$0x1] =	stream.indirect_vreg.gather [hbm4b:s4+s2], $0x80, v3, vm0, $0xb8;
	[tilespmem:$0x10400] =	vst v63  }
0x162: {  	_ = 	snop  }
0x163: {  	[tilespmem:s12], [sflag:$0x1] =	stream.indirect_vreg.gather [hbm4b:s5+s2], $0x80, v3, vm0, $0xb8;
	[tilespmem:$0x10400] =	vst v63  }
0x164: {  	_ = 	snop  }
0x165: {  	[tilespmem:s13], [sflag:$0x1] =	stream.indirect_vreg.gather [hbm4b:s6+s2], $0x80, v3, vm0, $0xb8;
	[tilespmem:$0x10400] =	vst v63  }
0x166: {  	_ =	swait.ge [sflag:s19], $0x8000  }
0x167: {  	[sflag:s19] =	ssyncset.done $0x0  }
0x168: {  	s1 =	rddreg [dreg:$0x8];
	[sflag:s19] =	ssyncadd.s32 $0xFFFF8000  }
0x169: {  	[hbm4b:s1+s2] =	stream.linear.scatter [tilespmem:s25], [sflag:$0x4], $0x8000, $0x38;
	[tilespmem:$0x10400] =	vst v63  }
0x16a: {  	_ =	swait.ge [sflag:s20], $0x8000  }
0x16b: {  	[sflag:s20] =	ssyncset.done $0x0  }
0x16c: {  	[sflag:s20] =	ssyncadd.s32 $0xFFFF8000  }
0x16d: {  	v3 =	vld [tilespmem:$0x380];
	_ =	sdelay $0x4  }
0x16e: {  	v62 =	vshll.u32 v3, $0x3  }
0x16f: {  	v3 =	vand.u32 $0x7, v3;
	v4 =	vand.u32 $0xFFFFFFC0, v62  }
0x170: {  	v3 =	vor.u32 v3, v4  }
0x171: {  	v4 =	vperm.xlane v3, v0;
	_ =	sdelay $0x1  }
0x172: {  	v4 =	vadd.s32 v1, v4;
	_ =	sdelay $0x4  }
0x173: {  	[tilespmem:s25], [sflag:$0x2] =	stream.indirect_vreg.gather [hbm4b:s3+s2], $0x80, v4, vm0, $0xb8;
	[tilespmem:$0x10400] =	vst v63  }
0x174: {  	s21 =	simm.s32 $0x8C00;
	v3 =	vperm.xlane v3, v2  }
0x175: {  	[tilespmem:s21], [sflag:$0x2] =	stream.indirect_vreg.gather [hbm4b:s4+s2], $0x80, v4, vm0, $0xb8;
	[tilespmem:$0x10400] =	vst v63  }
0x176: {  	s0 =	simm.s32 $0x9400;
	v3 =	vadd.s32 v1, v3  }
0x177: {  	[tilespmem:s0], [sflag:$0x2] =	stream.indirect_vreg.gather [hbm4b:s5+s2], $0x80, v4, vm0, $0xb8;
	[tilespmem:$0x10400] =	vst v63  }
0x178: {  	s1 =	simm.s32 $0x9C00  }
0x179: {  	[tilespmem:s1], [sflag:$0x2] =	stream.indirect_vreg.gather [hbm4b:s6+s2], $0x80, v4, vm0, $0xb8;
	[tilespmem:$0x10400] =	vst v63  }
0x17a: {  	s14 =	simm.s32 $0xA400  }
0x17b: {  	[tilespmem:s14], [sflag:$0x2] =	stream.indirect_vreg.gather [hbm4b:s3+s2], $0x80, v3, vm0, $0xb8;
	[tilespmem:$0x10400] =	vst v63  }
0x17c: {  	s16 =	simm.s32 $0xAC00  }
0x17d: {  	[tilespmem:s16], [sflag:$0x2] =	stream.indirect_vreg.gather [hbm4b:s4+s2], $0x80, v3, vm0, $0xb8;
	[tilespmem:$0x10400] =	vst v63  }
0x17e: {  	s21 =	simm.s32 $0xB400  }
0x17f: {  	[tilespmem:s21], [sflag:$0x2] =	stream.indirect_vreg.gather [hbm4b:s5+s2], $0x80, v3, vm0, $0xb8;
	[tilespmem:$0x10400] =	vst v63  }
0x180: {  	s1 =	simm.s32 $0xBC00  }
0x181: {  	[tilespmem:s1], [sflag:$0x2] =	stream.indirect_vreg.gather [hbm4b:s6+s2], $0x80, v3, vm0, $0xb8;
	[tilespmem:$0x10400] =	vst v63  }
0x182: {  	v3 =	vld [tilespmem:$0x390];
	_ =	sdelay $0x4  }
0x183: {  	v63 =	vshll.u32 v3, $0x3  }
0x184: {  	v3 =	vand.u32 $0x7, v3;
	v4 =	vand.u32 $0xFFFFFFC0, v63  }
0x185: {  	v3 =	vor.u32 v3, v4  }
0x186: {  	v4 =	vperm.xlane v3, v0;
	_ =	sdelay $0x1  }
0x187: {  	v4 =	vadd.s32 v1, v4;
	_ =	sdelay $0x3  }
0x188: {  	s14 =	simm.s32 $0xC400  }
0x189: {  	[tilespmem:s14], [sflag:$0x2] =	stream.indirect_vreg.gather [hbm4b:s3+s2], $0x80, v4, vm0, $0xb8;
	[tilespmem:$0x10400] =	vst v63  }
0x18a: {  	s16 =	simm.s32 $0xCC00;
	v3 =	vperm.xlane v3, v2  }
0x18b: {  	[tilespmem:s16], [sflag:$0x2] =	stream.indirect_vreg.gather [hbm4b:s4+s2], $0x80, v4, vm0, $0xb8;
	[tilespmem:$0x10400] =	vst v63  }
0x18c: {  	s21 =	simm.s32 $0xD400;
	v3 =	vadd.s32 v1, v3  }
0x18d: {  	[tilespmem:s21], [sflag:$0x2] =	stream.indirect_vreg.gather [hbm4b:s5+s2], $0x80, v4, vm0, $0xb8;
	[tilespmem:$0x10400] =	vst v63  }
0x18e: {  	s1 =	simm.s32 $0xDC00  }
0x18f: {  	[tilespmem:s1], [sflag:$0x2] =	stream.indirect_vreg.gather [hbm4b:s6+s2], $0x80, v4, vm0, $0xb8;
	[tilespmem:$0x10400] =	vst v63  }
0x190: {  	s14 =	simm.s32 $0xE400  }
0x191: {  	[tilespmem:s14], [sflag:$0x2] =	stream.indirect_vreg.gather [hbm4b:s3+s2], $0x80, v3, vm0, $0xb8;
	[tilespmem:$0x10400] =	vst v63  }
0x192: {  	s16 =	simm.s32 $0xEC00  }
0x193: {  	[tilespmem:s16], [sflag:$0x2] =	stream.indirect_vreg.gather [hbm4b:s4+s2], $0x80, v3, vm0, $0xb8;
	[tilespmem:$0x10400] =	vst v63  }
0x194: {  	s21 =	simm.s32 $0xF400  }
0x195: {  	[tilespmem:s21], [sflag:$0x2] =	stream.indirect_vreg.gather [hbm4b:s5+s2], $0x80, v3, vm0, $0xb8;
	[tilespmem:$0x10400] =	vst v63  }
0x196: {  	s1 =	simm.s32 $0xFC00  }
0x197: {  	[tilespmem:s1], [sflag:$0x2] =	stream.indirect_vreg.gather [hbm4b:s6+s2], $0x80, v3, vm0, $0xb8;
	[tilespmem:$0x10400] =	vst v63  }
0x198: {  	_ =	swait.ge [sflag:s17], $0x8000  }
0x199: {  	[sflag:s17] =	ssyncset.done $0x0  }
0x19a: {  	s14 =	rddreg [dreg:$0x9];
	[sflag:s17] =	ssyncadd.s32 $0xFFFF8000  }
0x19b: {  	[hbm4b:s14+s2] =	stream.linear.scatter [tilespmem:s9], [sflag:$0x3], $0x8000, $0x38;
	[tilespmem:$0x10400] =	vst v63  }
0x19c: {  	_ =	swait.ge [sflag:s18], $0x8000  }
0x19d: {  	[sflag:s18] =	ssyncset.done $0x0  }
0x19e: {  	[sflag:s18] =	ssyncadd.s32 $0xFFFF8000  }
0x19f: {  	_ =	swait.ge [sflag:s19], $0x8000  }
0x1a0: {  	p0 =	sne.s32 s7, $0x1;
	[sflag:s19] =	ssyncset.done $0x0  }
.Ltmp0:
0x1a1: {  	s16 =	rddreg [dreg:$0xa];
	[sflag:s19] =	ssyncadd.s32 $0xFFFF8000;
	(pc) =	sbr.rel @p0 .LBB2_1-.Ltmp0, $4  }
0x1a2: {  	[hbm4b:s16+s2] =	stream.linear.scatter [tilespmem:s25], [sflag:$0x4], $0x8000, $0x38;
	[tilespmem:$0x10400] =	vst v63  }
0x1a3: {  	_ =	swait.ge [sflag:s20], $0x8000  }
0x1a4: {  	[sflag:s20] =	ssyncset.done $0x0  }
0x1a5: {  	s7 =	sadd.s32 $0xFFFFFFFF, s7;
	[sflag:s20] =	ssyncadd.s32 $0xFFFF8000  }
0x1a6: {  	_ =	sfence.sel $0x180000  }
0x1a7: {  	[bflag:$0x0] =	sbarrier.arrive $0xFFFF  }
0x1a8: {  	_ =	strace $0x9000004A  }
0x1a9: {  	s0 =	stileid.u32;
	[bflag:$0x2] =	sbarrier.arrive $0xFFFF  }
0x1aa: {  	p0 =	sne.s32 s0, $0x0;
	s0 =	rddreg [dreg:$0x1]  }
0x1ab: {  	s0 =	sadd.s32 @!p0 $0x100000, s0  }
0x1ac: {  	[sflag:s0] =	ssyncadd.tile.s32 @!p0 $0x1;
	_ =	shalt  }
.Lfunc_end2:
_tile_overlayer_lowered:
.L_overlay_start_2:
0x1ad: {  	(tag) =	ssettag $0x2  }
0x1ae: {  	s0 =	rddreg [dreg:$0x0];
	s2 =	stileid.u32  }
0x1af: {  	s1 =	rddreg [dreg:$0x1];
	p0 =	sne.s32 s2, $0x0  }
0x1b0: {  	s3 =	rddreg [dreg:$0x2];
	[bflag:$0x3] =	sbarrier.arrive $0xFFFF;
	s2 =	simm.s32 @!p0 $0x1C05  }
0x1b1: {  	[timem:s3], [sflag:s2] =	dma.local @!p0 [hbm:s0], s1  }
0x1b2: {  	s0 =	simm.s32 @!p0 $0x5  }
0x1b3: {  	_ =	swait.ge @!p0 [sflag:s0], s1  }
0x1b4: {  	s1 =	ssub.s32 @!p0 $0x0, s1;
	[sflag:s0] =	ssyncset.done @!p0 $0x0  }
0x1b5: {  	[sflag:s0] =	ssyncadd.s32 @!p0 s1  }
0x1b6: {  	[bflag:$0x3] =	sbarrier.arrive $0xFFFF  }
0x1b7: {  	_ =	shalt  }

// kernel: kernel.7.cloned.1.call-start
scs
__scs_entry_jumppad:
0x0: {  	(pc) =	sbr.rel $0x88, $3  }
0x1: {  	(tag) =	ssettag $0x0;
	lr =	simm.s32 $0x1  }
0x2: {  	[smem:$0x3F93] =	sst lr;
	_ =	strace $0xD0000000  }
0x3: {  	_ = 	snop  }
0x4: {  	_ = 	snop  }
0x5: {  	_ = 	snop  }
0x6: {  	_ = 	snop  }
0x7: {  	_ = 	snop  }
__scs_overlays_trampoline_lowered:
0x8: {  	[smem:$0x3FA2] =	sst s0  }
0x9: {  	[smem:$0x3FA3] =	sst s1  }
0xa: {  	[smem:$0x3FA4] =	sst s2  }
0xb: {  	[smem:$0x3FA5] =	sst s3  }
0xc: {  	[smem:$0x3FA6] =	sst s4  }
0xd: {  	[smem:$0x3FA7] =	sst s5  }
0xe: {  	[smem:$0x3FA8] =	sst s6  }
0xf: {  	[smem:$0x3FA9] =	sst s7  }
0x10: {  	[smem:$0x3FAA] =	sst s8  }
0x11: {  	[smem:$0x3FAB] =	sst s9;
	s0 =	simm.s32 @!p0 $0x0  }
0x12: {  	s1 =	sld [smem:$0x3F91];
	s0 =	simm.s32 @p0 $0x1  }
0x13: {  	[smem:$0x3FAC] =	sst s0;
	s0 =	simm.s32 @!p1 $0x0  }
0x14: {  	s2 =	sld [smem:$0x3F90];
	s0 =	simm.s32 @p1 $0x1  }
0x15: {  	[smem:$0x3FAD] =	sst s0;
	s0 =	simm.s32 @!p2 $0x0  }
0x16: {  	s3 =	sld [smem:$0x3FDB];
	s0 =	simm.s32 @p2 $0x1  }
0x17: {  	s4 =	simm.s32 $0x1BF5;
	[smem:$0x3FAF] =	sst s0  }
0x18: {  	s0 =	sld [smem:$0x3F92];
	_ =	swait.ge [sflag:s4], $0x0  }
0x19: {  	s7 =	sld [smem:$0x3F93]  }
0x1a: {  	s8 =	sadd.s32 $0xFFFFE003, lr  }
0x1b: {  	s9 =	sadd.s32 $0xFFFFFEF7, lr;
	s5 =	simm.s32 $0xFFFFFFFF;
	p2 =	slt.u32 s8, $0xFFFFF086  }
0x1c: {  	p1 =	slt.u32 s9, $0xF7A;
	s5 =	simm.s32 @!p2 $0x0  }
0x1d: {  	s5 =	simm.s32 @p1 $0x1;
	p0 =	seq.s32 s7, s2  }
0x1e: {  	s7 =	smul.u32 @!p0 $0xF7A, s2;
	p2 =	seq.s32 @!p0 s5, $0x0  }
0x1f: {  	s9 =	smul.u32 $0xF7A, s1;
	s8 =	simm.s32 @!p0 $0x1BF5;
	p2 =	por !p2, p0  }
0x20: {  	[sflag:s8] =	ssyncset.s32 @!p0 $0xFFFFF086;
	s6 =	sadd.s32 @!p0 s3, s7;
	s7 =	simm.s32 @!p0 $0x108  }
0x21: {  	s3 =	sadd.s32 s3, s9;
	s6 =	sadd.s32 @!p0 $0x88, s6;
	s7 =	simm.s32 @p2 $0x1082  }
0x22: {  	[simem:s7], [sflag:s8] =	dma.local @!p0 [hbm:s6], $0xF7A  }
0x23: {  	s9 =	sor.u32 $0xD0000000, s2;
	s6 =	simm.s32 $0x108;
	_ =	swait.ge @!p0 [sflag:s8], $0x0  }
0x24: {  	s3 =	sadd.s32 $0x88, s3;
	s6 =	simm.s32 @!p1 $0x1082;
	[sflag:s4] =	ssyncset.s32 $0xFFFFF086  }
0x25: {  	[simem:s6], [sflag:s4] =	dma.local [hbm:s3], $0xF7A  }
0x26: {  	[smem:$0x3F93] =	sst s1;
	(tag) =	ssettag s2;
	_ =	strace s9  }
0x27: {  	s1 =	sld [smem:$0x3FA3]  }
0x28: {  	s2 =	sld [smem:$0x3FA4]  }
0x29: {  	s4 =	sld [smem:$0x3FA6]  }
0x2a: {  	p0 =	seq.s32 s5, $0x0;
	s5 =	sld [smem:$0x3FA7]  }
0x2b: {  	s6 =	sld [smem:$0x3FA8]  }
0x2c: {  	s7 =	sld [smem:$0x3FA9]  }
0x2d: {  	s3 =	simm.s32 $0x108;
	s8 =	sld [smem:$0x3FAA]  }
0x2e: {  	s3 =	simm.s32 @!p0 $0x1082;
	s9 =	sld [smem:$0x3FAB]  }
0x2f: {  	lr =	sadd.s32 s0, s3;
	s0 =	sld [smem:$0x3FA2]  }
0x30: {  	s3 =	sld [smem:$0x3FA5]  }
0x31: {  	[smem:$0x3FAE] =	sst s10  }
0x32: {  	s10 =	sld [smem:$0x3FAC];
	_ =	sdelay $0x3  }
0x33: {  	p0 =	seq.s32 s10, $0x1;
	s10 =	sld [smem:$0x3FAE];
	_ =	sdelay $0x3  }
0x34: {  	[smem:$0x3FAE] =	sst s10  }
0x35: {  	s10 =	sld [smem:$0x3FAD];
	_ =	sdelay $0x3  }
0x36: {  	p1 =	seq.s32 s10, $0x1;
	s10 =	sld [smem:$0x3FAE];
	_ =	sdelay $0x3  }
0x37: {  	[smem:$0x3FAE] =	sst s10  }
0x38: {  	s10 =	sld [smem:$0x3FAF]  }
0x39: {  	_ = 	snop;
	(pc) =	sbr.ind lr, $3  }
0x3a: {  	_ = 	snop  }
0x3b: {  	_ = 	snop  }
0x3c: {  	p2 =	seq.s32 s10, $0x1;
	s10 =	sld [smem:$0x3FAE]  }
0x3d: {  	_ =	shalt  }
0x3e: {  	_ =	shalt  }
0x3f: {  	_ =	shalt  }
0x40: {  	_ =	shalt  }
0x41: {  	_ =	shalt  }
0x42: {  	_ =	shalt  }
0x43: {  	_ =	shalt  }
0x44: {  	_ =	shalt  }
0x45: {  	_ =	shalt  }
0x46: {  	_ =	shalt  }
0x47: {  	_ =	shalt  }
0x48: {  	_ =	shalt  }
0x49: {  	_ =	shalt  }
0x4a: {  	_ =	shalt  }
0x4b: {  	_ =	shalt  }
0x4c: {  	_ =	shalt  }
0x4d: {  	_ =	shalt  }
0x4e: {  	_ =	shalt  }
0x4f: {  	_ =	shalt  }
0x50: {  	_ =	shalt  }
0x51: {  	_ =	shalt  }
0x52: {  	_ =	shalt  }
0x53: {  	_ =	shalt  }
0x54: {  	_ =	shalt  }
0x55: {  	_ =	shalt  }
0x56: {  	_ =	shalt  }
0x57: {  	_ =	shalt  }
0x58: {  	_ =	shalt  }
0x59: {  	_ =	shalt  }
0x5a: {  	_ =	shalt  }
0x5b: {  	_ =	shalt  }
0x5c: {  	_ =	shalt  }
0x5d: {  	_ =	shalt  }
0x5e: {  	_ =	shalt  }
0x5f: {  	_ =	shalt  }
0x60: {  	_ =	shalt  }
0x61: {  	_ =	shalt  }
0x62: {  	_ =	shalt  }
0x63: {  	_ =	shalt  }
0x64: {  	_ =	shalt  }
0x65: {  	_ =	shalt  }
0x66: {  	_ =	shalt  }
0x67: {  	_ =	shalt  }
0x68: {  	_ =	shalt  }
0x69: {  	_ =	shalt  }
0x6a: {  	_ =	shalt  }
0x6b: {  	_ =	shalt  }
0x6c: {  	_ =	shalt  }
0x6d: {  	_ =	shalt  }
0x6e: {  	_ =	shalt  }
0x6f: {  	_ =	shalt  }
0x70: {  	_ =	shalt  }
0x71: {  	_ =	shalt  }
0x72: {  	_ =	shalt  }
0x73: {  	_ =	shalt  }
0x74: {  	_ =	shalt  }
0x75: {  	_ =	shalt  }
0x76: {  	_ =	shalt  }
0x77: {  	_ =	shalt  }
0x78: {  	_ =	shalt  }
0x79: {  	_ =	shalt  }
0x7a: {  	_ =	shalt  }
0x7b: {  	_ =	shalt  }
0x7c: {  	_ =	shalt  }
0x7d: {  	_ =	shalt  }
0x7e: {  	_ =	shalt  }
0x7f: {  	_ =	shalt  }
0x80: {  	_ =	shalt  }
0x81: {  	_ =	shalt  }
0x82: {  	_ =	shalt  }
0x83: {  	_ =	shalt  }
0x84: {  	_ =	shalt  }
0x85: {  	_ =	shalt  }
0x86: {  	_ =	shalt  }
0x87: {  	_ =	shalt  }
.Lfunc_end0:
.L_simem_size_0:
called_computation_lowered:
.L_overlay_start_0:
0x88: {  	s2 =	sld [smem:$0x3FD9]  }
0x89: {  	s3 =	sld [smem:$0x3FFE];
	_ =	sdelay $0x1  }
0x8a: {  	s1 =	srdreg.scid  }
0x8b: {  	s0 =	sand.u32 $0x1, s1  }
0x8c: {  	s17 =	sshll.u32 s0, $0xA;
	s2 =	sadd.s32 s3, s2  }
0x8d: {  	s2 =	sadd.s32 s2, s17  }
0x8e: {  	[smem:$0x3FBA] =	sst s2  }
0x8f: {  	_ = 	snop  }
0x90: {  	s2 =	sld [smem:$0x3FC9];
	(tm) =	ssettm $0x1  }
0x91: {  	s18 =	sld [smem:$0x3FFB];
	_ =	sdelay $0x3  }
0x92: {  	_ =	strace s18  }
0x93: {  	s3 =	sld [smem:$0x3FFC];
	_ =	sdelay $0x3  }
0x94: {  	_ =	strace s3  }
0x95: {  	s3 =	sld [smem:$0x3FFD];
	_ =	sdelay $0x3  }
0x96: {  	_ =	strace s3  }
0x97: {  	_ =	strace $0x8FFFFFFF  }
0x98: {  	s19 =	sld [smem:$0x3FDB];
	_ =	sdelay $0x1  }
0x99: {  	s4 =	simm.s32 $_scs_section_size  }
0x9a: {  	s5 =	simm.s32 $_size__tile_overlayer_lowered;
	s6 =	simm.s32 $_tile_overlayer_lowered  }
0x9b: {  	s22 =	simm.s32 $0x1BFF;
	s21 =	sshll.u32 s6, $0x1;
	s3 =	sadd.s32 s4, s19  }
0x9c: {  	s7 =	simm.s32 $0x0;
	s20 =	sshll.u32 s5, $0x1;
	s5 =	sadd.s32 s21, s3  }
0x9d: {  	[timem:s7], [sflag:s22] =	dma.local [hbm:s5], s20  }
0x9e: {  	_ =	swait.ge [sflag:s22], s20  }
0x9f: {  	s4 =	ssub.s32 $0x0, s20;
	[sflag:s22] =	ssyncset.done $0x0  }
0xa0: {  	[sflag:s22] =	ssyncadd.s32 s4;
	_ =	sdelay $0x1  }
0xa1: {  	s23 =	simm.s32 $0x1B8B  }
0xa2: {  	_ =	swait.ge [sflag:s23], $0x1  }
0xa3: {  	[sflag:s23] =	ssyncset.done $0x0  }
0xa4: {  	s25 =	simm.s32 $0x1B8E;
	s24 =	sld [smem:$0x3FFE];
	[sflag:s23] =	ssyncadd.s32 $0xFFFFFFFF  }
0xa5: {  	s26 =	simm.s32 $execute0_lowered;
	[smem:$0x3FD2] =	sst s25  }
0xa6: {  	s5 =	sshll.u32 s26, $0x1;
	_ =	strace $0x80000046;
	[dreg:$0x1] =	wrdreg $0xFFFFFFFF  }
0xa7: {  	s28 =	simm.s32 $_size_execute0_lowered;
	s3 =	sadd.s32 s3, s5;
	[dreg:$0x0] =	wrdreg $0x0  }
0xa8: {  	s5 =	sshll.u32 s28, $0x1;
	[dreg:$0x2] =	wrdreg s3  }
0xa9: {  	[dreg:$0x3] =	wrdreg s5  }
0xaa: {  	[dreg:$0x4] =	wrdreg $0xC0  }
0xab: {  	_ =	task [dreg:s7], $0x5FFFF  }
0xac: {  	[dreg:$0x1] =	wrdreg $0xFFFFFFFF  }
0xad: {  	[dreg:$0x0] =	wrdreg $0x60  }
0xae: {  	[dreg:$0x2] =	wrdreg s2  }
0xaf: {  	[dreg:$0x3] =	wrdreg s24  }
0xb0: {  	[dreg:$0x4] =	wrdreg $0x9  }
0xb1: {  	_ =	task.clear_ibuf [dreg:s7], $0x5FFFF;
	_ =	strace $0x90000046  }
0xb2: {  	s29 =	simm.s32 $0x9;
	_ =	strace $0x80000048  }
0xb3: {  	_ =	swait.ge [sflag:s29], $0x1  }
0xb4: {  	[sflag:s29] =	ssyncadd.s32 $0xFFFFFFFF  }
0xb5: {  	_ =	strace $0x90000048  }
0xb6: {  	_ =	sfence  }
0xb7: {  	s30 =	sld [smem:$0x0];
	_ =	sdelay $0x2  }
0xb8: {  	s31 =	sshll.u32 s1, $0xD;
	s1 =	sshrl.u32 s1, $0x2  }
0xb9: {  	s3 =	sand.u32 $0x4000, s31;
	s1 =	sadd.s32 s1, s30  }
0xba: {  	s0 =	sor.u32 s3, s0;
	s1 =	sshll.u32 s1, $0x11  }
0xbb: {  	s0 =	sor.u32 s1, s0  }
0xbc: {  	s0 =	sadd.s32 $0x8F2B, s0  }
0xbd: {  	[sflag:s0] =	ssyncadd.remote.s32 $0x1  }
0xbe: {  	_ =	sfence.sel $0xFFFF  }
0xbf: {  	[dreg:$0x0] =	wrdreg $0xFFFFFFFF;
	(pc) =	sbr.abs _section_cstart, $3  }
0xc0: {  	[dreg:$0x1] =	wrdreg $0xFFFFFFFF  }
0xc1: {  	_ =	task.clear_ibuf [dreg:s7], $0x2FFFF;
	_ =	strace $0x9FFFFFFF  }
0xc2: {  	(tm) =	ssettm $0x7FFFFFFF  }
0xc3: {  	_ =	shalt  }
tec
execute0_lowered:
.L_overlay_start_1:
0x0: {  	(tag) =	ssettag $0x1  }
0x1: {  	s26 =	rddreg [dreg:$0x0]  }
0x2: {  	s0 =	rddreg [dreg:$0x1]  }
0x3: {  	s1 =	srdreg.scid;
	s4 =	stileid.u32  }
0x4: {  	s3 =	simm.s32 $0x0;
	s31 =	simm.s32 $0x400;
	s28 =	simm.s32 $0x2  }
0x5: {  	s25 =	simm.s32 $0x4;
	s1 =	sand.u32 $0x1, s1;
	s4 =	sshll.u32 s4, $0x8  }
0x6: {  	[smem:$0x7FF] =	sst s3;
	s8 =	sadd.s32 $0x5B00, s0;
	s9 =	sadd.s32 $0x5C00, s0  }
0x7: {  	s10 =	sadd.s32 $0x5D00, s0;
	s5 =	sshll.u32 s1, $0x7;
	_ =	strace $0x80000047  }
0x8: {  	s1 =	ssub.s32 $0x2, s1;
	[dreg:$0x5] =	wrdreg s31;
	s4 =	sor.u32 s5, s4  }
0x9: {  	s7 =	sshrl.u32 s1, $0x1;
	s5 =	sadd.s32 s4, s0;
	s4 =	sadd.s32 $0x5A00, s0  }
0xa: {  	v2 =	vlaneseq.u32;
	s1 =	ssub.s32 s1, s7;
	s7 =	sadd.s32 $0x300, s26;
	s6 =	sadd.s32 $0x3600, s5  }
0xb: {  	vm0 =	vmmov $0xffff;
	v1 =	vshrl.u32 v2, $0x3;
	s5 =	sadd.s32 $0x4A00, s5;
	s1 =	smax.u32 s1, $0x1;
	[dreg:$0x3] =	wrdreg s6  }
0xc: {  	v0 =	vand.u32 $0x7, v2;
	v2 =	vor.u32 $0x8, v2;
	v1 =	vmul.u32 $0x8, v1;
	[dreg:$0x4] =	wrdreg s5;
	s5 =	sadd.s32 $0x100, s26;
	s6 =	sadd.s32 $0x200, s26  }
.LBB2_1:
0xd: {  	[dreg:$0x6] =	wrdreg s1  }
0xe: {  	s29 =	rddreg [dreg:$0x3];
	s31 =	simm.s32 $0x5  }
0xf: {  	[tilespmem:s3], [sflag:$0x5] =	stream.linear.gather [hbm4b:s29+s3], $0x400, $0x38;
	[tilespmem:$0x10800] =	vst v63  }
0x10: {  	_ =	swait.ge [sflag:s31], $0x400  }
0x11: {  	s12 =	rddreg [dreg:$0x4];
	[sflag:s31] =	ssyncset.done $0x0  }
0x12: {  	s30 =	rddreg [dreg:$0x5];
	[sflag:s31] =	ssyncadd.s32 $0xFFFFFC00  }
0x13: {  	[tilespmem:s30], [sflag:$0x5] =	stream.linear.gather [hbm4b:s12+s3], $0x400, $0x38;
	[tilespmem:$0x10800] =	vst v63  }
0x14: {  	_ =	swait.ge [sflag:s31], $0x400  }
0x15: {  	[sflag:s31] =	ssyncset.done $0x0  }
0x16: {  	[sflag:s31] =	ssyncadd.s32 $0xFFFFFC00  }
0x17: {  	v3 =	vld [tilespmem:$0x0];
	_ =	sdelay $0x4  }
0x18: {  	v4 =	vshll.u32 v3, $0x3  }
0x19: {  	v3 =	vand.u32 $0x7, v3;
	v4 =	vand.u32 $0xFFFFFFC0, v4  }
0x1a: {  	v3 =	vor.u32 v3, v4  }
0x1b: {  	v4 =	vperm.xlane v3, v0;
	_ =	sdelay $0x1  }
0x1c: {  	v4 =	vadd.s32 v1, v4;
	_ =	sdelay $0x3  }
0x1d: {  	s0 =	simm.s32 $0x800  }
0x1e: {  	[tilespmem:s0], [sflag:$0x1] =	stream.indirect_vreg.gather [hbm4b:s26+s3], $0x80, v4, vm0, $0xb8;
	[tilespmem:$0x10800] =	vst v63  }
0x1f: {  	s13 =	simm.s32 $0x1000;
	v3 =	vperm.xlane v3, v2  }
0x20: {  	[tilespmem:s13], [sflag:$0x1] =	stream.indirect_vreg.gather [hbm4b:s5+s3], $0x80, v4, vm0, $0xb8;
	[tilespmem:$0x10800] =	vst v63  }
0x21: {  	s31 =	simm.s32 $0x1800;
	v3 =	vadd.s32 v1, v3  }
0x22: {  	[tilespmem:s31], [sflag:$0x1] =	stream.indirect_vreg.gather [hbm4b:s6+s3], $0x80, v4, vm0, $0xb8;
	[tilespmem:$0x10800] =	vst v63  }
0x23: {  	s14 =	simm.s32 $0x2000  }
0x24: {  	[tilespmem:s14], [sflag:$0x1] =	stream.indirect_vreg.gather [hbm4b:s7+s3], $0x80, v4, vm0, $0xb8;
	[tilespmem:$0x10800] =	vst v63  }
0x25: {  	s15 =	simm.s32 $0x2800  }
0x26: {  	[tilespmem:s15], [sflag:$0x1] =	stream.indirect_vreg.gather [hbm4b:s26+s3], $0x80, v3, vm0, $0xb8;
	[tilespmem:$0x10800] =	vst v63  }
0x27: {  	s16 =	simm.s32 $0x3000  }
0x28: {  	[tilespmem:s16], [sflag:$0x1] =	stream.indirect_vreg.gather [hbm4b:s5+s3], $0x80, v3, vm0, $0xb8;
	[tilespmem:$0x10800] =	vst v63  }
0x29: {  	s17 =	simm.s32 $0x3800  }
0x2a: {  	[tilespmem:s17], [sflag:$0x1] =	stream.indirect_vreg.gather [hbm4b:s6+s3], $0x80, v3, vm0, $0xb8;
	[tilespmem:$0x10800] =	vst v63  }
0x2b: {  	s18 =	simm.s32 $0x4000  }
0x2c: {  	[tilespmem:s18], [sflag:$0x1] =	stream.indirect_vreg.gather [hbm4b:s7+s3], $0x80, v3, vm0, $0xb8;
	[tilespmem:$0x10800] =	vst v63  }
0x2d: {  	v3 =	vld [tilespmem:$0x10];
	_ =	sdelay $0x4  }
0x2e: {  	v33 =	vshll.u32 v3, $0x3  }
0x2f: {  	v3 =	vand.u32 $0x7, v3;
	v4 =	vand.u32 $0xFFFFFFC0, v33  }
0x30: {  	v3 =	vor.u32 v3, v4  }
0x31: {  	v4 =	vperm.xlane v3, v0;
	_ =	sdelay $0x1  }
0x32: {  	v4 =	vadd.s32 v1, v4;
	_ =	sdelay $0x3  }
0x33: {  	s19 =	simm.s32 $0x4800  }
0x34: {  	[tilespmem:s19], [sflag:$0x1] =	stream.indirect_vreg.gather [hbm4b:s26+s3], $0x80, v4, vm0, $0xb8;
	[tilespmem:$0x10800] =	vst v63  }
0x35: {  	s20 =	simm.s32 $0x5000;
	v3 =	vperm.xlane v3, v2  }
0x36: {  	[tilespmem:s20], [sflag:$0x1] =	stream.indirect_vreg.gather [hbm4b:s5+s3], $0x80, v4, vm0, $0xb8;
	[tilespmem:$0x10800] =	vst v63  }
0x37: {  	s21 =	simm.s32 $0x5800;
	v3 =	vadd.s32 v1, v3  }
0x38: {  	[tilespmem:s21], [sflag:$0x1] =	stream.indirect_vreg.gather [hbm4b:s6+s3], $0x80, v4, vm0, $0xb8;
	[tilespmem:$0x10800] =	vst v63  }
0x39: {  	s22 =	simm.s32 $0x6000  }
0x3a: {  	[tilespmem:s22], [sflag:$0x1] =	stream.indirect_vreg.gather [hbm4b:s7+s3], $0x80, v4, vm0, $0xb8;
	[tilespmem:$0x10800] =	vst v63  }
0x3b: {  	s23 =	simm.s32 $0x6800  }
0x3c: {  	[tilespmem:s23], [sflag:$0x1] =	stream.indirect_vreg.gather [hbm4b:s26+s3], $0x80, v3, vm0, $0xb8;
	[tilespmem:$0x10800] =	vst v63  }
0x3d: {  	s24 =	simm.s32 $0x7000  }
0x3e: {  	[tilespmem:s24], [sflag:$0x1] =	stream.indirect_vreg.gather [hbm4b:s5+s3], $0x80, v3, vm0, $0xb8;
	[tilespmem:$0x10800] =	vst v63  }
0x3f: {  	s29 =	simm.s32 $0x7800  }
0x40: {  	[tilespmem:s29], [sflag:$0x1] =	stream.indirect_vreg.gather [hbm4b:s6+s3], $0x80, v3, vm0, $0xb8;
	[tilespmem:$0x10800] =	vst v63  }
0x41: {  	s30 =	simm.s32 $0x8000  }
0x42: {  	[tilespmem:s30], [sflag:$0x1] =	stream.indirect_vreg.gather [hbm4b:s7+s3], $0x80, v3, vm0, $0xb8;
	[tilespmem:$0x10800] =	vst v63  }
0x43: {  	v3 =	vld [tilespmem:$0x80];
	_ =	sdelay $0x4  }
0x44: {  	v34 =	vshll.u32 v3, $0x3  }
0x45: {  	v3 =	vand.u32 $0x7, v3;
	v4 =	vand.u32 $0xFFFFFFC0, v34  }
0x46: {  	v3 =	vor.u32 v3, v4  }
0x47: {  	v4 =	vperm.xlane v3, v0;
	_ =	sdelay $0x1  }
0x48: {  	v4 =	vadd.s32 v1, v4;
	_ =	sdelay $0x3  }
0x49: {  	s23 =	simm.s32 $0x8800  }
0x4a: {  	[tilespmem:s23], [sflag:$0x2] =	stream.indirect_vreg.gather [hbm4b:s26+s3], $0x80, v4, vm0, $0xb8;
	[tilespmem:$0x10800] =	vst v63  }
0x4b: {  	s0 =	simm.s32 $0x9000;
	v3 =	vperm.xlane v3, v2  }
0x4c: {  	[tilespmem:s0], [sflag:$0x2] =	stream.indirect_vreg.gather [hbm4b:s5+s3], $0x80, v4, vm0, $0xb8;
	[tilespmem:$0x10800] =	vst v63  }
0x4d: {  	s1 =	simm.s32 $0x9800;
	v3 =	vadd.s32 v1, v3  }
0x4e: {  	[tilespmem:s1], [sflag:$0x2] =	stream.indirect_vreg.gather [hbm4b:s6+s3], $0x80, v4, vm0, $0xb8;
	[tilespmem:$0x10800] =	vst v63  }
0x4f: {  	s2 =	simm.s32 $0xA000  }
0x50: {  	[tilespmem:s2], [sflag:$0x2] =	stream.indirect_vreg.gather [hbm4b:s7+s3], $0x80, v4, vm0, $0xb8;
	[tilespmem:$0x10800] =	vst v63  }
0x51: {  	s11 =	simm.s32 $0xA800  }
0x52: {  	[tilespmem:s11], [sflag:$0x2] =	stream.indirect_vreg.gather [hbm4b:s26+s3], $0x80, v3, vm0, $0xb8;
	[tilespmem:$0x10800] =	vst v63  }
0x53: {  	s12 =	simm.s32 $0xB000  }
0x54: {  	[tilespmem:s12], [sflag:$0x2] =	stream.indirect_vreg.gather [hbm4b:s5+s3], $0x80, v3, vm0, $0xb8;
	[tilespmem:$0x10800] =	vst v63  }
0x55: {  	s13 =	simm.s32 $0xB800  }
0x56: {  	[tilespmem:s13], [sflag:$0x2] =	stream.indirect_vreg.gather [hbm4b:s6+s3], $0x80, v3, vm0, $0xb8;
	[tilespmem:$0x10800] =	vst v63  }
0x57: {  	s14 =	simm.s32 $0xC000  }
0x58: {  	[tilespmem:s14], [sflag:$0x2] =	stream.indirect_vreg.gather [hbm4b:s7+s3], $0x80, v3, vm0, $0xb8;
	[tilespmem:$0x10800] =	vst v63  }
0x59: {  	v3 =	vld [tilespmem:$0x90];
	_ =	sdelay $0x4  }
0x5a: {  	v35 =	vshll.u32 v3, $0x3  }
0x5b: {  	v3 =	vand.u32 $0x7, v3;
	v4 =	vand.u32 $0xFFFFFFC0, v35  }
0x5c: {  	v3 =	vor.u32 v3, v4  }
0x5d: {  	v4 =	vperm.xlane v3, v0;
	_ =	sdelay $0x1  }
0x5e: {  	v4 =	vadd.s32 v1, v4;
	_ =	sdelay $0x3  }
0x5f: {  	s15 =	simm.s32 $0xC800  }
0x60: {  	[tilespmem:s15], [sflag:$0x2] =	stream.indirect_vreg.gather [hbm4b:s26+s3], $0x80, v4, vm0, $0xb8;
	[tilespmem:$0x10800] =	vst v63  }
0x61: {  	s16 =	simm.s32 $0xD000;
	v3 =	vperm.xlane v3, v2  }
0x62: {  	[tilespmem:s16], [sflag:$0x2] =	stream.indirect_vreg.gather [hbm4b:s5+s3], $0x80, v4, vm0, $0xb8;
	[tilespmem:$0x10800] =	vst v63  }
0x63: {  	s17 =	simm.s32 $0xD800;
	v3 =	vadd.s32 v1, v3  }
0x64: {  	[tilespmem:s17], [sflag:$0x2] =	stream.indirect_vreg.gather [hbm4b:s6+s3], $0x80, v4, vm0, $0xb8;
	[tilespmem:$0x10800] =	vst v63  }
0x65: {  	s18 =	simm.s32 $0xE000  }
0x66: {  	[tilespmem:s18], [sflag:$0x2] =	stream.indirect_vreg.gather [hbm4b:s7+s3], $0x80, v4, vm0, $0xb8;
	[tilespmem:$0x10800] =	vst v63  }
0x67: {  	s19 =	simm.s32 $0xE800  }
0x68: {  	[tilespmem:s19], [sflag:$0x2] =	stream.indirect_vreg.gather [hbm4b:s26+s3], $0x80, v3, vm0, $0xb8;
	[tilespmem:$0x10800] =	vst v63  }
0x69: {  	s20 =	simm.s32 $0xF000  }
0x6a: {  	[tilespmem:s20], [sflag:$0x2] =	stream.indirect_vreg.gather [hbm4b:s5+s3], $0x80, v3, vm0, $0xb8;
	[tilespmem:$0x10800] =	vst v63  }
0x6b: {  	s21 =	simm.s32 $0xF800  }
0x6c: {  	[tilespmem:s21], [sflag:$0x2] =	stream.indirect_vreg.gather [hbm4b:s6+s3], $0x80, v3, vm0, $0xb8;
	[tilespmem:$0x10800] =	vst v63  }
0x6d: {  	s22 =	simm.s32 $0x10000;
	s29 =	simm.s32 $0x1  }
0x6e: {  	[tilespmem:s22], [sflag:$0x2] =	stream.indirect_vreg.gather [hbm4b:s7+s3], $0x80, v3, vm0, $0xb8;
	[tilespmem:$0x10800] =	vst v63  }
0x6f: {  	_ =	swait.ge [sflag:s29], $0x8000  }
0x70: {  	[sflag:s29] =	ssyncset.done $0x0  }
0x71: {  	[sflag:s29] =	ssyncadd.s32 $0xFFFF8000  }
0x72: {  	v3 =	vld [tilespmem:$0x400];
	_ =	sdelay $0x4  }
0x73: {  	v36 =	vshll.u32 v3, $0x3  }
0x74: {  	v3 =	vand.u32 $0x7, v3;
	v4 =	vand.u32 $0xFFFFFFC0, v36  }
0x75: {  	v3 =	vor.u32 v3, v4  }
0x76: {  	v4 =	vperm.xlane v3, v0;
	_ =	sdelay $0x1  }
0x77: {  	v4 =	vadd.s32 v1, v4;
	_ =	sdelay $0x3  }
0x78: {  	s17 =	simm.s32 $0x800  }
0x79: {  	[hbm4b:s4+s3] =	stream.indirect_vreg.scatter [tilespmem:s17], [sflag:$0x3], $0x80, v4, vm0, $0xb8;
	[tilespmem:$0x10800] =	vst v63  }
0x7a: {  	s22 =	simm.s32 $0x1000;
	v3 =	vperm.xlane v3, v2  }
0x7b: {  	[hbm4b:s8+s3] =	stream.indirect_vreg.scatter [tilespmem:s22], [sflag:$0x3], $0x80, v4, vm0, $0xb8;
	[tilespmem:$0x10800] =	vst v63  }
0x7c: {  	v3 =	vadd.s32 v1, v3  }
0x7d: {  	[hbm4b:s9+s3] =	stream.indirect_vreg.scatter [tilespmem:s31], [sflag:$0x3], $0x80, v4, vm0, $0xb8;
	[tilespmem:$0x10800] =	vst v63  }
0x7e: {  	s23 =	simm.s32 $0x2000  }
0x7f: {  	[hbm4b:s10+s3] =	stream.indirect_vreg.scatter [tilespmem:s23], [sflag:$0x3], $0x80, v4, vm0, $0xb8;
	[tilespmem:$0x10800] =	vst v63  }
0x80: {  	s24 =	simm.s32 $0x2800  }
0x81: {  	[hbm4b:s4+s3] =	stream.indirect_vreg.scatter [tilespmem:s24], [sflag:$0x3], $0x80, v3, vm0, $0xb8;
	[tilespmem:$0x10800] =	vst v63  }
0x82: {  	s2 =	simm.s32 $0x3000  }
0x83: {  	[hbm4b:s8+s3] =	stream.indirect_vreg.scatter [tilespmem:s2], [sflag:$0x3], $0x80, v3, vm0, $0xb8;
	[tilespmem:$0x10800] =	vst v63  }
0x84: {  	s11 =	simm.s32 $0x3800  }
0x85: {  	[hbm4b:s9+s3] =	stream.indirect_vreg.scatter [tilespmem:s11], [sflag:$0x3], $0x80, v3, vm0, $0xb8;
	[tilespmem:$0x10800] =	vst v63  }
0x86: {  	s18 =	simm.s32 $0x4000  }
0x87: {  	[hbm4b:s10+s3] =	stream.indirect_vreg.scatter [tilespmem:s18], [sflag:$0x3], $0x80, v3, vm0, $0xb8;
	[tilespmem:$0x10800] =	vst v63  }
0x88: {  	v3 =	vld [tilespmem:$0x410];
	_ =	sdelay $0x4  }
0x89: {  	v37 =	vshll.u32 v3, $0x3  }
0x8a: {  	v3 =	vand.u32 $0x7, v3;
	v4 =	vand.u32 $0xFFFFFFC0, v37  }
0x8b: {  	v3 =	vor.u32 v3, v4  }
0x8c: {  	v4 =	vperm.xlane v3, v0;
	_ =	sdelay $0x1  }
0x8d: {  	v4 =	vadd.s32 v1, v4;
	_ =	sdelay $0x3  }
0x8e: {  	s19 =	simm.s32 $0x4800  }
0x8f: {  	[hbm4b:s4+s3] =	stream.indirect_vreg.scatter [tilespmem:s19], [sflag:$0x3], $0x80, v4, vm0, $0xb8;
	[tilespmem:$0x10800] =	vst v63  }
0x90: {  	s20 =	simm.s32 $0x5000;
	v3 =	vperm.xlane v3, v2  }
0x91: {  	[hbm4b:s8+s3] =	stream.indirect_vreg.scatter [tilespmem:s20], [sflag:$0x3], $0x80, v4, vm0, $0xb8;
	[tilespmem:$0x10800] =	vst v63  }
0x92: {  	s12 =	simm.s32 $0x5800;
	v3 =	vadd.s32 v1, v3  }
0x93: {  	[hbm4b:s9+s3] =	stream.indirect_vreg.scatter [tilespmem:s12], [sflag:$0x3], $0x80, v4, vm0, $0xb8;
	[tilespmem:$0x10800] =	vst v63  }
0x94: {  	s13 =	simm.s32 $0x6000  }
0x95: {  	[hbm4b:s10+s3] =	stream.indirect_vreg.scatter [tilespmem:s13], [sflag:$0x3], $0x80, v4, vm0, $0xb8;
	[tilespmem:$0x10800] =	vst v63  }
0x96: {  	s14 =	simm.s32 $0x6800  }
0x97: {  	[hbm4b:s4+s3] =	stream.indirect_vreg.scatter [tilespmem:s14], [sflag:$0x3], $0x80, v3, vm0, $0xb8;
	[tilespmem:$0x10800] =	vst v63  }
0x98: {  	s15 =	simm.s32 $0x7000  }
0x99: {  	[hbm4b:s8+s3] =	stream.indirect_vreg.scatter [tilespmem:s15], [sflag:$0x3], $0x80, v3, vm0, $0xb8;
	[tilespmem:$0x10800] =	vst v63  }
0x9a: {  	s16 =	simm.s32 $0x7800  }
0x9b: {  	[hbm4b:s9+s3] =	stream.indirect_vreg.scatter [tilespmem:s16], [sflag:$0x3], $0x80, v3, vm0, $0xb8;
	[tilespmem:$0x10800] =	vst v63  }
0x9c: {  	s30 =	simm.s32 $0x3;
	s21 =	simm.s32 $0x8000  }
0x9d: {  	[hbm4b:s10+s3] =	stream.indirect_vreg.scatter [tilespmem:s21], [sflag:$0x3], $0x80, v3, vm0, $0xb8;
	[tilespmem:$0x10800] =	vst v63  }
0x9e: {  	_ =	swait.ge [sflag:s30], $0x8000  }
0x9f: {  	[sflag:s30] =	ssyncset.done $0x0  }
0xa0: {  	[sflag:s30] =	ssyncadd.s32 $0xFFFF8000  }
0xa1: {  	v3 =	vld [tilespmem:$0x100];
	_ =	sdelay $0x4  }
0xa2: {  	v38 =	vshll.u32 v3, $0x3  }
0xa3: {  	v3 =	vand.u32 $0x7, v3;
	v4 =	vand.u32 $0xFFFFFFC0, v38  }
0xa4: {  	v3 =	vor.u32 v3, v4  }
0xa5: {  	v4 =	vperm.xlane v3, v0;
	_ =	sdelay $0x1  }
0xa6: {  	v4 =	vadd.s32 v1, v4;
	_ =	sdelay $0x4  }
0xa7: {  	[tilespmem:s17], [sflag:$0x1] =	stream.indirect_vreg.gather [hbm4b:s26+s3], $0x80, v4, vm0, $0xb8;
	[tilespmem:$0x10800] =	vst v63  }
0xa8: {  	v3 =	vperm.xlane v3, v2  }
0xa9: {  	[tilespmem:s22], [sflag:$0x1] =	stream.indirect_vreg.gather [hbm4b:s5+s3], $0x80, v4, vm0, $0xb8;
	[tilespmem:$0x10800] =	vst v63  }
0xaa: {  	v3 =	vadd.s32 v1, v3  }
0xab: {  	[tilespmem:s31], [sflag:$0x1] =	stream.indirect_vreg.gather [hbm4b:s6+s3], $0x80, v4, vm0, $0xb8;
	[tilespmem:$0x10800] =	vst v63  }
0xac: {  	_ = 	snop  }
0xad: {  	[tilespmem:s23], [sflag:$0x1] =	stream.indirect_vreg.gather [hbm4b:s7+s3], $0x80, v4, vm0, $0xb8;
	[tilespmem:$0x10800] =	vst v63  }
0xae: {  	_ = 	snop  }
0xaf: {  	[tilespmem:s24], [sflag:$0x1] =	stream.indirect_vreg.gather [hbm4b:s26+s3], $0x80, v3, vm0, $0xb8;
	[tilespmem:$0x10800] =	vst v63  }
0xb0: {  	_ = 	snop  }
0xb1: {  	[tilespmem:s2], [sflag:$0x1] =	stream.indirect_vreg.gather [hbm4b:s5+s3], $0x80, v3, vm0, $0xb8;
	[tilespmem:$0x10800] =	vst v63  }
0xb2: {  	_ = 	snop  }
0xb3: {  	[tilespmem:s11], [sflag:$0x1] =	stream.indirect_vreg.gather [hbm4b:s6+s3], $0x80, v3, vm0, $0xb8;
	[tilespmem:$0x10800] =	vst v63  }
0xb4: {  	_ = 	snop  }
0xb5: {  	[tilespmem:s18], [sflag:$0x1] =	stream.indirect_vreg.gather [hbm4b:s7+s3], $0x80, v3, vm0, $0xb8;
	[tilespmem:$0x10800] =	vst v63  }
0xb6: {  	v3 =	vld [tilespmem:$0x110];
	_ =	sdelay $0x4  }
0xb7: {  	v39 =	vshll.u32 v3, $0x3  }
0xb8: {  	v3 =	vand.u32 $0x7, v3;
	v4 =	vand.u32 $0xFFFFFFC0, v39  }
0xb9: {  	v3 =	vor.u32 v3, v4  }
0xba: {  	v4 =	vperm.xlane v3, v0;
	_ =	sdelay $0x1  }
0xbb: {  	v4 =	vadd.s32 v1, v4;
	_ =	sdelay $0x4  }
0xbc: {  	[tilespmem:s19], [sflag:$0x1] =	stream.indirect_vreg.gather [hbm4b:s26+s3], $0x80, v4, vm0, $0xb8;
	[tilespmem:$0x10800] =	vst v63  }
0xbd: {  	v3 =	vperm.xlane v3, v2  }
0xbe: {  	[tilespmem:s20], [sflag:$0x1] =	stream.indirect_vreg.gather [hbm4b:s5+s3], $0x80, v4, vm0, $0xb8;
	[tilespmem:$0x10800] =	vst v63  }
0xbf: {  	v3 =	vadd.s32 v1, v3  }
0xc0: {  	[tilespmem:s12], [sflag:$0x1] =	stream.indirect_vreg.gather [hbm4b:s6+s3], $0x80, v4, vm0, $0xb8;
	[tilespmem:$0x10800] =	vst v63  }
0xc1: {  	_ = 	snop  }
0xc2: {  	[tilespmem:s13], [sflag:$0x1] =	stream.indirect_vreg.gather [hbm4b:s7+s3], $0x80, v4, vm0, $0xb8;
	[tilespmem:$0x10800] =	vst v63  }
0xc3: {  	_ = 	snop  }
0xc4: {  	[tilespmem:s14], [sflag:$0x1] =	stream.indirect_vreg.gather [hbm4b:s26+s3], $0x80, v3, vm0, $0xb8;
	[tilespmem:$0x10800] =	vst v63  }
0xc5: {  	_ = 	snop  }
0xc6: {  	[tilespmem:s15], [sflag:$0x1] =	stream.indirect_vreg.gather [hbm4b:s5+s3], $0x80, v3, vm0, $0xb8;
	[tilespmem:$0x10800] =	vst v63  }
0xc7: {  	_ = 	snop  }
0xc8: {  	[tilespmem:s16], [sflag:$0x1] =	stream.indirect_vreg.gather [hbm4b:s6+s3], $0x80, v3, vm0, $0xb8;
	[tilespmem:$0x10800] =	vst v63  }
0xc9: {  	_ = 	snop  }
0xca: {  	[tilespmem:s21], [sflag:$0x1] =	stream.indirect_vreg.gather [hbm4b:s7+s3], $0x80, v3, vm0, $0xb8;
	[tilespmem:$0x10800] =	vst v63  }
0xcb: {  	_ =	swait.ge [sflag:s28], $0x8000  }
0xcc: {  	[sflag:s28] =	ssyncset.done $0x0  }
0xcd: {  	[sflag:s28] =	ssyncadd.s32 $0xFFFF8000  }
0xce: {  	v3 =	vld [tilespmem:$0x480];
	_ =	sdelay $0x4  }
0xcf: {  	v40 =	vshll.u32 v3, $0x3  }
0xd0: {  	v3 =	vand.u32 $0x7, v3;
	v4 =	vand.u32 $0xFFFFFFC0, v40  }
0xd1: {  	v3 =	vor.u32 v3, v4  }
0xd2: {  	v4 =	vperm.xlane v3, v0;
	_ =	sdelay $0x1  }
0xd3: {  	v4 =	vadd.s32 v1, v4;
	_ =	sdelay $0x3  }
0xd4: {  	s18 =	simm.s32 $0x8800  }
0xd5: {  	[hbm4b:s4+s3] =	stream.indirect_vreg.scatter [tilespmem:s18], [sflag:$0x4], $0x80, v4, vm0, $0xb8;
	[tilespmem:$0x10800] =	vst v63  }
0xd6: {  	s0 =	simm.s32 $0x9000;
	v3 =	vperm.xlane v3, v2  }
0xd7: {  	[hbm4b:s8+s3] =	stream.indirect_vreg.scatter [tilespmem:s0], [sflag:$0x4], $0x80, v4, vm0, $0xb8;
	[tilespmem:$0x10800] =	vst v63  }
0xd8: {  	s23 =	simm.s32 $0x9800;
	v3 =	vadd.s32 v1, v3  }
0xd9: {  	[hbm4b:s9+s3] =	stream.indirect_vreg.scatter [tilespmem:s23], [sflag:$0x4], $0x80, v4, vm0, $0xb8;
	[tilespmem:$0x10800] =	vst v63  }
0xda: {  	s1 =	simm.s32 $0xA000  }
0xdb: {  	[hbm4b:s10+s3] =	stream.indirect_vreg.scatter [tilespmem:s1], [sflag:$0x4], $0x80, v4, vm0, $0xb8;
	[tilespmem:$0x10800] =	vst v63  }
0xdc: {  	s24 =	simm.s32 $0xA800  }
0xdd: {  	[hbm4b:s4+s3] =	stream.indirect_vreg.scatter [tilespmem:s24], [sflag:$0x4], $0x80, v3, vm0, $0xb8;
	[tilespmem:$0x10800] =	vst v63  }
0xde: {  	s12 =	simm.s32 $0xB000  }
0xdf: {  	[hbm4b:s8+s3] =	stream.indirect_vreg.scatter [tilespmem:s12], [sflag:$0x4], $0x80, v3, vm0, $0xb8;
	[tilespmem:$0x10800] =	vst v63  }
0xe0: {  	s20 =	simm.s32 $0xB800  }
0xe1: {  	[hbm4b:s9+s3] =	stream.indirect_vreg.scatter [tilespmem:s20], [sflag:$0x4], $0x80, v3, vm0, $0xb8;
	[tilespmem:$0x10800] =	vst v63  }
0xe2: {  	s22 =	simm.s32 $0xC000  }
0xe3: {  	[hbm4b:s10+s3] =	stream.indirect_vreg.scatter [tilespmem:s22], [sflag:$0x4], $0x80, v3, vm0, $0xb8;
	[tilespmem:$0x10800] =	vst v63  }
0xe4: {  	v3 =	vld [tilespmem:$0x490];
	_ =	sdelay $0x4  }
0xe5: {  	v41 =	vshll.u32 v3, $0x3  }
0xe6: {  	v3 =	vand.u32 $0x7, v3;
	v4 =	vand.u32 $0xFFFFFFC0, v41  }
0xe7: {  	v3 =	vor.u32 v3, v4  }
0xe8: {  	v4 =	vperm.xlane v3, v0;
	_ =	sdelay $0x1  }
0xe9: {  	v4 =	vadd.s32 v1, v4;
	_ =	sdelay $0x3  }
0xea: {  	s21 =	simm.s32 $0xC800  }
0xeb: {  	[hbm4b:s4+s3] =	stream.indirect_vreg.scatter [tilespmem:s21], [sflag:$0x4], $0x80, v4, vm0, $0xb8;
	[tilespmem:$0x10800] =	vst v63  }
0xec: {  	s14 =	simm.s32 $0xD000;
	v3 =	vperm.xlane v3, v2  }
0xed: {  	[hbm4b:s8+s3] =	stream.indirect_vreg.scatter [tilespmem:s14], [sflag:$0x4], $0x80, v4, vm0, $0xb8;
	[tilespmem:$0x10800] =	vst v63  }
0xee: {  	s13 =	simm.s32 $0xD800;
	v3 =	vadd.s32 v1, v3  }
0xef: {  	[hbm4b:s9+s3] =	stream.indirect_vreg.scatter [tilespmem:s13], [sflag:$0x4], $0x80, v4, vm0, $0xb8;
	[tilespmem:$0x10800] =	vst v63  }
0xf0: {  	s16 =	simm.s32 $0xE000  }
0xf1: {  	[hbm4b:s10+s3] =	stream.indirect_vreg.scatter [tilespmem:s16], [sflag:$0x4], $0x80, v4, vm0, $0xb8;
	[tilespmem:$0x10800] =	vst v63  }
0xf2: {  	s15 =	simm.s32 $0xE800  }
0xf3: {  	[hbm4b:s4+s3] =	stream.indirect_vreg.scatter [tilespmem:s15], [sflag:$0x4], $0x80, v3, vm0, $0xb8;
	[tilespmem:$0x10800] =	vst v63  }
0xf4: {  	s17 =	simm.s32 $0xF000  }
0xf5: {  	[hbm4b:s8+s3] =	stream.indirect_vreg.scatter [tilespmem:s17], [sflag:$0x4], $0x80, v3, vm0, $0xb8;
	[tilespmem:$0x10800] =	vst v63  }
0xf6: {  	s2 =	simm.s32 $0xF800  }
0xf7: {  	[hbm4b:s9+s3] =	stream.indirect_vreg.scatter [tilespmem:s2], [sflag:$0x4], $0x80, v3, vm0, $0xb8;
	[tilespmem:$0x10800] =	vst v63  }
0xf8: {  	s11 =	simm.s32 $0x10000  }
0xf9: {  	[hbm4b:s10+s3] =	stream.indirect_vreg.scatter [tilespmem:s11], [sflag:$0x4], $0x80, v3, vm0, $0xb8;
	[tilespmem:$0x10800] =	vst v63  }
0xfa: {  	_ =	swait.ge [sflag:s25], $0x8000  }
0xfb: {  	[sflag:s25] =	ssyncset.done $0x0  }
0xfc: {  	[sflag:s25] =	ssyncadd.s32 $0xFFFF8000  }
0xfd: {  	v3 =	vld [tilespmem:$0x180];
	_ =	sdelay $0x4  }
0xfe: {  	v42 =	vshll.u32 v3, $0x3  }
0xff: {  	v3 =	vand.u32 $0x7, v3;
	v4 =	vand.u32 $0xFFFFFFC0, v42  }
0x100: {  	v3 =	vor.u32 v3, v4  }
0x101: {  	v4 =	vperm.xlane v3, v0;
	_ =	sdelay $0x1  }
0x102: {  	v4 =	vadd.s32 v1, v4;
	_ =	sdelay $0x4  }
0x103: {  	[tilespmem:s18], [sflag:$0x2] =	stream.indirect_vreg.gather [hbm4b:s26+s3], $0x80, v4, vm0, $0xb8;
	[tilespmem:$0x10800] =	vst v63  }
0x104: {  	v3 =	vperm.xlane v3, v2  }
0x105: {  	[tilespmem:s0], [sflag:$0x2] =	stream.indirect_vreg.gather [hbm4b:s5+s3], $0x80, v4, vm0, $0xb8;
	[tilespmem:$0x10800] =	vst v63  }
0x106: {  	v3 =	vadd.s32 v1, v3  }
0x107: {  	[tilespmem:s23], [sflag:$0x2] =	stream.indirect_vreg.gather [hbm4b:s6+s3], $0x80, v4, vm0, $0xb8;
	[tilespmem:$0x10800] =	vst v63  }
0x108: {  	_ = 	snop  }
0x109: {  	[tilespmem:s1], [sflag:$0x2] =	stream.indirect_vreg.gather [hbm4b:s7+s3], $0x80, v4, vm0, $0xb8;
	[tilespmem:$0x10800] =	vst v63  }
0x10a: {  	_ = 	snop  }
0x10b: {  	[tilespmem:s24], [sflag:$0x2] =	stream.indirect_vreg.gather [hbm4b:s26+s3], $0x80, v3, vm0, $0xb8;
	[tilespmem:$0x10800] =	vst v63  }
0x10c: {  	_ = 	snop  }
0x10d: {  	[tilespmem:s12], [sflag:$0x2] =	stream.indirect_vreg.gather [hbm4b:s5+s3], $0x80, v3, vm0, $0xb8;
	[tilespmem:$0x10800] =	vst v63  }
0x10e: {  	_ = 	snop  }
0x10f: {  	[tilespmem:s20], [sflag:$0x2] =	stream.indirect_vreg.gather [hbm4b:s6+s3], $0x80, v3, vm0, $0xb8;
	[tilespmem:$0x10800] =	vst v63  }
0x110: {  	_ = 	snop  }
0x111: {  	[tilespmem:s22], [sflag:$0x2] =	stream.indirect_vreg.gather [hbm4b:s7+s3], $0x80, v3, vm0, $0xb8;
	[tilespmem:$0x10800] =	vst v63  }
0x112: {  	v3 =	vld [tilespmem:$0x190];
	_ =	sdelay $0x4  }
0x113: {  	v43 =	vshll.u32 v3, $0x3  }
0x114: {  	v3 =	vand.u32 $0x7, v3;
	v4 =	vand.u32 $0xFFFFFFC0, v43  }
0x115: {  	v3 =	vor.u32 v3, v4  }
0x116: {  	v4 =	vperm.xlane v3, v0;
	_ =	sdelay $0x1  }
0x117: {  	v4 =	vadd.s32 v1, v4;
	_ =	sdelay $0x4  }
0x118: {  	[tilespmem:s21], [sflag:$0x2] =	stream.indirect_vreg.gather [hbm4b:s26+s3], $0x80, v4, vm0, $0xb8;
	[tilespmem:$0x10800] =	vst v63  }
0x119: {  	v3 =	vperm.xlane v3, v2  }
0x11a: {  	[tilespmem:s14], [sflag:$0x2] =	stream.indirect_vreg.gather [hbm4b:s5+s3], $0x80, v4, vm0, $0xb8;
	[tilespmem:$0x10800] =	vst v63  }
0x11b: {  	v3 =	vadd.s32 v1, v3  }
0x11c: {  	[tilespmem:s13], [sflag:$0x2] =	stream.indirect_vreg.gather [hbm4b:s6+s3], $0x80, v4, vm0, $0xb8;
	[tilespmem:$0x10800] =	vst v63  }
0x11d: {  	_ = 	snop  }
0x11e: {  	[tilespmem:s16], [sflag:$0x2] =	stream.indirect_vreg.gather [hbm4b:s7+s3], $0x80, v4, vm0, $0xb8;
	[tilespmem:$0x10800] =	vst v63  }
0x11f: {  	_ = 	snop  }
0x120: {  	[tilespmem:s15], [sflag:$0x2] =	stream.indirect_vreg.gather [hbm4b:s26+s3], $0x80, v3, vm0, $0xb8;
	[tilespmem:$0x10800] =	vst v63  }
0x121: {  	_ = 	snop  }
0x122: {  	[tilespmem:s17], [sflag:$0x2] =	stream.indirect_vreg.gather [hbm4b:s5+s3], $0x80, v3, vm0, $0xb8;
	[tilespmem:$0x10800] =	vst v63  }
0x123: {  	_ = 	snop  }
0x124: {  	[tilespmem:s2], [sflag:$0x2] =	stream.indirect_vreg.gather [hbm4b:s6+s3], $0x80, v3, vm0, $0xb8;
	[tilespmem:$0x10800] =	vst v63  }
0x125: {  	_ = 	snop  }
0x126: {  	[tilespmem:s11], [sflag:$0x2] =	stream.indirect_vreg.gather [hbm4b:s7+s3], $0x80, v3, vm0, $0xb8;
	[tilespmem:$0x10800] =	vst v63  }
0x127: {  	_ =	swait.ge [sflag:s29], $0x8000  }
0x128: {  	[sflag:s29] =	ssyncset.done $0x0  }
0x129: {  	[sflag:s29] =	ssyncadd.s32 $0xFFFF8000  }
0x12a: {  	v3 =	vld [tilespmem:$0x500];
	_ =	sdelay $0x4  }
0x12b: {  	v44 =	vshll.u32 v3, $0x3  }
0x12c: {  	v3 =	vand.u32 $0x7, v3;
	v4 =	vand.u32 $0xFFFFFFC0, v44  }
0x12d: {  	v3 =	vor.u32 v3, v4  }
0x12e: {  	v4 =	vperm.xlane v3, v0;
	_ =	sdelay $0x1  }
0x12f: {  	v4 =	vadd.s32 v1, v4;
	_ =	sdelay $0x3  }
0x130: {  	s20 =	simm.s32 $0x800  }
0x131: {  	[hbm4b:s4+s3] =	stream.indirect_vreg.scatter [tilespmem:s20], [sflag:$0x3], $0x80, v4, vm0, $0xb8;
	[tilespmem:$0x10800] =	vst v63  }
0x132: {  	s21 =	simm.s32 $0x1000;
	v3 =	vperm.xlane v3, v2  }
0x133: {  	[hbm4b:s8+s3] =	stream.indirect_vreg.scatter [tilespmem:s21], [sflag:$0x3], $0x80, v4, vm0, $0xb8;
	[tilespmem:$0x10800] =	vst v63  }
0x134: {  	v3 =	vadd.s32 v1, v3  }
0x135: {  	[hbm4b:s9+s3] =	stream.indirect_vreg.scatter [tilespmem:s31], [sflag:$0x3], $0x80, v4, vm0, $0xb8;
	[tilespmem:$0x10800] =	vst v63  }
0x136: {  	s22 =	simm.s32 $0x2000  }
0x137: {  	[hbm4b:s10+s3] =	stream.indirect_vreg.scatter [tilespmem:s22], [sflag:$0x3], $0x80, v4, vm0, $0xb8;
	[tilespmem:$0x10800] =	vst v63  }
0x138: {  	s0 =	simm.s32 $0x2800  }
0x139: {  	[hbm4b:s4+s3] =	stream.indirect_vreg.scatter [tilespmem:s0], [sflag:$0x3], $0x80, v3, vm0, $0xb8;
	[tilespmem:$0x10800] =	vst v63  }
0x13a: {  	s16 =	simm.s32 $0x3000  }
0x13b: {  	[hbm4b:s8+s3] =	stream.indirect_vreg.scatter [tilespmem:s16], [sflag:$0x3], $0x80, v3, vm0, $0xb8;
	[tilespmem:$0x10800] =	vst v63  }
0x13c: {  	s18 =	simm.s32 $0x3800  }
0x13d: {  	[hbm4b:s9+s3] =	stream.indirect_vreg.scatter [tilespmem:s18], [sflag:$0x3], $0x80, v3, vm0, $0xb8;
	[tilespmem:$0x10800] =	vst v63  }
0x13e: {  	s19 =	simm.s32 $0x4000  }
0x13f: {  	[hbm4b:s10+s3] =	stream.indirect_vreg.scatter [tilespmem:s19], [sflag:$0x3], $0x80, v3, vm0, $0xb8;
	[tilespmem:$0x10800] =	vst v63  }
0x140: {  	v3 =	vld [tilespmem:$0x510];
	_ =	sdelay $0x4  }
0x141: {  	v45 =	vshll.u32 v3, $0x3  }
0x142: {  	v3 =	vand.u32 $0x7, v3;
	v4 =	vand.u32 $0xFFFFFFC0, v45  }
0x143: {  	v3 =	vor.u32 v3, v4  }
0x144: {  	v4 =	vperm.xlane v3, v0;
	_ =	sdelay $0x1  }
0x145: {  	v4 =	vadd.s32 v1, v4;
	_ =	sdelay $0x3  }
0x146: {  	s1 =	simm.s32 $0x4800  }
0x147: {  	[hbm4b:s4+s3] =	stream.indirect_vreg.scatter [tilespmem:s1], [sflag:$0x3], $0x80, v4, vm0, $0xb8;
	[tilespmem:$0x10800] =	vst v63  }
0x148: {  	s2 =	simm.s32 $0x5000;
	v3 =	vperm.xlane v3, v2  }
0x149: {  	[hbm4b:s8+s3] =	stream.indirect_vreg.scatter [tilespmem:s2], [sflag:$0x3], $0x80, v4, vm0, $0xb8;
	[tilespmem:$0x10800] =	vst v63  }
0x14a: {  	s11 =	simm.s32 $0x5800;
	v3 =	vadd.s32 v1, v3  }
0x14b: {  	[hbm4b:s9+s3] =	stream.indirect_vreg.scatter [tilespmem:s11], [sflag:$0x3], $0x80, v4, vm0, $0xb8;
	[tilespmem:$0x10800] =	vst v63  }
0x14c: {  	s12 =	simm.s32 $0x6000  }
0x14d: {  	[hbm4b:s10+s3] =	stream.indirect_vreg.scatter [tilespmem:s12], [sflag:$0x3], $0x80, v4, vm0, $0xb8;
	[tilespmem:$0x10800] =	vst v63  }
0x14e: {  	s13 =	simm.s32 $0x6800  }
0x14f: {  	[hbm4b:s4+s3] =	stream.indirect_vreg.scatter [tilespmem:s13], [sflag:$0x3], $0x80, v3, vm0, $0xb8;
	[tilespmem:$0x10800] =	vst v63  }
0x150: {  	s14 =	simm.s32 $0x7000  }
0x151: {  	[hbm4b:s8+s3] =	stream.indirect_vreg.scatter [tilespmem:s14], [sflag:$0x3], $0x80, v3, vm0, $0xb8;
	[tilespmem:$0x10800] =	vst v63  }
0x152: {  	s23 =	simm.s32 $0x7800  }
0x153: {  	[hbm4b:s9+s3] =	stream.indirect_vreg.scatter [tilespmem:s23], [sflag:$0x3], $0x80, v3, vm0, $0xb8;
	[tilespmem:$0x10800] =	vst v63  }
0x154: {  	s24 =	simm.s32 $0x8000  }
0x155: {  	[hbm4b:s10+s3] =	stream.indirect_vreg.scatter [tilespmem:s24], [sflag:$0x3], $0x80, v3, vm0, $0xb8;
	[tilespmem:$0x10800] =	vst v63  }
0x156: {  	_ =	swait.ge [sflag:s30], $0x8000  }
0x157: {  	[sflag:s30] =	ssyncset.done $0x0  }
0x158: {  	[sflag:s30] =	ssyncadd.s32 $0xFFFF8000  }
0x159: {  	v3 =	vld [tilespmem:$0x200];
	_ =	sdelay $0x4  }
0x15a: {  	v46 =	vshll.u32 v3, $0x3  }
0x15b: {  	v3 =	vand.u32 $0x7, v3;
	v4 =	vand.u32 $0xFFFFFFC0, v46  }
0x15c: {  	v3 =	vor.u32 v3, v4  }
0x15d: {  	v4 =	vperm.xlane v3, v0;
	_ =	sdelay $0x1  }
0x15e: {  	v4 =	vadd.s32 v1, v4;
	_ =	sdelay $0x4  }
0x15f: {  	[tilespmem:s20], [sflag:$0x1] =	stream.indirect_vreg.gather [hbm4b:s26+s3], $0x80, v4, vm0, $0xb8;
	[tilespmem:$0x10800] =	vst v63  }
0x160: {  	v3 =	vperm.xlane v3, v2  }
0x161: {  	[tilespmem:s21], [sflag:$0x1] =	stream.indirect_vreg.gather [hbm4b:s5+s3], $0x80, v4, vm0, $0xb8;
	[tilespmem:$0x10800] =	vst v63  }
0x162: {  	v3 =	vadd.s32 v1, v3  }
0x163: {  	[tilespmem:s31], [sflag:$0x1] =	stream.indirect_vreg.gather [hbm4b:s6+s3], $0x80, v4, vm0, $0xb8;
	[tilespmem:$0x10800] =	vst v63  }
0x164: {  	_ = 	snop  }
0x165: {  	[tilespmem:s22], [sflag:$0x1] =	stream.indirect_vreg.gather [hbm4b:s7+s3], $0x80, v4, vm0, $0xb8;
	[tilespmem:$0x10800] =	vst v63  }
0x166: {  	_ = 	snop  }
0x167: {  	[tilespmem:s0], [sflag:$0x1] =	stream.indirect_vreg.gather [hbm4b:s26+s3], $0x80, v3, vm0, $0xb8;
	[tilespmem:$0x10800] =	vst v63  }
0x168: {  	_ = 	snop  }
0x169: {  	[tilespmem:s16], [sflag:$0x1] =	stream.indirect_vreg.gather [hbm4b:s5+s3], $0x80, v3, vm0, $0xb8;
	[tilespmem:$0x10800] =	vst v63  }
0x16a: {  	_ = 	snop  }
0x16b: {  	[tilespmem:s18], [sflag:$0x1] =	stream.indirect_vreg.gather [hbm4b:s6+s3], $0x80, v3, vm0, $0xb8;
	[tilespmem:$0x10800] =	vst v63  }
0x16c: {  	_ = 	snop  }
0x16d: {  	[tilespmem:s19], [sflag:$0x1] =	stream.indirect_vreg.gather [hbm4b:s7+s3], $0x80, v3, vm0, $0xb8;
	[tilespmem:$0x10800] =	vst v63  }
0x16e: {  	v3 =	vld [tilespmem:$0x210];
	_ =	sdelay $0x4  }
0x16f: {  	v47 =	vshll.u32 v3, $0x3  }
0x170: {  	v3 =	vand.u32 $0x7, v3;
	v4 =	vand.u32 $0xFFFFFFC0, v47  }
0x171: {  	v3 =	vor.u32 v3, v4  }
0x172: {  	v4 =	vperm.xlane v3, v0;
	_ =	sdelay $0x1  }
0x173: {  	v4 =	vadd.s32 v1, v4;
	_ =	sdelay $0x4  }
0x174: {  	[tilespmem:s1], [sflag:$0x1] =	stream.indirect_vreg.gather [hbm4b:s26+s3], $0x80, v4, vm0, $0xb8;
	[tilespmem:$0x10800] =	vst v63  }
0x175: {  	v3 =	vperm.xlane v3, v2  }
0x176: {  	[tilespmem:s2], [sflag:$0x1] =	stream.indirect_vreg.gather [hbm4b:s5+s3], $0x80, v4, vm0, $0xb8;
	[tilespmem:$0x10800] =	vst v63  }
0x177: {  	v3 =	vadd.s32 v1, v3  }
0x178: {  	[tilespmem:s11], [sflag:$0x1] =	stream.indirect_vreg.gather [hbm4b:s6+s3], $0x80, v4, vm0, $0xb8;
	[tilespmem:$0x10800] =	vst v63  }
0x179: {  	_ = 	snop  }
0x17a: {  	[tilespmem:s12], [sflag:$0x1] =	stream.indirect_vreg.gather [hbm4b:s7+s3], $0x80, v4, vm0, $0xb8;
	[tilespmem:$0x10800] =	vst v63  }
0x17b: {  	_ = 	snop  }
0x17c: {  	[tilespmem:s13], [sflag:$0x1] =	stream.indirect_vreg.gather [hbm4b:s26+s3], $0x80, v3, vm0, $0xb8;
	[tilespmem:$0x10800] =	vst v63  }
0x17d: {  	_ = 	snop  }
0x17e: {  	[tilespmem:s14], [sflag:$0x1] =	stream.indirect_vreg.gather [hbm4b:s5+s3], $0x80, v3, vm0, $0xb8;
	[tilespmem:$0x10800] =	vst v63  }
0x17f: {  	_ = 	snop  }
0x180: {  	[tilespmem:s23], [sflag:$0x1] =	stream.indirect_vreg.gather [hbm4b:s6+s3], $0x80, v3, vm0, $0xb8;
	[tilespmem:$0x10800] =	vst v63  }
0x181: {  	_ = 	snop  }
0x182: {  	[tilespmem:s24], [sflag:$0x1] =	stream.indirect_vreg.gather [hbm4b:s7+s3], $0x80, v3, vm0, $0xb8;
	[tilespmem:$0x10800] =	vst v63  }
0x183: {  	_ =	swait.ge [sflag:s28], $0x8000  }
0x184: {  	[sflag:s28] =	ssyncset.done $0x0  }
0x185: {  	[sflag:s28] =	ssyncadd.s32 $0xFFFF8000  }
0x186: {  	v3 =	vld [tilespmem:$0x580];
	_ =	sdelay $0x4  }
0x187: {  	v48 =	vshll.u32 v3, $0x3  }
0x188: {  	v3 =	vand.u32 $0x7, v3;
	v4 =	vand.u32 $0xFFFFFFC0, v48  }
0x189: {  	v3 =	vor.u32 v3, v4  }
0x18a: {  	v4 =	vperm.xlane v3, v0;
	_ =	sdelay $0x1  }
0x18b: {  	v4 =	vadd.s32 v1, v4;
	_ =	sdelay $0x3  }
0x18c: {  	s1 =	simm.s32 $0x8800  }
0x18d: {  	[hbm4b:s4+s3] =	stream.indirect_vreg.scatter [tilespmem:s1], [sflag:$0x4], $0x80, v4, vm0, $0xb8;
	[tilespmem:$0x10800] =	vst v63  }
0x18e: {  	s14 =	simm.s32 $0x9000;
	v3 =	vperm.xlane v3, v2  }
0x18f: {  	[hbm4b:s8+s3] =	stream.indirect_vreg.scatter [tilespmem:s14], [sflag:$0x4], $0x80, v4, vm0, $0xb8;
	[tilespmem:$0x10800] =	vst v63  }
0x190: {  	s22 =	simm.s32 $0x9800;
	v3 =	vadd.s32 v1, v3  }
0x191: {  	[hbm4b:s9+s3] =	stream.indirect_vreg.scatter [tilespmem:s22], [sflag:$0x4], $0x80, v4, vm0, $0xb8;
	[tilespmem:$0x10800] =	vst v63  }
0x192: {  	s24 =	simm.s32 $0xA000  }
0x193: {  	[hbm4b:s10+s3] =	stream.indirect_vreg.scatter [tilespmem:s24], [sflag:$0x4], $0x80, v4, vm0, $0xb8;
	[tilespmem:$0x10800] =	vst v63  }
0x194: {  	s20 =	simm.s32 $0xA800  }
0x195: {  	[hbm4b:s4+s3] =	stream.indirect_vreg.scatter [tilespmem:s20], [sflag:$0x4], $0x80, v3, vm0, $0xb8;
	[tilespmem:$0x10800] =	vst v63  }
0x196: {  	s19 =	simm.s32 $0xB000  }
0x197: {  	[hbm4b:s8+s3] =	stream.indirect_vreg.scatter [tilespmem:s19], [sflag:$0x4], $0x80, v3, vm0, $0xb8;
	[tilespmem:$0x10800] =	vst v63  }
0x198: {  	s0 =	simm.s32 $0xB800  }
0x199: {  	[hbm4b:s9+s3] =	stream.indirect_vreg.scatter [tilespmem:s0], [sflag:$0x4], $0x80, v3, vm0, $0xb8;
	[tilespmem:$0x10800] =	vst v63  }
0x19a: {  	s16 =	simm.s32 $0xC000  }
0x19b: {  	[hbm4b:s10+s3] =	stream.indirect_vreg.scatter [tilespmem:s16], [sflag:$0x4], $0x80, v3, vm0, $0xb8;
	[tilespmem:$0x10800] =	vst v63  }
0x19c: {  	v3 =	vld [tilespmem:$0x590];
	_ =	sdelay $0x4  }
0x19d: {  	v49 =	vshll.u32 v3, $0x3  }
0x19e: {  	v3 =	vand.u32 $0x7, v3;
	v4 =	vand.u32 $0xFFFFFFC0, v49  }
0x19f: {  	v3 =	vor.u32 v3, v4  }
0x1a0: {  	v4 =	vperm.xlane v3, v0;
	_ =	sdelay $0x1  }
0x1a1: {  	v4 =	vadd.s32 v1, v4;
	_ =	sdelay $0x3  }
0x1a2: {  	s18 =	simm.s32 $0xC800  }
0x1a3: {  	[hbm4b:s4+s3] =	stream.indirect_vreg.scatter [tilespmem:s18], [sflag:$0x4], $0x80, v4, vm0, $0xb8;
	[tilespmem:$0x10800] =	vst v63  }
0x1a4: {  	s17 =	simm.s32 $0xD000;
	v3 =	vperm.xlane v3, v2  }
0x1a5: {  	[hbm4b:s8+s3] =	stream.indirect_vreg.scatter [tilespmem:s17], [sflag:$0x4], $0x80, v4, vm0, $0xb8;
	[tilespmem:$0x10800] =	vst v63  }
0x1a6: {  	s23 =	simm.s32 $0xD800;
	v3 =	vadd.s32 v1, v3  }
0x1a7: {  	[hbm4b:s9+s3] =	stream.indirect_vreg.scatter [tilespmem:s23], [sflag:$0x4], $0x80, v4, vm0, $0xb8;
	[tilespmem:$0x10800] =	vst v63  }
0x1a8: {  	s2 =	simm.s32 $0xE000  }
0x1a9: {  	[hbm4b:s10+s3] =	stream.indirect_vreg.scatter [tilespmem:s2], [sflag:$0x4], $0x80, v4, vm0, $0xb8;
	[tilespmem:$0x10800] =	vst v63  }
0x1aa: {  	s12 =	simm.s32 $0xE800  }
0x1ab: {  	[hbm4b:s4+s3] =	stream.indirect_vreg.scatter [tilespmem:s12], [sflag:$0x4], $0x80, v3, vm0, $0xb8;
	[tilespmem:$0x10800] =	vst v63  }
0x1ac: {  	s11 =	simm.s32 $0xF000  }
0x1ad: {  	[hbm4b:s8+s3] =	stream.indirect_vreg.scatter [tilespmem:s11], [sflag:$0x4], $0x80, v3, vm0, $0xb8;
	[tilespmem:$0x10800] =	vst v63  }
0x1ae: {  	s13 =	simm.s32 $0xF800  }
0x1af: {  	[hbm4b:s9+s3] =	stream.indirect_vreg.scatter [tilespmem:s13], [sflag:$0x4], $0x80, v3, vm0, $0xb8;
	[tilespmem:$0x10800] =	vst v63  }
0x1b0: {  	s21 =	simm.s32 $0x10000  }
0x1b1: {  	[hbm4b:s10+s3] =	stream.indirect_vreg.scatter [tilespmem:s21], [sflag:$0x4], $0x80, v3, vm0, $0xb8;
	[tilespmem:$0x10800] =	vst v63  }
0x1b2: {  	_ =	swait.ge [sflag:s25], $0x8000  }
0x1b3: {  	[sflag:s25] =	ssyncset.done $0x0  }
0x1b4: {  	[sflag:s25] =	ssyncadd.s32 $0xFFFF8000  }
0x1b5: {  	v3 =	vld [tilespmem:$0x280];
	_ =	sdelay $0x4  }
0x1b6: {  	v50 =	vshll.u32 v3, $0x3  }
0x1b7: {  	v3 =	vand.u32 $0x7, v3;
	v4 =	vand.u32 $0xFFFFFFC0, v50  }
0x1b8: {  	v3 =	vor.u32 v3, v4  }
0x1b9: {  	v4 =	vperm.xlane v3, v0;
	_ =	sdelay $0x1  }
0x1ba: {  	v4 =	vadd.s32 v1, v4;
	_ =	sdelay $0x4  }
0x1bb: {  	[tilespmem:s1], [sflag:$0x2] =	stream.indirect_vreg.gather [hbm4b:s26+s3], $0x80, v4, vm0, $0xb8;
	[tilespmem:$0x10800] =	vst v63  }
0x1bc: {  	v3 =	vperm.xlane v3, v2  }
0x1bd: {  	[tilespmem:s14], [sflag:$0x2] =	stream.indirect_vreg.gather [hbm4b:s5+s3], $0x80, v4, vm0, $0xb8;
	[tilespmem:$0x10800] =	vst v63  }
0x1be: {  	v3 =	vadd.s32 v1, v3  }
0x1bf: {  	[tilespmem:s22], [sflag:$0x2] =	stream.indirect_vreg.gather [hbm4b:s6+s3], $0x80, v4, vm0, $0xb8;
	[tilespmem:$0x10800] =	vst v63  }
0x1c0: {  	_ = 	snop  }
0x1c1: {  	[tilespmem:s24], [sflag:$0x2] =	stream.indirect_vreg.gather [hbm4b:s7+s3], $0x80, v4, vm0, $0xb8;
	[tilespmem:$0x10800] =	vst v63  }
0x1c2: {  	_ = 	snop  }
0x1c3: {  	[tilespmem:s20], [sflag:$0x2] =	stream.indirect_vreg.gather [hbm4b:s26+s3], $0x80, v3, vm0, $0xb8;
	[tilespmem:$0x10800] =	vst v63  }
0x1c4: {  	_ = 	snop  }
0x1c5: {  	[tilespmem:s19], [sflag:$0x2] =	stream.indirect_vreg.gather [hbm4b:s5+s3], $0x80, v3, vm0, $0xb8;
	[tilespmem:$0x10800] =	vst v63  }
0x1c6: {  	_ = 	snop  }
0x1c7: {  	[tilespmem:s0], [sflag:$0x2] =	stream.indirect_vreg.gather [hbm4b:s6+s3], $0x80, v3, vm0, $0xb8;
	[tilespmem:$0x10800] =	vst v63  }
0x1c8: {  	_ = 	snop  }
0x1c9: {  	[tilespmem:s16], [sflag:$0x2] =	stream.indirect_vreg.gather [hbm4b:s7+s3], $0x80, v3, vm0, $0xb8;
	[tilespmem:$0x10800] =	vst v63  }
0x1ca: {  	v3 =	vld [tilespmem:$0x290];
	_ =	sdelay $0x4  }
0x1cb: {  	v51 =	vshll.u32 v3, $0x3  }
0x1cc: {  	v3 =	vand.u32 $0x7, v3;
	v4 =	vand.u32 $0xFFFFFFC0, v51  }
0x1cd: {  	v3 =	vor.u32 v3, v4  }
0x1ce: {  	v4 =	vperm.xlane v3, v0;
	_ =	sdelay $0x1  }
0x1cf: {  	v4 =	vadd.s32 v1, v4;
	_ =	sdelay $0x4  }
0x1d0: {  	[tilespmem:s18], [sflag:$0x2] =	stream.indirect_vreg.gather [hbm4b:s26+s3], $0x80, v4, vm0, $0xb8;
	[tilespmem:$0x10800] =	vst v63  }
0x1d1: {  	v3 =	vperm.xlane v3, v2  }
0x1d2: {  	[tilespmem:s17], [sflag:$0x2] =	stream.indirect_vreg.gather [hbm4b:s5+s3], $0x80, v4, vm0, $0xb8;
	[tilespmem:$0x10800] =	vst v63  }
0x1d3: {  	v3 =	vadd.s32 v1, v3  }
0x1d4: {  	[tilespmem:s23], [sflag:$0x2] =	stream.indirect_vreg.gather [hbm4b:s6+s3], $0x80, v4, vm0, $0xb8;
	[tilespmem:$0x10800] =	vst v63  }
0x1d5: {  	_ = 	snop  }
0x1d6: {  	[tilespmem:s2], [sflag:$0x2] =	stream.indirect_vreg.gather [hbm4b:s7+s3], $0x80, v4, vm0, $0xb8;
	[tilespmem:$0x10800] =	vst v63  }
0x1d7: {  	_ = 	snop  }
0x1d8: {  	[tilespmem:s12], [sflag:$0x2] =	stream.indirect_vreg.gather [hbm4b:s26+s3], $0x80, v3, vm0, $0xb8;
	[tilespmem:$0x10800] =	vst v63  }
0x1d9: {  	_ = 	snop  }
0x1da: {  	[tilespmem:s11], [sflag:$0x2] =	stream.indirect_vreg.gather [hbm4b:s5+s3], $0x80, v3, vm0, $0xb8;
	[tilespmem:$0x10800] =	vst v63  }
0x1db: {  	_ = 	snop  }
0x1dc: {  	[tilespmem:s13], [sflag:$0x2] =	stream.indirect_vreg.gather [hbm4b:s6+s3], $0x80, v3, vm0, $0xb8;
	[tilespmem:$0x10800] =	vst v63  }
0x1dd: {  	_ = 	snop  }
0x1de: {  	[tilespmem:s21], [sflag:$0x2] =	stream.indirect_vreg.gather [hbm4b:s7+s3], $0x80, v3, vm0, $0xb8;
	[tilespmem:$0x10800] =	vst v63  }
0x1df: {  	_ =	swait.ge [sflag:s29], $0x8000  }
0x1e0: {  	[sflag:s29] =	ssyncset.done $0x0  }
0x1e1: {  	[sflag:s29] =	ssyncadd.s32 $0xFFFF8000  }
0x1e2: {  	v3 =	vld [tilespmem:$0x600];
	_ =	sdelay $0x4  }
0x1e3: {  	v52 =	vshll.u32 v3, $0x3  }
0x1e4: {  	v3 =	vand.u32 $0x7, v3;
	v4 =	vand.u32 $0xFFFFFFC0, v52  }
0x1e5: {  	v3 =	vor.u32 v3, v4  }
0x1e6: {  	v4 =	vperm.xlane v3, v0;
	_ =	sdelay $0x1  }
0x1e7: {  	v4 =	vadd.s32 v1, v4;
	_ =	sdelay $0x3  }
0x1e8: {  	s20 =	simm.s32 $0x800  }
0x1e9: {  	[hbm4b:s4+s3] =	stream.indirect_vreg.scatter [tilespmem:s20], [sflag:$0x3], $0x80, v4, vm0, $0xb8;
	[tilespmem:$0x10800] =	vst v63  }
0x1ea: {  	s0 =	simm.s32 $0x1000;
	v3 =	vperm.xlane v3, v2  }
0x1eb: {  	[hbm4b:s8+s3] =	stream.indirect_vreg.scatter [tilespmem:s0], [sflag:$0x3], $0x80, v4, vm0, $0xb8;
	[tilespmem:$0x10800] =	vst v63  }
0x1ec: {  	v3 =	vadd.s32 v1, v3  }
0x1ed: {  	[hbm4b:s9+s3] =	stream.indirect_vreg.scatter [tilespmem:s31], [sflag:$0x3], $0x80, v4, vm0, $0xb8;
	[tilespmem:$0x10800] =	vst v63  }
0x1ee: {  	s23 =	simm.s32 $0x2000  }
0x1ef: {  	[hbm4b:s10+s3] =	stream.indirect_vreg.scatter [tilespmem:s23], [sflag:$0x3], $0x80, v4, vm0, $0xb8;
	[tilespmem:$0x10800] =	vst v63  }
0x1f0: {  	s1 =	simm.s32 $0x2800  }
0x1f1: {  	[hbm4b:s4+s3] =	stream.indirect_vreg.scatter [tilespmem:s1], [sflag:$0x3], $0x80, v3, vm0, $0xb8;
	[tilespmem:$0x10800] =	vst v63  }
0x1f2: {  	s2 =	simm.s32 $0x3000  }
0x1f3: {  	[hbm4b:s8+s3] =	stream.indirect_vreg.scatter [tilespmem:s2], [sflag:$0x3], $0x80, v3, vm0, $0xb8;
	[tilespmem:$0x10800] =	vst v63  }
0x1f4: {  	s17 =	simm.s32 $0x3800  }
0x1f5: {  	[hbm4b:s9+s3] =	stream.indirect_vreg.scatter [tilespmem:s17], [sflag:$0x3], $0x80, v3, vm0, $0xb8;
	[tilespmem:$0x10800] =	vst v63  }
0x1f6: {  	s18 =	simm.s32 $0x4000  }
0x1f7: {  	[hbm4b:s10+s3] =	stream.indirect_vreg.scatter [tilespmem:s18], [sflag:$0x3], $0x80, v3, vm0, $0xb8;
	[tilespmem:$0x10800] =	vst v63  }
0x1f8: {  	v3 =	vld [tilespmem:$0x610];
	_ =	sdelay $0x4  }
0x1f9: {  	v53 =	vshll.u32 v3, $0x3  }
0x1fa: {  	v3 =	vand.u32 $0x7, v3;
	v4 =	vand.u32 $0xFFFFFFC0, v53  }
0x1fb: {  	v3 =	vor.u32 v3, v4  }
0x1fc: {  	v4 =	vperm.xlane v3, v0;
	_ =	sdelay $0x1  }
0x1fd: {  	v4 =	vadd.s32 v1, v4;
	_ =	sdelay $0x3  }
0x1fe: {  	s19 =	simm.s32 $0x4800  }
0x1ff: {  	[hbm4b:s4+s3] =	stream.indirect_vreg.scatter [tilespmem:s19], [sflag:$0x3], $0x80, v4, vm0, $0xb8;
	[tilespmem:$0x10800] =	vst v63  }
0x200: {  	s11 =	simm.s32 $0x5000;
	v3 =	vperm.xlane v3, v2  }
0x201: {  	[hbm4b:s8+s3] =	stream.indirect_vreg.scatter [tilespmem:s11], [sflag:$0x3], $0x80, v4, vm0, $0xb8;
	[tilespmem:$0x10800] =	vst v63  }
0x202: {  	s12 =	simm.s32 $0x5800;
	v3 =	vadd.s32 v1, v3  }
0x203: {  	[hbm4b:s9+s3] =	stream.indirect_vreg.scatter [tilespmem:s12], [sflag:$0x3], $0x80, v4, vm0, $0xb8;
	[tilespmem:$0x10800] =	vst v63  }
0x204: {  	s13 =	simm.s32 $0x6000  }
0x205: {  	[hbm4b:s10+s3] =	stream.indirect_vreg.scatter [tilespmem:s13], [sflag:$0x3], $0x80, v4, vm0, $0xb8;
	[tilespmem:$0x10800] =	vst v63  }
0x206: {  	s14 =	simm.s32 $0x6800  }
0x207: {  	[hbm4b:s4+s3] =	stream.indirect_vreg.scatter [tilespmem:s14], [sflag:$0x3], $0x80, v3, vm0, $0xb8;
	[tilespmem:$0x10800] =	vst v63  }
0x208: {  	s15 =	simm.s32 $0x7000  }
0x209: {  	[hbm4b:s8+s3] =	stream.indirect_vreg.scatter [tilespmem:s15], [sflag:$0x3], $0x80, v3, vm0, $0xb8;
	[tilespmem:$0x10800] =	vst v63  }
0x20a: {  	s22 =	simm.s32 $0x7800  }
0x20b: {  	[hbm4b:s9+s3] =	stream.indirect_vreg.scatter [tilespmem:s22], [sflag:$0x3], $0x80, v3, vm0, $0xb8;
	[tilespmem:$0x10800] =	vst v63  }
0x20c: {  	s21 =	simm.s32 $0x8000  }
0x20d: {  	[hbm4b:s10+s3] =	stream.indirect_vreg.scatter [tilespmem:s21], [sflag:$0x3], $0x80, v3, vm0, $0xb8;
	[tilespmem:$0x10800] =	vst v63  }
0x20e: {  	_ =	swait.ge [sflag:s30], $0x8000  }
0x20f: {  	[sflag:s30] =	ssyncset.done $0x0  }
0x210: {  	[sflag:s30] =	ssyncadd.s32 $0xFFFF8000  }
0x211: {  	v3 =	vld [tilespmem:$0x300];
	_ =	sdelay $0x4  }
0x212: {  	v54 =	vshll.u32 v3, $0x3  }
0x213: {  	v3 =	vand.u32 $0x7, v3;
	v4 =	vand.u32 $0xFFFFFFC0, v54  }
0x214: {  	v3 =	vor.u32 v3, v4  }
0x215: {  	v4 =	vperm.xlane v3, v0;
	_ =	sdelay $0x1  }
0x216: {  	v4 =	vadd.s32 v1, v4;
	_ =	sdelay $0x4  }
0x217: {  	[tilespmem:s20], [sflag:$0x1] =	stream.indirect_vreg.gather [hbm4b:s26+s3], $0x80, v4, vm0, $0xb8;
	[tilespmem:$0x10800] =	vst v63  }
0x218: {  	v3 =	vperm.xlane v3, v2  }
0x219: {  	[tilespmem:s0], [sflag:$0x1] =	stream.indirect_vreg.gather [hbm4b:s5+s3], $0x80, v4, vm0, $0xb8;
	[tilespmem:$0x10800] =	vst v63  }
0x21a: {  	v3 =	vadd.s32 v1, v3  }
0x21b: {  	[tilespmem:s31], [sflag:$0x1] =	stream.indirect_vreg.gather [hbm4b:s6+s3], $0x80, v4, vm0, $0xb8;
	[tilespmem:$0x10800] =	vst v63  }
0x21c: {  	_ = 	snop  }
0x21d: {  	[tilespmem:s23], [sflag:$0x1] =	stream.indirect_vreg.gather [hbm4b:s7+s3], $0x80, v4, vm0, $0xb8;
	[tilespmem:$0x10800] =	vst v63  }
0x21e: {  	_ = 	snop  }
0x21f: {  	[tilespmem:s1], [sflag:$0x1] =	stream.indirect_vreg.gather [hbm4b:s26+s3], $0x80, v3, vm0, $0xb8;
	[tilespmem:$0x10800] =	vst v63  }
0x220: {  	_ = 	snop  }
0x221: {  	[tilespmem:s2], [sflag:$0x1] =	stream.indirect_vreg.gather [hbm4b:s5+s3], $0x80, v3, vm0, $0xb8;
	[tilespmem:$0x10800] =	vst v63  }
0x222: {  	_ = 	snop  }
0x223: {  	[tilespmem:s17], [sflag:$0x1] =	stream.indirect_vreg.gather [hbm4b:s6+s3], $0x80, v3, vm0, $0xb8;
	[tilespmem:$0x10800] =	vst v63  }
0x224: {  	_ = 	snop  }
0x225: {  	[tilespmem:s18], [sflag:$0x1] =	stream.indirect_vreg.gather [hbm4b:s7+s3], $0x80, v3, vm0, $0xb8;
	[tilespmem:$0x10800] =	vst v63  }
0x226: {  	v3 =	vld [tilespmem:$0x310];
	_ =	sdelay $0x4  }
0x227: {  	v55 =	vshll.u32 v3, $0x3  }
0x228: {  	v3 =	vand.u32 $0x7, v3;
	v4 =	vand.u32 $0xFFFFFFC0, v55  }
0x229: {  	v3 =	vor.u32 v3, v4  }
0x22a: {  	v4 =	vperm.xlane v3, v0;
	_ =	sdelay $0x1  }
0x22b: {  	v4 =	vadd.s32 v1, v4;
	_ =	sdelay $0x4  }
0x22c: {  	[tilespmem:s19], [sflag:$0x1] =	stream.indirect_vreg.gather [hbm4b:s26+s3], $0x80, v4, vm0, $0xb8;
	[tilespmem:$0x10800] =	vst v63  }
0x22d: {  	v3 =	vperm.xlane v3, v2  }
0x22e: {  	[tilespmem:s11], [sflag:$0x1] =	stream.indirect_vreg.gather [hbm4b:s5+s3], $0x80, v4, vm0, $0xb8;
	[tilespmem:$0x10800] =	vst v63  }
0x22f: {  	v3 =	vadd.s32 v1, v3  }
0x230: {  	[tilespmem:s12], [sflag:$0x1] =	stream.indirect_vreg.gather [hbm4b:s6+s3], $0x80, v4, vm0, $0xb8;
	[tilespmem:$0x10800] =	vst v63  }
0x231: {  	_ = 	snop  }
0x232: {  	[tilespmem:s13], [sflag:$0x1] =	stream.indirect_vreg.gather [hbm4b:s7+s3], $0x80, v4, vm0, $0xb8;
	[tilespmem:$0x10800] =	vst v63  }
0x233: {  	_ = 	snop  }
0x234: {  	[tilespmem:s14], [sflag:$0x1] =	stream.indirect_vreg.gather [hbm4b:s26+s3], $0x80, v3, vm0, $0xb8;
	[tilespmem:$0x10800] =	vst v63  }
0x235: {  	_ = 	snop  }
0x236: {  	[tilespmem:s15], [sflag:$0x1] =	stream.indirect_vreg.gather [hbm4b:s5+s3], $0x80, v3, vm0, $0xb8;
	[tilespmem:$0x10800] =	vst v63  }
0x237: {  	_ = 	snop  }
0x238: {  	[tilespmem:s22], [sflag:$0x1] =	stream.indirect_vreg.gather [hbm4b:s6+s3], $0x80, v3, vm0, $0xb8;
	[tilespmem:$0x10800] =	vst v63  }
0x239: {  	_ = 	snop  }
0x23a: {  	[tilespmem:s21], [sflag:$0x1] =	stream.indirect_vreg.gather [hbm4b:s7+s3], $0x80, v3, vm0, $0xb8;
	[tilespmem:$0x10800] =	vst v63  }
0x23b: {  	_ =	swait.ge [sflag:s28], $0x8000  }
0x23c: {  	[sflag:s28] =	ssyncset.done $0x0  }
0x23d: {  	[sflag:s28] =	ssyncadd.s32 $0xFFFF8000  }
0x23e: {  	v3 =	vld [tilespmem:$0x680];
	_ =	sdelay $0x4  }
0x23f: {  	v56 =	vshll.u32 v3, $0x3  }
0x240: {  	v3 =	vand.u32 $0x7, v3;
	v4 =	vand.u32 $0xFFFFFFC0, v56  }
0x241: {  	v3 =	vor.u32 v3, v4  }
0x242: {  	v4 =	vperm.xlane v3, v0;
	_ =	sdelay $0x1  }
0x243: {  	v4 =	vadd.s32 v1, v4;
	_ =	sdelay $0x3  }
0x244: {  	s14 =	simm.s32 $0x8800  }
0x245: {  	[hbm4b:s4+s3] =	stream.indirect_vreg.scatter [tilespmem:s14], [sflag:$0x4], $0x80, v4, vm0, $0xb8;
	[tilespmem:$0x10800] =	vst v63  }
0x246: {  	s1 =	simm.s32 $0x9000;
	v3 =	vperm.xlane v3, v2  }
0x247: {  	[hbm4b:s8+s3] =	stream.indirect_vreg.scatter [tilespmem:s1], [sflag:$0x4], $0x80, v4, vm0, $0xb8;
	[tilespmem:$0x10800] =	vst v63  }
0x248: {  	s15 =	simm.s32 $0x9800;
	v3 =	vadd.s32 v1, v3  }
0x249: {  	[hbm4b:s9+s3] =	stream.indirect_vreg.scatter [tilespmem:s15], [sflag:$0x4], $0x80, v4, vm0, $0xb8;
	[tilespmem:$0x10800] =	vst v63  }
0x24a: {  	s24 =	simm.s32 $0xA000  }
0x24b: {  	[hbm4b:s10+s3] =	stream.indirect_vreg.scatter [tilespmem:s24], [sflag:$0x4], $0x80, v4, vm0, $0xb8;
	[tilespmem:$0x10800] =	vst v63  }
0x24c: {  	s20 =	simm.s32 $0xA800  }
0x24d: {  	[hbm4b:s4+s3] =	stream.indirect_vreg.scatter [tilespmem:s20], [sflag:$0x4], $0x80, v3, vm0, $0xb8;
	[tilespmem:$0x10800] =	vst v63  }
0x24e: {  	s19 =	simm.s32 $0xB000  }
0x24f: {  	[hbm4b:s8+s3] =	stream.indirect_vreg.scatter [tilespmem:s19], [sflag:$0x4], $0x80, v3, vm0, $0xb8;
	[tilespmem:$0x10800] =	vst v63  }
0x250: {  	s0 =	simm.s32 $0xB800  }
0x251: {  	[hbm4b:s9+s3] =	stream.indirect_vreg.scatter [tilespmem:s0], [sflag:$0x4], $0x80, v3, vm0, $0xb8;
	[tilespmem:$0x10800] =	vst v63  }
0x252: {  	s16 =	simm.s32 $0xC000  }
0x253: {  	[hbm4b:s10+s3] =	stream.indirect_vreg.scatter [tilespmem:s16], [sflag:$0x4], $0x80, v3, vm0, $0xb8;
	[tilespmem:$0x10800] =	vst v63  }
0x254: {  	v3 =	vld [tilespmem:$0x690];
	_ =	sdelay $0x4  }
0x255: {  	v57 =	vshll.u32 v3, $0x3  }
0x256: {  	v3 =	vand.u32 $0x7, v3;
	v4 =	vand.u32 $0xFFFFFFC0, v57  }
0x257: {  	v3 =	vor.u32 v3, v4  }
0x258: {  	v4 =	vperm.xlane v3, v0;
	_ =	sdelay $0x1  }
0x259: {  	v4 =	vadd.s32 v1, v4;
	_ =	sdelay $0x3  }
0x25a: {  	s18 =	simm.s32 $0xC800  }
0x25b: {  	[hbm4b:s4+s3] =	stream.indirect_vreg.scatter [tilespmem:s18], [sflag:$0x4], $0x80, v4, vm0, $0xb8;
	[tilespmem:$0x10800] =	vst v63  }
0x25c: {  	s17 =	simm.s32 $0xD000;
	v3 =	vperm.xlane v3, v2  }
0x25d: {  	[hbm4b:s8+s3] =	stream.indirect_vreg.scatter [tilespmem:s17], [sflag:$0x4], $0x80, v4, vm0, $0xb8;
	[tilespmem:$0x10800] =	vst v63  }
0x25e: {  	s21 =	simm.s32 $0xD800;
	v3 =	vadd.s32 v1, v3  }
0x25f: {  	[hbm4b:s9+s3] =	stream.indirect_vreg.scatter [tilespmem:s21], [sflag:$0x4], $0x80, v4, vm0, $0xb8;
	[tilespmem:$0x10800] =	vst v63  }
0x260: {  	s2 =	simm.s32 $0xE000  }
0x261: {  	[hbm4b:s10+s3] =	stream.indirect_vreg.scatter [tilespmem:s2], [sflag:$0x4], $0x80, v4, vm0, $0xb8;
	[tilespmem:$0x10800] =	vst v63  }
0x262: {  	s12 =	simm.s32 $0xE800  }
0x263: {  	[hbm4b:s4+s3] =	stream.indirect_vreg.scatter [tilespmem:s12], [sflag:$0x4], $0x80, v3, vm0, $0xb8;
	[tilespmem:$0x10800] =	vst v63  }
0x264: {  	s11 =	simm.s32 $0xF000  }
0x265: {  	[hbm4b:s8+s3] =	stream.indirect_vreg.scatter [tilespmem:s11], [sflag:$0x4], $0x80, v3, vm0, $0xb8;
	[tilespmem:$0x10800] =	vst v63  }
0x266: {  	s13 =	simm.s32 $0xF800  }
0x267: {  	[hbm4b:s9+s3] =	stream.indirect_vreg.scatter [tilespmem:s13], [sflag:$0x4], $0x80, v3, vm0, $0xb8;
	[tilespmem:$0x10800] =	vst v63  }
0x268: {  	s22 =	simm.s32 $0x10000  }
0x269: {  	[hbm4b:s10+s3] =	stream.indirect_vreg.scatter [tilespmem:s22], [sflag:$0x4], $0x80, v3, vm0, $0xb8;
	[tilespmem:$0x10800] =	vst v63  }
0x26a: {  	_ =	swait.ge [sflag:s25], $0x8000  }
0x26b: {  	[sflag:s25] =	ssyncset.done $0x0  }
0x26c: {  	[sflag:s25] =	ssyncadd.s32 $0xFFFF8000  }
0x26d: {  	v3 =	vld [tilespmem:$0x380];
	_ =	sdelay $0x4  }
0x26e: {  	v58 =	vshll.u32 v3, $0x3  }
0x26f: {  	v3 =	vand.u32 $0x7, v3;
	v4 =	vand.u32 $0xFFFFFFC0, v58  }
0x270: {  	v3 =	vor.u32 v3, v4  }
0x271: {  	v4 =	vperm.xlane v3, v0;
	_ =	sdelay $0x1  }
0x272: {  	v4 =	vadd.s32 v1, v4;
	_ =	sdelay $0x4  }
0x273: {  	[tilespmem:s14], [sflag:$0x2] =	stream.indirect_vreg.gather [hbm4b:s26+s3], $0x80, v4, vm0, $0xb8;
	[tilespmem:$0x10800] =	vst v63  }
0x274: {  	v3 =	vperm.xlane v3, v2  }
0x275: {  	[tilespmem:s1], [sflag:$0x2] =	stream.indirect_vreg.gather [hbm4b:s5+s3], $0x80, v4, vm0, $0xb8;
	[tilespmem:$0x10800] =	vst v63  }
0x276: {  	v3 =	vadd.s32 v1, v3  }
0x277: {  	[tilespmem:s15], [sflag:$0x2] =	stream.indirect_vreg.gather [hbm4b:s6+s3], $0x80, v4, vm0, $0xb8;
	[tilespmem:$0x10800] =	vst v63  }
0x278: {  	_ = 	snop  }
0x279: {  	[tilespmem:s24], [sflag:$0x2] =	stream.indirect_vreg.gather [hbm4b:s7+s3], $0x80, v4, vm0, $0xb8;
	[tilespmem:$0x10800] =	vst v63  }
0x27a: {  	_ = 	snop  }
0x27b: {  	[tilespmem:s20], [sflag:$0x2] =	stream.indirect_vreg.gather [hbm4b:s26+s3], $0x80, v3, vm0, $0xb8;
	[tilespmem:$0x10800] =	vst v63  }
0x27c: {  	_ = 	snop  }
0x27d: {  	[tilespmem:s19], [sflag:$0x2] =	stream.indirect_vreg.gather [hbm4b:s5+s3], $0x80, v3, vm0, $0xb8;
	[tilespmem:$0x10800] =	vst v63  }
0x27e: {  	_ = 	snop  }
0x27f: {  	[tilespmem:s0], [sflag:$0x2] =	stream.indirect_vreg.gather [hbm4b:s6+s3], $0x80, v3, vm0, $0xb8;
	[tilespmem:$0x10800] =	vst v63  }
0x280: {  	_ = 	snop  }
0x281: {  	[tilespmem:s16], [sflag:$0x2] =	stream.indirect_vreg.gather [hbm4b:s7+s3], $0x80, v3, vm0, $0xb8;
	[tilespmem:$0x10800] =	vst v63  }
0x282: {  	v3 =	vld [tilespmem:$0x390];
	_ =	sdelay $0x4  }
0x283: {  	v59 =	vshll.u32 v3, $0x3  }
0x284: {  	v3 =	vand.u32 $0x7, v3;
	v4 =	vand.u32 $0xFFFFFFC0, v59  }
0x285: {  	v3 =	vor.u32 v3, v4  }
0x286: {  	v4 =	vperm.xlane v3, v0;
	_ =	sdelay $0x1  }
0x287: {  	v4 =	vadd.s32 v1, v4;
	_ =	sdelay $0x4  }
0x288: {  	[tilespmem:s18], [sflag:$0x2] =	stream.indirect_vreg.gather [hbm4b:s26+s3], $0x80, v4, vm0, $0xb8;
	[tilespmem:$0x10800] =	vst v63  }
0x289: {  	v3 =	vperm.xlane v3, v2  }
0x28a: {  	[tilespmem:s17], [sflag:$0x2] =	stream.indirect_vreg.gather [hbm4b:s5+s3], $0x80, v4, vm0, $0xb8;
	[tilespmem:$0x10800] =	vst v63  }
0x28b: {  	v3 =	vadd.s32 v1, v3  }
0x28c: {  	[tilespmem:s21], [sflag:$0x2] =	stream.indirect_vreg.gather [hbm4b:s6+s3], $0x80, v4, vm0, $0xb8;
	[tilespmem:$0x10800] =	vst v63  }
0x28d: {  	_ = 	snop  }
0x28e: {  	[tilespmem:s2], [sflag:$0x2] =	stream.indirect_vreg.gather [hbm4b:s7+s3], $0x80, v4, vm0, $0xb8;
	[tilespmem:$0x10800] =	vst v63  }
0x28f: {  	_ = 	snop  }
0x290: {  	[tilespmem:s12], [sflag:$0x2] =	stream.indirect_vreg.gather [hbm4b:s26+s3], $0x80, v3, vm0, $0xb8;
	[tilespmem:$0x10800] =	vst v63  }
0x291: {  	_ = 	snop  }
0x292: {  	[tilespmem:s11], [sflag:$0x2] =	stream.indirect_vreg.gather [hbm4b:s5+s3], $0x80, v3, vm0, $0xb8;
	[tilespmem:$0x10800] =	vst v63  }
0x293: {  	_ = 	snop  }
0x294: {  	[tilespmem:s13], [sflag:$0x2] =	stream.indirect_vreg.gather [hbm4b:s6+s3], $0x80, v3, vm0, $0xb8;
	[tilespmem:$0x10800] =	vst v63  }
0x295: {  	_ = 	snop  }
0x296: {  	[tilespmem:s22], [sflag:$0x2] =	stream.indirect_vreg.gather [hbm4b:s7+s3], $0x80, v3, vm0, $0xb8;
	[tilespmem:$0x10800] =	vst v63  }
0x297: {  	_ =	swait.ge [sflag:s29], $0x8000  }
0x298: {  	[sflag:s29] =	ssyncset.done $0x0  }
0x299: {  	[sflag:s29] =	ssyncadd.s32 $0xFFFF8000  }
0x29a: {  	v3 =	vld [tilespmem:$0x700];
	_ =	sdelay $0x4  }
0x29b: {  	v60 =	vshll.u32 v3, $0x3  }
0x29c: {  	v3 =	vand.u32 $0x7, v3;
	v4 =	vand.u32 $0xFFFFFFC0, v60  }
0x29d: {  	v3 =	vor.u32 v3, v4  }
0x29e: {  	v4 =	vperm.xlane v3, v0;
	_ =	sdelay $0x1  }
0x29f: {  	v4 =	vadd.s32 v1, v4;
	_ =	sdelay $0x3  }
0x2a0: {  	s29 =	simm.s32 $0x800  }
0x2a1: {  	[hbm4b:s4+s3] =	stream.indirect_vreg.scatter [tilespmem:s29], [sflag:$0x3], $0x80, v4, vm0, $0xb8;
	[tilespmem:$0x10800] =	vst v63  }
0x2a2: {  	v3 =	vperm.xlane v3, v2;
	s29 =	simm.s32 $0x1000  }
0x2a3: {  	[hbm4b:s8+s3] =	stream.indirect_vreg.scatter [tilespmem:s29], [sflag:$0x3], $0x80, v4, vm0, $0xb8;
	[tilespmem:$0x10800] =	vst v63  }
0x2a4: {  	v3 =	vadd.s32 v1, v3  }
0x2a5: {  	[hbm4b:s9+s3] =	stream.indirect_vreg.scatter [tilespmem:s31], [sflag:$0x3], $0x80, v4, vm0, $0xb8;
	[tilespmem:$0x10800] =	vst v63  }
0x2a6: {  	s31 =	simm.s32 $0x2000  }
0x2a7: {  	[hbm4b:s10+s3] =	stream.indirect_vreg.scatter [tilespmem:s31], [sflag:$0x3], $0x80, v4, vm0, $0xb8;
	[tilespmem:$0x10800] =	vst v63  }
0x2a8: {  	s31 =	simm.s32 $0x2800  }
0x2a9: {  	[hbm4b:s4+s3] =	stream.indirect_vreg.scatter [tilespmem:s31], [sflag:$0x3], $0x80, v3, vm0, $0xb8;
	[tilespmem:$0x10800] =	vst v63  }
0x2aa: {  	s23 =	simm.s32 $0x3000  }
0x2ab: {  	[hbm4b:s8+s3] =	stream.indirect_vreg.scatter [tilespmem:s23], [sflag:$0x3], $0x80, v3, vm0, $0xb8;
	[tilespmem:$0x10800] =	vst v63  }
0x2ac: {  	s31 =	simm.s32 $0x3800  }
0x2ad: {  	[hbm4b:s9+s3] =	stream.indirect_vreg.scatter [tilespmem:s31], [sflag:$0x3], $0x80, v3, vm0, $0xb8;
	[tilespmem:$0x10800] =	vst v63  }
0x2ae: {  	s29 =	simm.s32 $0x4000  }
0x2af: {  	[hbm4b:s10+s3] =	stream.indirect_vreg.scatter [tilespmem:s29], [sflag:$0x3], $0x80, v3, vm0, $0xb8;
	[tilespmem:$0x10800] =	vst v63  }
0x2b0: {  	v3 =	vld [tilespmem:$0x710];
	_ =	sdelay $0x4  }
0x2b1: {  	v61 =	vshll.u32 v3, $0x3  }
0x2b2: {  	v3 =	vand.u32 $0x7, v3;
	v4 =	vand.u32 $0xFFFFFFC0, v61  }
0x2b3: {  	v3 =	vor.u32 v3, v4  }
0x2b4: {  	v4 =	vperm.xlane v3, v0;
	_ =	sdelay $0x1  }
0x2b5: {  	v4 =	vadd.s32 v1, v4;
	_ =	sdelay $0x3  }
0x2b6: {  	s31 =	simm.s32 $0x4800  }
0x2b7: {  	[hbm4b:s4+s3] =	stream.indirect_vreg.scatter [tilespmem:s31], [sflag:$0x3], $0x80, v4, vm0, $0xb8;
	[tilespmem:$0x10800] =	vst v63  }
0x2b8: {  	s29 =	simm.s32 $0x5000;
	v3 =	vperm.xlane v3, v2  }
0x2b9: {  	[hbm4b:s8+s3] =	stream.indirect_vreg.scatter [tilespmem:s29], [sflag:$0x3], $0x80, v4, vm0, $0xb8;
	[tilespmem:$0x10800] =	vst v63  }
0x2ba: {  	v3 =	vadd.s32 v1, v3;
	s31 =	simm.s32 $0x5800  }
0x2bb: {  	[hbm4b:s9+s3] =	stream.indirect_vreg.scatter [tilespmem:s31], [sflag:$0x3], $0x80, v4, vm0, $0xb8;
	[tilespmem:$0x10800] =	vst v63  }
0x2bc: {  	s29 =	simm.s32 $0x6000  }
0x2bd: {  	[hbm4b:s10+s3] =	stream.indirect_vreg.scatter [tilespmem:s29], [sflag:$0x3], $0x80, v4, vm0, $0xb8;
	[tilespmem:$0x10800] =	vst v63  }
0x2be: {  	s31 =	simm.s32 $0x6800  }
0x2bf: {  	[hbm4b:s4+s3] =	stream.indirect_vreg.scatter [tilespmem:s31], [sflag:$0x3], $0x80, v3, vm0, $0xb8;
	[tilespmem:$0x10800] =	vst v63  }
0x2c0: {  	s29 =	simm.s32 $0x7000  }
0x2c1: {  	[hbm4b:s8+s3] =	stream.indirect_vreg.scatter [tilespmem:s29], [sflag:$0x3], $0x80, v3, vm0, $0xb8;
	[tilespmem:$0x10800] =	vst v63  }
0x2c2: {  	s31 =	simm.s32 $0x7800  }
0x2c3: {  	[hbm4b:s9+s3] =	stream.indirect_vreg.scatter [tilespmem:s31], [sflag:$0x3], $0x80, v3, vm0, $0xb8;
	[tilespmem:$0x10800] =	vst v63  }
0x2c4: {  	s29 =	simm.s32 $0x8000  }
0x2c5: {  	[hbm4b:s10+s3] =	stream.indirect_vreg.scatter [tilespmem:s29], [sflag:$0x3], $0x80, v3, vm0, $0xb8;
	[tilespmem:$0x10800] =	vst v63  }
0x2c6: {  	_ =	swait.ge [sflag:s30], $0x8000  }
0x2c7: {  	[sflag:s30] =	ssyncset.done $0x0  }
0x2c8: {  	[sflag:s30] =	ssyncadd.s32 $0xFFFF8000  }
0x2c9: {  	_ =	swait.ge [sflag:s28], $0x8000  }
0x2ca: {  	[sflag:s28] =	ssyncset.done $0x0  }
0x2cb: {  	[sflag:s28] =	ssyncadd.s32 $0xFFFF8000  }
0x2cc: {  	v3 =	vld [tilespmem:$0x780];
	_ =	sdelay $0x4  }
0x2cd: {  	v62 =	vshll.u32 v3, $0x3  }
0x2ce: {  	v3 =	vand.u32 $0x7, v3;
	v4 =	vand.u32 $0xFFFFFFC0, v62  }
0x2cf: {  	v3 =	vor.u32 v3, v4  }
0x2d0: {  	v4 =	vperm.xlane v3, v0;
	_ =	sdelay $0x1  }
0x2d1: {  	v4 =	vadd.s32 v1, v4;
	_ =	sdelay $0x3  }
0x2d2: {  	s14 =	simm.s32 $0x8800  }
0x2d3: {  	[hbm4b:s4+s3] =	stream.indirect_vreg.scatter [tilespmem:s14], [sflag:$0x4], $0x80, v4, vm0, $0xb8;
	[tilespmem:$0x10800] =	vst v63  }
0x2d4: {  	s1 =	simm.s32 $0x9000;
	v3 =	vperm.xlane v3, v2  }
0x2d5: {  	[hbm4b:s8+s3] =	stream.indirect_vreg.scatter [tilespmem:s1], [sflag:$0x4], $0x80, v4, vm0, $0xb8;
	[tilespmem:$0x10800] =	vst v63  }
0x2d6: {  	s15 =	simm.s32 $0x9800;
	v3 =	vadd.s32 v1, v3  }
0x2d7: {  	[hbm4b:s9+s3] =	stream.indirect_vreg.scatter [tilespmem:s15], [sflag:$0x4], $0x80, v4, vm0, $0xb8;
	[tilespmem:$0x10800] =	vst v63  }
0x2d8: {  	_ = 	snop  }
0x2d9: {  	[hbm4b:s10+s3] =	stream.indirect_vreg.scatter [tilespmem:s24], [sflag:$0x4], $0x80, v4, vm0, $0xb8;
	[tilespmem:$0x10800] =	vst v63  }
0x2da: {  	s20 =	simm.s32 $0xA800  }
0x2db: {  	[hbm4b:s4+s3] =	stream.indirect_vreg.scatter [tilespmem:s20], [sflag:$0x4], $0x80, v3, vm0, $0xb8;
	[tilespmem:$0x10800] =	vst v63  }
0x2dc: {  	s19 =	simm.s32 $0xB000  }
0x2dd: {  	[hbm4b:s8+s3] =	stream.indirect_vreg.scatter [tilespmem:s19], [sflag:$0x4], $0x80, v3, vm0, $0xb8;
	[tilespmem:$0x10800] =	vst v63  }
0x2de: {  	s0 =	simm.s32 $0xB800  }
0x2df: {  	[hbm4b:s9+s3] =	stream.indirect_vreg.scatter [tilespmem:s0], [sflag:$0x4], $0x80, v3, vm0, $0xb8;
	[tilespmem:$0x10800] =	vst v63  }
0x2e0: {  	s16 =	simm.s32 $0xC000  }
0x2e1: {  	[hbm4b:s10+s3] =	stream.indirect_vreg.scatter [tilespmem:s16], [sflag:$0x4], $0x80, v3, vm0, $0xb8;
	[tilespmem:$0x10800] =	vst v63  }
0x2e2: {  	v3 =	vld [tilespmem:$0x790];
	_ =	sdelay $0x4  }
0x2e3: {  	v63 =	vshll.u32 v3, $0x3  }
0x2e4: {  	v3 =	vand.u32 $0x7, v3;
	v4 =	vand.u32 $0xFFFFFFC0, v63  }
0x2e5: {  	v3 =	vor.u32 v3, v4  }
0x2e6: {  	v4 =	vperm.xlane v3, v0;
	_ =	sdelay $0x1  }
0x2e7: {  	v4 =	vadd.s32 v1, v4;
	_ =	sdelay $0x3  }
0x2e8: {  	s18 =	simm.s32 $0xC800  }
0x2e9: {  	[hbm4b:s4+s3] =	stream.indirect_vreg.scatter [tilespmem:s18], [sflag:$0x4], $0x80, v4, vm0, $0xb8;
	[tilespmem:$0x10800] =	vst v63  }
0x2ea: {  	s17 =	simm.s32 $0xD000;
	v3 =	vperm.xlane v3, v2  }
0x2eb: {  	[hbm4b:s8+s3] =	stream.indirect_vreg.scatter [tilespmem:s17], [sflag:$0x4], $0x80, v4, vm0, $0xb8;
	[tilespmem:$0x10800] =	vst v63  }
0x2ec: {  	s21 =	simm.s32 $0xD800;
	v3 =	vadd.s32 v1, v3  }
0x2ed: {  	[hbm4b:s9+s3] =	stream.indirect_vreg.scatter [tilespmem:s21], [sflag:$0x4], $0x80, v4, vm0, $0xb8;
	[tilespmem:$0x10800] =	vst v63  }
0x2ee: {  	s2 =	simm.s32 $0xE000  }
0x2ef: {  	[hbm4b:s10+s3] =	stream.indirect_vreg.scatter [tilespmem:s2], [sflag:$0x4], $0x80, v4, vm0, $0xb8;
	[tilespmem:$0x10800] =	vst v63  }
0x2f0: {  	s12 =	simm.s32 $0xE800  }
0x2f1: {  	[hbm4b:s4+s3] =	stream.indirect_vreg.scatter [tilespmem:s12], [sflag:$0x4], $0x80, v3, vm0, $0xb8;
	[tilespmem:$0x10800] =	vst v63  }
0x2f2: {  	s11 =	simm.s32 $0xF000;
	s31 =	rddreg [dreg:$0x6]  }
0x2f3: {  	[hbm4b:s8+s3] =	stream.indirect_vreg.scatter [tilespmem:s11], [sflag:$0x4], $0x80, v3, vm0, $0xb8;
	[tilespmem:$0x10800] =	vst v63  }
0x2f4: {  	s13 =	simm.s32 $0xF800;
	p0 =	sne.s32 s31, $0x1  }
0x2f5: {  	[hbm4b:s9+s3] =	stream.indirect_vreg.scatter [tilespmem:s13], [sflag:$0x4], $0x80, v3, vm0, $0xb8;
	[tilespmem:$0x10800] =	vst v63  }
.Ltmp0:
0x2f6: {  	s22 =	simm.s32 $0x10000;
	(pc) =	sbr.rel @p0 .LBB2_1-.Ltmp0, $4  }
0x2f7: {  	[hbm4b:s10+s3] =	stream.indirect_vreg.scatter [tilespmem:s22], [sflag:$0x4], $0x80, v3, vm0, $0xb8;
	[tilespmem:$0x10800] =	vst v63  }
0x2f8: {  	_ =	swait.ge [sflag:s25], $0x8000  }
0x2f9: {  	[sflag:s25] =	ssyncset.done $0x0  }
0x2fa: {  	s1 =	sadd.s32 $0xFFFFFFFF, s31;
	[sflag:s25] =	ssyncadd.s32 $0xFFFF8000  }
0x2fb: {  	_ =	sfence.sel $0x180000  }
0x2fc: {  	[bflag:$0x0] =	sbarrier.arrive $0xFFFF  }
0x2fd: {  	_ =	strace $0x90000047  }
0x2fe: {  	s0 =	stileid.u32;
	[bflag:$0x2] =	sbarrier.arrive $0xFFFF  }
0x2ff: {  	p0 =	sne.s32 s0, $0x0;
	s0 =	rddreg [dreg:$0x2]  }
0x300: {  	s0 =	sadd.s32 @!p0 $0x100000, s0  }
0x301: {  	[sflag:s0] =	ssyncadd.tile.s32 @!p0 $0x1;
	_ =	shalt  }
.Lfunc_end2:
_tile_overlayer_lowered:
.L_overlay_start_2:
0x302: {  	(tag) =	ssettag $0x2  }
0x303: {  	s0 =	rddreg [dreg:$0x0];
	s2 =	stileid.u32  }
0x304: {  	s1 =	rddreg [dreg:$0x1];
	p0 =	sne.s32 s2, $0x0  }
0x305: {  	s3 =	rddreg [dreg:$0x2];
	[bflag:$0x3] =	sbarrier.arrive $0xFFFF;
	s2 =	simm.s32 @!p0 $0x1C05  }
0x306: {  	[timem:s3], [sflag:s2] =	dma.local @!p0 [hbm:s0], s1  }
0x307: {  	s0 =	simm.s32 @!p0 $0x5  }
0x308: {  	_ =	swait.ge @!p0 [sflag:s0], s1  }
0x309: {  	s1 =	ssub.s32 @!p0 $0x0, s1;
	[sflag:s0] =	ssyncset.done @!p0 $0x0  }
0x30a: {  	[sflag:s0] =	ssyncadd.s32 @!p0 s1  }
0x30b: {  	[bflag:$0x3] =	sbarrier.arrive $0xFFFF  }
0x30c: {  	_ =	shalt  }

</sc_bundles>
